<compile_context>
chip_gen: v7x
topology: tpu7x:2x2x1
jax: 0.10.2.dev20260603
libtpu: 0.0.44.dev20260713+nightly
codegen_flags: <defaults>
</compile_context>

<pallas_src>
import functools

import jax
import jax.numpy as jnp
from jax import lax
from jax.experimental import pallas as pl
from jax.experimental.pallas import tpu as pltpu
from jax.experimental.pallas import tpu_sc as plsc

N = 10000
E = 320000
MEM_DIM = 128
E_FEAT = 16
T_DIM = 100

NC = 2
NS = 16
NW = NC * NS
NPAD = 10240
EPW = E // NW
NPW = NPAD // NW
LANES = 16
GCHUNK = 80

_MESH = plsc.VectorSubcoreMesh(core_axis_name="c", subcore_axis_name="s")
_SC_PARAMS = pltpu.CompilerParams(needs_layout_passes=False,
                                  use_tc_tiling_on_sc=False)


def _wid():
    return lax.axis_index("s") * NC + lax.axis_index("c")


def _fill(ref, n, value):
    vec = jnp.full((LANES,), value, dtype=ref.dtype)

    def body(j, _):
        ref[pl.ds(j * LANES, LANES)] = vec
        return 0

    lax.fori_loop(0, n // LANES, body, 0)


_GDN = lax.GatherDimensionNumbers(
    offset_dims=(), collapsed_slice_dims=(0,), start_index_map=(0,))


def _take16(x, idx):
    return lax.gather(x, idx[:, None], dimension_numbers=_GDN,
                      slice_sizes=(1,),
                      mode=lax.GatherScatterMode.PROMISE_IN_BOUNDS)


def _scatter_max(loc_ref, idx, val, active, neg):
    lane = lax.iota(jnp.int32, LANES)
    v = jnp.where(active, val, neg)
    sk, sv = plsc.sort_key_val(idx, v)
    for k in (1, 2, 4, 8):
        rot = (lane + k) & (LANES - 1)
        k_k = _take16(sk, rot)
        v_k = _take16(sv, rot)
        sv = jnp.maximum(sv, jnp.where(sk == k_k, v_k, neg))
    prev = _take16(sk, (lane - 1) & (LANES - 1))
    head = (lane == 0) | (sk != prev)
    cur = plsc.load_gather(loc_ref, [sk])
    new = jnp.maximum(cur, sv)
    plsc.store_scatter(loc_ref, [sk], new, mask=head)


@functools.partial(
    pl.kernel,
    out_type=jax.ShapeDtypeStruct((NW, NPAD), jnp.float32),
    mesh=_MESH,
    compiler_params=_SC_PARAMS,
    scratch_types=[
        pltpu.VMEM((EPW,), jnp.int32),
        pltpu.VMEM((EPW,), jnp.float32),
        pltpu.VMEM((NPAD,), jnp.float32),
    ],
)
def _k_seg_max_ts(dst_hbm, ts_hbm, part_hbm, dst_v, ts_v, loc_v):
    wid = _wid()
    base = wid * EPW
    pltpu.sync_copy(dst_hbm.at[pl.ds(base, EPW)], dst_v)
    pltpu.sync_copy(ts_hbm.at[pl.ds(base, EPW)], ts_v)
    _fill(loc_v, NPAD, -jnp.inf)

    def body(i, _):
        dstv = dst_v[pl.ds(i * LANES, LANES)]
        tsv = ts_v[pl.ds(i * LANES, LANES)]
        _scatter_max(loc_v, dstv, tsv, jnp.ones((LANES,), dtype=jnp.bool_),
                     -jnp.inf)
        return 0

    lax.fori_loop(0, EPW // LANES, body, 0)
    pltpu.sync_copy(loc_v, part_hbm.at[wid])


@functools.partial(
    pl.kernel,
    out_type=jax.ShapeDtypeStruct((NPAD,), jnp.float32),
    mesh=_MESH,
    compiler_params=_SC_PARAMS,
    scratch_types=[
        pltpu.VMEM((NW, NPW), jnp.float32),
        pltpu.VMEM((NPW,), jnp.float32),
    ],
)
def _k_merge_max(part_hbm, maxts_hbm, blk_v, out_v):
    wid = _wid()
    base = wid * NPW
    pltpu.sync_copy(part_hbm.at[:, pl.ds(base, NPW)], blk_v)

    def body(j, _):
        acc = blk_v[0, pl.ds(j * LANES, LANES)]
        for r in range(1, NW):
            acc = jnp.maximum(acc, blk_v[r, pl.ds(j * LANES, LANES)])
        out_v[pl.ds(j * LANES, LANES)] = acc
        return 0

    lax.fori_loop(0, NPW // LANES, body, 0)
    pltpu.sync_copy(out_v, maxts_hbm.at[pl.ds(base, NPW)])


@functools.partial(
    pl.kernel,
    out_type=jax.ShapeDtypeStruct((NW, NPAD), jnp.int32),
    mesh=_MESH,
    compiler_params=_SC_PARAMS,
    scratch_types=[
        pltpu.VMEM((EPW,), jnp.int32),
        pltpu.VMEM((EPW,), jnp.float32),
        pltpu.VMEM((NPAD,), jnp.float32),
        pltpu.VMEM((NPAD,), jnp.int32),
    ],
)
def _k_seg_argmax(dst_hbm, ts_hbm, maxts_hbm, part_hbm, dst_v, ts_v, maxts_v, loc_v):
    wid = _wid()
    base = wid * EPW
    pltpu.sync_copy(dst_hbm.at[pl.ds(base, EPW)], dst_v)
    pltpu.sync_copy(ts_hbm.at[pl.ds(base, EPW)], ts_v)
    pltpu.sync_copy(maxts_hbm, maxts_v)
    _fill(loc_v, NPAD, -1)
    lane = lax.iota(jnp.int32, LANES)

    def body(i, _):
        dstv = dst_v[pl.ds(i * LANES, LANES)]
        tsv = ts_v[pl.ds(i * LANES, LANES)]
        mts = plsc.load_gather(maxts_v, [dstv])
        eidv = base + i * LANES + lane
        _scatter_max(loc_v, dstv, eidv, tsv >= mts, jnp.int32(-1))
        return 0

    lax.fori_loop(0, EPW // LANES, body, 0)
    pltpu.sync_copy(loc_v, part_hbm.at[wid])


@functools.partial(
    pl.kernel,
    out_type=(
        jax.ShapeDtypeStruct((NPAD,), jnp.int32),
        jax.ShapeDtypeStruct((NPAD,), jnp.float32),
        jax.ShapeDtypeStruct((NPAD,), jnp.float32),
        jax.ShapeDtypeStruct((NPAD, MEM_DIM), jnp.float32),
        jax.ShapeDtypeStruct((NPAD, E_FEAT), jnp.float32),
    ),
    mesh=_MESH,
    compiler_params=_SC_PARAMS,
    scratch_types=[
        pltpu.VMEM((NW, NPW), jnp.int32),
        pltpu.VMEM((NPW,), jnp.int32),
        pltpu.VMEM((NPW,), jnp.int32),
        pltpu.VMEM((NPW,), jnp.float32),
        pltpu.VMEM((NPW,), jnp.int32),
        pltpu.VMEM((NPW,), jnp.float32),
        pltpu.VMEM((NPW,), jnp.float32),
        pltpu.VMEM((NPW, MEM_DIM), jnp.float32),
        pltpu.VMEM((NPW, E_FEAT), jnp.float32),
        pltpu.SemaphoreType.DMA,
    ],
)
def _k_gather(part_hbm, src_hbm, ts_hbm, feats_hbm, mem_hbm, lu_hbm,
              best_hbm, tsb_hbm, delta_hbm, memsrc_hbm, featsb_hbm,
              blk_v, safe_v, best_v, tsb_v, srcs_v, lus_v, delta_v,
              memsrc_v, featsb_v, sem):
    wid = _wid()
    base = wid * NPW
    pltpu.sync_copy(part_hbm.at[:, pl.ds(base, NPW)], blk_v)

    def merge(j, _):
        sl = pl.ds(j * LANES, LANES)
        acc = blk_v[0, sl]
        for r in range(1, NW):
            acc = jnp.maximum(acc, blk_v[r, sl])
        best_v[sl] = acc
        safe_v[sl] = jnp.maximum(acc, 0)
        return 0

    lax.fori_loop(0, NPW // LANES, merge, 0)
    pltpu.sync_copy(best_v, best_hbm.at[pl.ds(base, NPW)])

    for c in range(0, NPW, GCHUNK):
        idx = safe_v.at[pl.ds(c, GCHUNK)]
        pltpu.async_copy(ts_hbm.at[idx], tsb_v.at[pl.ds(c, GCHUNK)], sem).wait()
        pltpu.async_copy(src_hbm.at[idx], srcs_v.at[pl.ds(c, GCHUNK)], sem).wait()
        pltpu.async_copy(feats_hbm.at[idx], featsb_v.at[pl.ds(c, GCHUNK)], sem).wait()
    for c in range(0, NPW, GCHUNK):
        idx = srcs_v.at[pl.ds(c, GCHUNK)]
        pltpu.async_copy(mem_hbm.at[idx], memsrc_v.at[pl.ds(c, GCHUNK)], sem).wait()
        pltpu.async_copy(lu_hbm.at[idx], lus_v.at[pl.ds(c, GCHUNK)], sem).wait()

    def dbody(j, _):
        sl = pl.ds(j * LANES, LANES)
        delta_v[sl] = tsb_v[sl] - lus_v[sl]
        return 0

    lax.fori_loop(0, NPW // LANES, dbody, 0)

    pltpu.sync_copy(tsb_v, tsb_hbm.at[pl.ds(base, NPW)])
    pltpu.sync_copy(delta_v, delta_hbm.at[pl.ds(base, NPW)])
    pltpu.sync_copy(memsrc_v, memsrc_hbm.at[pl.ds(base, NPW)])
    pltpu.sync_copy(featsb_v, featsb_hbm.at[pl.ds(base, NPW)])


BLK = 256
GRID = NPAD // BLK
H3 = 3 * MEM_DIM


def _gru_body(mem_ref, memsrc_ref, feats_ref, delta_ref, best_ref, tsb_ref,
              lu_ref, wvec_ref, tb_ref, wa_ref, wb_ref, wc_ref, wd_ref,
              whh_ref, bih_ref, bhh_ref, outm_ref, outt_ref):
    h = mem_ref[...]
    delta = delta_ref[...]
    te = jnp.cos(delta * wvec_ref[...] + tb_ref[...])
    dn = (((1,), (1,)), ((), ()))
    dot = functools.partial(lax.dot_general, dimension_numbers=dn,
                            preferred_element_type=jnp.float32,
                            precision=lax.Precision.HIGHEST)
    gi = (dot(memsrc_ref[...], wa_ref[...]) + dot(h, wb_ref[...])
          + dot(feats_ref[...], wc_ref[...]) + dot(te, wd_ref[...])
          + bih_ref[...])
    gh = dot(h, whh_ref[...]) + bhh_ref[...]
    r = jax.nn.sigmoid(gi[:, 0:MEM_DIM] + gh[:, 0:MEM_DIM])
    z = jax.nn.sigmoid(gi[:, MEM_DIM:2 * MEM_DIM] + gh[:, MEM_DIM:2 * MEM_DIM])
    n = jnp.tanh(gi[:, 2 * MEM_DIM:] + r * gh[:, 2 * MEM_DIM:])
    new = (1.0 - z) * n + z * h
    has = best_ref[...] >= 0
    outm_ref[...] = jnp.where(has, new, h)
    outt_ref[...] = jnp.where(has, tsb_ref[...], lu_ref[...])


def _row_spec(width):
    return pl.BlockSpec((BLK, width), lambda i: (i, 0))


def _full_spec(shape):
    return pl.BlockSpec(shape, lambda i: tuple(0 for _ in shape))


_gru_call = pl.pallas_call(
    _gru_body,
    grid=(GRID,),
    in_specs=[
        _row_spec(MEM_DIM),
        _row_spec(MEM_DIM),
        _row_spec(E_FEAT),
        _row_spec(1),
        _row_spec(1),
        _row_spec(1),
        _row_spec(1),
        _full_spec((1, MEM_DIM)),
        _full_spec((1, MEM_DIM)),
        _full_spec((H3, MEM_DIM)),
        _full_spec((H3, MEM_DIM)),
        _full_spec((H3, E_FEAT)),
        _full_spec((H3, MEM_DIM)),
        _full_spec((H3, MEM_DIM)),
        _full_spec((1, H3)),
        _full_spec((1, H3)),
    ],
    out_specs=[_row_spec(MEM_DIM), _row_spec(1)],
    out_shape=[
        jax.ShapeDtypeStruct((NPAD, MEM_DIM), jnp.float32),
        jax.ShapeDtypeStruct((NPAD, 1), jnp.float32),
    ],
    compiler_params=pltpu.CompilerParams(
        dimension_semantics=("arbitrary",),
    ),
)


def kernel(memory, last_update_t, edge_feats, edge_timestamps, time_w, time_b,
           W_ih, W_hh, b_ih, b_hh, edge_index):
    src = edge_index[0].astype(jnp.int32)
    dst = edge_index[1].astype(jnp.int32)
    ts = edge_timestamps.astype(jnp.float32)

    part_max = _k_seg_max_ts(dst, ts)
    maxts = _k_merge_max(part_max)
    part_best = _k_seg_argmax(dst, ts, maxts)
    best, tsb, delta, memsrc, featsb = _k_gather(
        part_best, src, ts, edge_feats, memory, last_update_t)

    wa = W_ih[:, 0:MEM_DIM]
    wb = W_ih[:, MEM_DIM:2 * MEM_DIM]
    wc = W_ih[:, 2 * MEM_DIM:2 * MEM_DIM + E_FEAT]
    wd = jnp.pad(W_ih[:, 2 * MEM_DIM + E_FEAT:], ((0, 0), (0, MEM_DIM - T_DIM)))
    wvec = jnp.pad(time_w[:, 0], (0, MEM_DIM - T_DIM))[None, :]
    tbvec = jnp.pad(time_b, (0, MEM_DIM - T_DIM))[None, :]
    mem_pad = jnp.pad(memory, ((0, NPAD - N), (0, 0)))
    lu_pad = jnp.pad(last_update_t, (0, NPAD - N))

    out_mem, out_ts = _gru_call(
        mem_pad, memsrc, featsb, delta[:, None], best[:, None], tsb[:, None],
        lu_pad[:, None], wvec, tbvec, wa, wb, wc, wd, W_hh,
        b_ih[None, :], b_hh[None, :])
    return out_mem[:N], out_ts[:N, 0]

# --- scband reference (transcript-rebuilt; emitter-appended) ---
"""Pipeline reference for scband-memory-operation-12240656794124 (READ-ONLY COPY).

The authoritative reference and input builder live on the scoring server;
editing this copy changes nothing except your own understanding.
"""

import jax, jax.numpy as jnp
import numpy as np

N = 10000
E = 320000
MEM_DIM = 128
E_FEAT = 16
T_DIM = 100
MSG_DIM = MEM_DIM + MEM_DIM + E_FEAT + T_DIM


def setup_inputs(seed: int = 0) -> dict:
    key = jax.random.key(seed)
    ks = jax.random.split(key, 10)
    edge_index = jax.random.randint(ks[0], (2, E), 0, N)
    edge_timestamps = jax.random.uniform(ks[1], (E,), dtype=jnp.float32)
    edge_feats = jax.random.normal(ks[2], (E, E_FEAT), dtype=jnp.float32)
    memory = jax.random.normal(ks[3], (N, MEM_DIM), dtype=jnp.float32)
    last_update_t = jax.random.uniform(ks[4], (N,), dtype=jnp.float32)
    # TimeEncode params: w = 1/10**linspace(0,9,dim), b = 0 (as in module __init__)
    time_w = jnp.asarray((1.0 / 10 ** np.linspace(0, 9, T_DIM)).astype(np.float32).reshape(T_DIM, 1))
    time_b = jnp.zeros((T_DIM,), dtype=jnp.float32)
    # GRUCell params (PyTorch layout): W_ih [3H, MSG_DIM], W_hh [3H, H]
    H = MEM_DIM
    s = 1.0 / np.sqrt(H)
    W_ih = jax.random.uniform(ks[5], (3 * H, MSG_DIM), minval=-s, maxval=s, dtype=jnp.float32)
    W_hh = jax.random.uniform(ks[6], (3 * H, H), minval=-s, maxval=s, dtype=jnp.float32)
    b_ih = jax.random.uniform(ks[7], (3 * H,), minval=-s, maxval=s, dtype=jnp.float32)
    b_hh = jax.random.uniform(ks[8], (3 * H,), minval=-s, maxval=s, dtype=jnp.float32)
    return {"memory": memory, "last_update_t": last_update_t, "edge_feats": edge_feats,
            "edge_timestamps": edge_timestamps, "time_w": time_w, "time_b": time_b,
            "W_ih": W_ih, "W_hh": W_hh, "b_ih": b_ih, "b_hh": b_hh, "edge_index": edge_index}


def _gru_cell(x, h, W_ih, W_hh, b_ih, b_hh):
    gi = x @ W_ih.T + b_ih
    gh = h @ W_hh.T + b_hh
    i_r, i_z, i_n = jnp.split(gi, 3, axis=1)
    h_r, h_z, h_n = jnp.split(gh, 3, axis=1)
    r = jax.nn.sigmoid(i_r + h_r)
    z = jax.nn.sigmoid(i_z + h_z)
    n = jnp.tanh(i_n + r * h_n)
    return (1.0 - z) * n + z * h


def reference(memory, last_update_t, edge_feats, edge_timestamps, time_w, time_b, W_ih, W_hh, b_ih, b_hh, edge_index):
    src = edge_index[0]
    dst = edge_index[1]
    # msg_fn_cat: per-edge message = [mem_src, mem_dst, e_feat, TimeEncode(ts_e - ts_src)]
    delta_t = edge_timestamps - last_update_t[src]
    te = jnp.cos(delta_t[:, None] * time_w[:, 0][None, :] + time_b[None, :])
    msg = jnp.concatenate([memory[src], memory[dst], edge_feats, te], axis=1)
    # agg_last: per-destination node, take the message with max edge timestamp
    max_ts = jax.ops.segment_max(edge_timestamps, dst, num_segments=N)
    is_max = edge_timestamps >= max_ts[dst]
    eid = jnp.arange(E)
    best = jax.ops.segment_max(jnp.where(is_max, eid, -1), dst, num_segments=N)
    has = best >= 0
    safe_best = jnp.clip(best, 0, E - 1)
    msg_bar = msg[safe_best]
    # update_memory: GRU(msg_bar, memory), applied only to nodes that received messages
    new_mem = _gru_cell(msg_bar, memory, W_ih, W_hh, b_ih, b_hh)
    out_mem = jnp.where(has[:, None], new_mem, memory)
    out_ts = jnp.where(has, max_ts, last_update_t)
    return out_mem, out_ts

if __name__ == "__main__":
    import jax
    _d = setup_inputs()
    print(jax.jit(kernel)(*tuple(_d.values())))

</pallas_src>

<mosaic_0001>
#map = affine_map<(d0, d1) -> (0, 0)>
#map1 = affine_map<(d0, d1) -> (0)>
module attributes {stable_mosaic.version = 14 : i64} {
  func.func @_k_gather(%arg0: i32, %arg1: i32, %arg2: memref<32x10240xi32, #tpu.memory_space<hbm>>, %arg3: memref<320000xi32, #tpu.memory_space<hbm>>, %arg4: memref<320000xf32, #tpu.memory_space<hbm>>, %arg5: memref<320000x16xf32, #tpu.memory_space<hbm>>, %arg6: memref<10000x128xf32, #tpu.memory_space<hbm>>, %arg7: memref<10000xf32, #tpu.memory_space<hbm>>, %arg8: memref<10240xi32, #tpu.memory_space<hbm>>, %arg9: memref<10240xf32, #tpu.memory_space<hbm>>, %arg10: memref<10240xf32, #tpu.memory_space<hbm>>, %arg11: memref<10240x128xf32, #tpu.memory_space<hbm>>, %arg12: memref<10240x16xf32, #tpu.memory_space<hbm>>, %arg13: memref<32x320xi32, #tpu.memory_space<vmem>>, %arg14: memref<320xi32, #tpu.memory_space<vmem>>, %arg15: memref<320xi32, #tpu.memory_space<vmem>>, %arg16: memref<320xf32, #tpu.memory_space<vmem>>, %arg17: memref<320xi32, #tpu.memory_space<vmem>>, %arg18: memref<320xf32, #tpu.memory_space<vmem>>, %arg19: memref<320xf32, #tpu.memory_space<vmem>>, %arg20: memref<320x128xf32, #tpu.memory_space<vmem>>, %arg21: memref<320x16xf32, #tpu.memory_space<vmem>>, %arg22: memref<!tpu.dma_semaphore, #tpu.memory_space<semaphore_mem>>) attributes {dimension_semantics = [#tpu.dimension_semantics<core_parallel>, #tpu.dimension_semantics<subcore_parallel>], iteration_bounds = array<i64: 2, 16>, scalar_prefetch = 0 : i64, scratch_operands = 10 : i64, tpu.core_type = #tpu.core_type<sc_vector_subcore>, window_params = [{transform_indices = #map}, {transform_indices = #map1}, {transform_indices = #map1}, {transform_indices = #map}, {transform_indices = #map}, {transform_indices = #map1}, {transform_indices = #map1}, {transform_indices = #map1}, {transform_indices = #map1}, {transform_indices = #map}, {transform_indices = #map}]} {
    %mul3A = arith.constant 2 : i32
    %mul3A_0 = arith.muli %arg1, %mul3A : i32
    %add3A = arith.addi %mul3A_0, %arg0 : i32
    %mul3A_1 = arith.constant 320 : i32
    %mul3A_2 = arith.muli %add3A, %mul3A_1 : i32
    "tpu.region"() ({
      %run_scoped3A = tpu.sem_alloc : memref<!tpu.dma_semaphore, #tpu.memory_space<semaphore_mem>>
      %dma_start3A_286 = arith.constant 0 : i32
      %dma_start3A_287 = tpu.memref_slice %arg2[%dma_start3A_286, %mul3A_2] : memref<32x10240xi32, #tpu.memory_space<hbm>> -> memref<32x320xi32, #tpu.memory_space<hbm>>
      %dma_start3A_288 = arith.constant 0 : i32
      %dma_start3A_289 = tpu.memref_slice %arg2[%dma_start3A_288, %mul3A_2] : memref<32x10240xi32, #tpu.memory_space<hbm>> -> memref<32x320xi32, #tpu.memory_space<hbm>>
      tpu.enqueue_dma source(%dma_start3A_289 : memref<32x320xi32, #tpu.memory_space<hbm>>) target(%arg13 : memref<32x320xi32, #tpu.memory_space<vmem>>) target_semaphore(%run_scoped3A : memref<!tpu.dma_semaphore, #tpu.memory_space<semaphore_mem>>)
      %dma_wait3A_290 = arith.constant 0 : i32
      %dma_wait3A_291 = tpu.memref_slice %arg2[%dma_wait3A_290, %mul3A_2] : memref<32x10240xi32, #tpu.memory_space<hbm>> -> memref<32x320xi32, #tpu.memory_space<hbm>>
      %dma_wait3A_292 = arith.constant 0 : i32
      %dma_wait3A_293 = tpu.memref_slice %arg2[%dma_wait3A_292, %mul3A_2] : memref<32x10240xi32, #tpu.memory_space<hbm>> -> memref<32x320xi32, #tpu.memory_space<hbm>>
      tpu.wait_dma2 semaphore(%run_scoped3A : memref<!tpu.dma_semaphore, #tpu.memory_space<semaphore_mem>>) src(%dma_wait3A_293 : memref<32x320xi32, #tpu.memory_space<hbm>>) dst(%arg13 : memref<32x320xi32, #tpu.memory_space<vmem>>)
      tpu.yield
    }) : () -> ()
    %scan3A = arith.constant 0 : i32
    %scan3A_3 = arith.constant 0 : i32
    %scan3A_4 = arith.constant 20 : i32
    %scan3A_5 = arith.addi %scan3A_3, %scan3A_4 : i32
    %scan3A_6 = arith.constant 1 : i32
    %scan3A_7 = scf.for %scan3A_286 = %scan3A_3 to %scan3A_5 step %scan3A_6 iter_args(%scan3A_287 = %scan3A) -> (i32)  : i32 {
      %mul3A_288 = arith.constant 16 : i32
      %mul3A_289 = arith.muli %scan3A_286, %mul3A_288 : i32
      %get3A = arith.constant 0 : i32
      %get3A_290 = arith.index_cast %get3A : i32 to index
      %get3A_291 = arith.index_cast %mul3A_289 : i32 to index
      %get3A_292 = tpu.vector_load %arg13[%get3A_290, %get3A_291] {strides = array<i32>} : memref<32x320xi32, #tpu.memory_space<vmem>>, vector<16xi32>,
      %get3A_293 = arith.constant 1 : i32
      %get3A_294 = arith.index_cast %get3A_293 : i32 to index
      %get3A_295 = arith.index_cast %mul3A_289 : i32 to index
      %get3A_296 = tpu.vector_load %arg13[%get3A_294, %get3A_295] {strides = array<i32>} : memref<32x320xi32, #tpu.memory_space<vmem>>, vector<16xi32>,
      %max3A = arith.maxsi %get3A_292, %get3A_296 : vector<16xi32>
      %get3A_297 = arith.constant 2 : i32
      %get3A_298 = arith.index_cast %get3A_297 : i32 to index
      %get3A_299 = arith.index_cast %mul3A_289 : i32 to index
      %get3A_300 = tpu.vector_load %arg13[%get3A_298, %get3A_299] {strides = array<i32>} : memref<32x320xi32, #tpu.memory_space<vmem>>, vector<16xi32>,
      %max3A_301 = arith.maxsi %max3A, %get3A_300 : vector<16xi32>
      %get3A_302 = arith.constant 3 : i32
      %get3A_303 = arith.index_cast %get3A_302 : i32 to index
      %get3A_304 = arith.index_cast %mul3A_289 : i32 to index
      %get3A_305 = tpu.vector_load %arg13[%get3A_303, %get3A_304] {strides = array<i32>} : memref<32x320xi32, #tpu.memory_space<vmem>>, vector<16xi32>,
      %max3A_306 = arith.maxsi %max3A_301, %get3A_305 : vector<16xi32>
      %get3A_307 = arith.constant 4 : i32
      %get3A_308 = arith.index_cast %get3A_307 : i32 to index
      %get3A_309 = arith.index_cast %mul3A_289 : i32 to index
      %get3A_310 = tpu.vector_load %arg13[%get3A_308, %get3A_309] {strides = array<i32>} : memref<32x320xi32, #tpu.memory_space<vmem>>, vector<16xi32>,
      %max3A_311 = arith.maxsi %max3A_306, %get3A_310 : vector<16xi32>
      %get3A_312 = arith.constant 5 : i32
      %get3A_313 = arith.index_cast %get3A_312 : i32 to index
      %get3A_314 = arith.index_cast %mul3A_289 : i32 to index
      %get3A_315 = tpu.vector_load %arg13[%get3A_313, %get3A_314] {strides = array<i32>} : memref<32x320xi32, #tpu.memory_space<vmem>>, vector<16xi32>,
      %max3A_316 = arith.maxsi %max3A_311, %get3A_315 : vector<16xi32>
      %get3A_317 = arith.constant 6 : i32
      %get3A_318 = arith.index_cast %get3A_317 : i32 to index
      %get3A_319 = arith.index_cast %mul3A_289 : i32 to index
      %get3A_320 = tpu.vector_load %arg13[%get3A_318, %get3A_319] {strides = array<i32>} : memref<32x320xi32, #tpu.memory_space<vmem>>, vector<16xi32>,
      %max3A_321 = arith.maxsi %max3A_316, %get3A_320 : vector<16xi32>
      %get3A_322 = arith.constant 7 : i32
      %get3A_323 = arith.index_cast %get3A_322 : i32 to index
      %get3A_324 = arith.index_cast %mul3A_289 : i32 to index
      %get3A_325 = tpu.vector_load %arg13[%get3A_323, %get3A_324] {strides = array<i32>} : memref<32x320xi32, #tpu.memory_space<vmem>>, vector<16xi32>,
      %max3A_326 = arith.maxsi %max3A_321, %get3A_325 : vector<16xi32>
      %get3A_327 = arith.constant 8 : i32
      %get3A_328 = arith.index_cast %get3A_327 : i32 to index
      %get3A_329 = arith.index_cast %mul3A_289 : i32 to index
      %get3A_330 = tpu.vector_load %arg13[%get3A_328, %get3A_329] {strides = array<i32>} : memref<32x320xi32, #tpu.memory_space<vmem>>, vector<16xi32>,
      %max3A_331 = arith.maxsi %max3A_326, %get3A_330 : vector<16xi32>
      %get3A_332 = arith.constant 9 : i32
      %get3A_333 = arith.index_cast %get3A_332 : i32 to index
      %get3A_334 = arith.index_cast %mul3A_289 : i32 to index
      %get3A_335 = tpu.vector_load %arg13[%get3A_333, %get3A_334] {strides = array<i32>} : memref<32x320xi32, #tpu.memory_space<vmem>>, vector<16xi32>,
      %max3A_336 = arith.maxsi %max3A_331, %get3A_335 : vector<16xi32>
      %get3A_337 = arith.constant 10 : i32
      %get3A_338 = arith.index_cast %get3A_337 : i32 to index
      %get3A_339 = arith.index_cast %mul3A_289 : i32 to index
      %get3A_340 = tpu.vector_load %arg13[%get3A_338, %get3A_339] {strides = array<i32>} : memref<32x320xi32, #tpu.memory_space<vmem>>, vector<16xi32>,
      %max3A_341 = arith.maxsi %max3A_336, %get3A_340 : vector<16xi32>
      %get3A_342 = arith.constant 11 : i32
      %get3A_343 = arith.index_cast %get3A_342 : i32 to index
      %get3A_344 = arith.index_cast %mul3A_289 : i32 to index
      %get3A_345 = tpu.vector_load %arg13[%get3A_343, %get3A_344] {strides = array<i32>} : memref<32x320xi32, #tpu.memory_space<vmem>>, vector<16xi32>,
      %max3A_346 = arith.maxsi %max3A_341, %get3A_345 : vector<16xi32>
      %get3A_347 = arith.constant 12 : i32
      %get3A_348 = arith.index_cast %get3A_347 : i32 to index
      %get3A_349 = arith.index_cast %mul3A_289 : i32 to index
      %get3A_350 = tpu.vector_load %arg13[%get3A_348, %get3A_349] {strides = array<i32>} : memref<32x320xi32, #tpu.memory_space<vmem>>, vector<16xi32>,
      %max3A_351 = arith.maxsi %max3A_346, %get3A_350 : vector<16xi32>
      %get3A_352 = arith.constant 13 : i32
      %get3A_353 = arith.index_cast %get3A_352 : i32 to index
      %get3A_354 = arith.index_cast %mul3A_289 : i32 to index
      %get3A_355 = tpu.vector_load %arg13[%get3A_353, %get3A_354] {strides = array<i32>} : memref<32x320xi32, #tpu.memory_space<vmem>>, vector<16xi32>,
      %max3A_356 = arith.maxsi %max3A_351, %get3A_355 : vector<16xi32>
      %get3A_357 = arith.constant 14 : i32
      %get3A_358 = arith.index_cast %get3A_357 : i32 to index
      %get3A_359 = arith.index_cast %mul3A_289 : i32 to index
      %get3A_360 = tpu.vector_load %arg13[%get3A_358, %get3A_359] {strides = array<i32>} : memref<32x320xi32, #tpu.memory_space<vmem>>, vector<16xi32>,
      %max3A_361 = arith.maxsi %max3A_356, %get3A_360 : vector<16xi32>
      %get3A_362 = arith.constant 15 : i32
      %get3A_363 = arith.index_cast %get3A_362 : i32 to index
      %get3A_364 = arith.index_cast %mul3A_289 : i32 to index
      %get3A_365 = tpu.vector_load %arg13[%get3A_363, %get3A_364] {strides = array<i32>} : memref<32x320xi32, #tpu.memory_space<vmem>>, vector<16xi32>,
      %max3A_366 = arith.maxsi %max3A_361, %get3A_365 : vector<16xi32>
      %get3A_367 = arith.constant 16 : i32
      %get3A_368 = arith.index_cast %get3A_367 : i32 to index
      %get3A_369 = arith.index_cast %mul3A_289 : i32 to index
      %get3A_370 = tpu.vector_load %arg13[%get3A_368, %get3A_369] {strides = array<i32>} : memref<32x320xi32, #tpu.memory_space<vmem>>, vector<16xi32>,
      %max3A_371 = arith.maxsi %max3A_366, %get3A_370 : vector<16xi32>
      %get3A_372 = arith.constant 17 : i32
      %get3A_373 = arith.index_cast %get3A_372 : i32 to index
      %get3A_374 = arith.index_cast %mul3A_289 : i32 to index
      %get3A_375 = tpu.vector_load %arg13[%get3A_373, %get3A_374] {strides = array<i32>} : memref<32x320xi32, #tpu.memory_space<vmem>>, vector<16xi32>,
      %max3A_376 = arith.maxsi %max3A_371, %get3A_375 : vector<16xi32>
      %get3A_377 = arith.constant 18 : i32
      %get3A_378 = arith.index_cast %get3A_377 : i32 to index
      %get3A_379 = arith.index_cast %mul3A_289 : i32 to index
      %get3A_380 = tpu.vector_load %arg13[%get3A_378, %get3A_379] {strides = array<i32>} : memref<32x320xi32, #tpu.memory_space<vmem>>, vector<16xi32>,
      %max3A_381 = arith.maxsi %max3A_376, %get3A_380 : vector<16xi32>
      %get3A_382 = arith.constant 19 : i32
      %get3A_383 = arith.index_cast %get3A_382 : i32 to index
      %get3A_384 = arith.index_cast %mul3A_289 : i32 to index
      %get3A_385 = tpu.vector_load %arg13[%get3A_383, %get3A_384] {strides = array<i32>} : memref<32x320xi32, #tpu.memory_space<vmem>>, vector<16xi32>,
      %max3A_386 = arith.maxsi %max3A_381, %get3A_385 : vector<16xi32>
      %get3A_387 = arith.constant 20 : i32
      %get3A_388 = arith.index_cast %get3A_387 : i32 to index
      %get3A_389 = arith.index_cast %mul3A_289 : i32 to index
      %get3A_390 = tpu.vector_load %arg13[%get3A_388, %get3A_389] {strides = array<i32>} : memref<32x320xi32, #tpu.memory_space<vmem>>, vector<16xi32>,
      %max3A_391 = arith.maxsi %max3A_386, %get3A_390 : vector<16xi32>
      %get3A_392 = arith.constant 21 : i32
      %get3A_393 = arith.index_cast %get3A_392 : i32 to index
      %get3A_394 = arith.index_cast %mul3A_289 : i32 to index
      %get3A_395 = tpu.vector_load %arg13[%get3A_393, %get3A_394] {strides = array<i32>} : memref<32x320xi32, #tpu.memory_space<vmem>>, vector<16xi32>,
      %max3A_396 = arith.maxsi %max3A_391, %get3A_395 : vector<16xi32>
      %get3A_397 = arith.constant 22 : i32
      %get3A_398 = arith.index_cast %get3A_397 : i32 to index
      %get3A_399 = arith.index_cast %mul3A_289 : i32 to index
      %get3A_400 = tpu.vector_load %arg13[%get3A_398, %get3A_399] {strides = array<i32>} : memref<32x320xi32, #tpu.memory_space<vmem>>, vector<16xi32>,
      %max3A_401 = arith.maxsi %max3A_396, %get3A_400 : vector<16xi32>
      %get3A_402 = arith.constant 23 : i32
      %get3A_403 = arith.index_cast %get3A_402 : i32 to index
      %get3A_404 = arith.index_cast %mul3A_289 : i32 to index
      %get3A_405 = tpu.vector_load %arg13[%get3A_403, %get3A_404] {strides = array<i32>} : memref<32x320xi32, #tpu.memory_space<vmem>>, vector<16xi32>,
      %max3A_406 = arith.maxsi %max3A_401, %get3A_405 : vector<16xi32>
      %get3A_407 = arith.constant 24 : i32
      %get3A_408 = arith.index_cast %get3A_407 : i32 to index
      %get3A_409 = arith.index_cast %mul3A_289 : i32 to index
      %get3A_410 = tpu.vector_load %arg13[%get3A_408, %get3A_409] {strides = array<i32>} : memref<32x320xi32, #tpu.memory_space<vmem>>, vector<16xi32>,
      %max3A_411 = arith.maxsi %max3A_406, %get3A_410 : vector<16xi32>
      %get3A_412 = arith.constant 25 : i32
      %get3A_413 = arith.index_cast %get3A_412 : i32 to index
      %get3A_414 = arith.index_cast %mul3A_289 : i32 to index
      %get3A_415 = tpu.vector_load %arg13[%get3A_413, %get3A_414] {strides = array<i32>} : memref<32x320xi32, #tpu.memory_space<vmem>>, vector<16xi32>,
      %max3A_416 = arith.maxsi %max3A_411, %get3A_415 : vector<16xi32>
      %get3A_417 = arith.constant 26 : i32
      %get3A_418 = arith.index_cast %get3A_417 : i32 to index
      %get3A_419 = arith.index_cast %mul3A_289 : i32 to index
      %get3A_420 = tpu.vector_load %arg13[%get3A_418, %get3A_419] {strides = array<i32>} : memref<32x320xi32, #tpu.memory_space<vmem>>, vector<16xi32>,
      %max3A_421 = arith.maxsi %max3A_416, %get3A_420 : vector<16xi32>
      %get3A_422 = arith.constant 27 : i32
      %get3A_423 = arith.index_cast %get3A_422 : i32 to index
      %get3A_424 = arith.index_cast %mul3A_289 : i32 to index
      %get3A_425 = tpu.vector_load %arg13[%get3A_423, %get3A_424] {strides = array<i32>} : memref<32x320xi32, #tpu.memory_space<vmem>>, vector<16xi32>,
      %max3A_426 = arith.maxsi %max3A_421, %get3A_425 : vector<16xi32>
      %get3A_427 = arith.constant 28 : i32
      %get3A_428 = arith.index_cast %get3A_427 : i32 to index
      %get3A_429 = arith.index_cast %mul3A_289 : i32 to index
      %get3A_430 = tpu.vector_load %arg13[%get3A_428, %get3A_429] {strides = array<i32>} : memref<32x320xi32, #tpu.memory_space<vmem>>, vector<16xi32>,
      %max3A_431 = arith.maxsi %max3A_426, %get3A_430 : vector<16xi32>
      %get3A_432 = arith.constant 29 : i32
      %get3A_433 = arith.index_cast %get3A_432 : i32 to index
      %get3A_434 = arith.index_cast %mul3A_289 : i32 to index
      %get3A_435 = tpu.vector_load %arg13[%get3A_433, %get3A_434] {strides = array<i32>} : memref<32x320xi32, #tpu.memory_space<vmem>>, vector<16xi32>,
      %max3A_436 = arith.maxsi %max3A_431, %get3A_435 : vector<16xi32>
      %get3A_437 = arith.constant 30 : i32
      %get3A_438 = arith.index_cast %get3A_437 : i32 to index
      %get3A_439 = arith.index_cast %mul3A_289 : i32 to index
      %get3A_440 = tpu.vector_load %arg13[%get3A_438, %get3A_439] {strides = array<i32>} : memref<32x320xi32, #tpu.memory_space<vmem>>, vector<16xi32>,
      %max3A_441 = arith.maxsi %max3A_436, %get3A_440 : vector<16xi32>
      %get3A_442 = arith.constant 31 : i32
      %get3A_443 = arith.index_cast %get3A_442 : i32 to index
      %get3A_444 = arith.index_cast %mul3A_289 : i32 to index
      %get3A_445 = tpu.vector_load %arg13[%get3A_443, %get3A_444] {strides = array<i32>} : memref<32x320xi32, #tpu.memory_space<vmem>>, vector<16xi32>,
      %max3A_446 = arith.maxsi %max3A_441, %get3A_445 : vector<16xi32>
      %swap3A = arith.index_cast %mul3A_289 : i32 to index
      %swap3A_447 = tpu.vector_load %arg15[%swap3A] {strides = array<i32>} : memref<320xi32, #tpu.memory_space<vmem>>, vector<16xi32>,
      tpu.vector_store %arg15[%swap3A], %max3A_446 {strides = array<i32>} : memref<320xi32, #tpu.memory_space<vmem>>, vector<16xi32>,
      %max3A_448 = arith.constant 0 : i32
      %max3A_449 = vector.broadcast %max3A_448 : i32 to vector<16xi32>
      %max3A_450 = arith.maxsi %max3A_446, %max3A_449 : vector<16xi32>
      %swap3A_451 = arith.index_cast %mul3A_289 : i32 to index
      %swap3A_452 = tpu.vector_load %arg14[%swap3A_451] {strides = array<i32>} : memref<320xi32, #tpu.memory_space<vmem>>, vector<16xi32>,
      tpu.vector_store %arg14[%swap3A_451], %max3A_450 {strides = array<i32>} : memref<320xi32, #tpu.memory_space<vmem>>, vector<16xi32>,
      %scan3A_453 = arith.constant 0 : i32
      scf.yield %scan3A_453 : i32
    }
    %scan3A_8 = arith.constant 20 : i32
    "tpu.region"() ({
      %run_scoped3A = tpu.sem_alloc : memref<!tpu.dma_semaphore, #tpu.memory_space<semaphore_mem>>
      %dma_start3A_286 = tpu.memref_slice %arg8[%mul3A_2] : memref<10240xi32, #tpu.memory_space<hbm>> -> memref<320xi32, #tpu.memory_space<hbm>>
      %dma_start3A_287 = tpu.memref_slice %arg8[%mul3A_2] : memref<10240xi32, #tpu.memory_space<hbm>> -> memref<320xi32, #tpu.memory_space<hbm>>
      tpu.enqueue_dma source(%arg15 : memref<320xi32, #tpu.memory_space<vmem>>) target(%dma_start3A_287 : memref<320xi32, #tpu.memory_space<hbm>>) target_semaphore(%run_scoped3A : memref<!tpu.dma_semaphore, #tpu.memory_space<semaphore_mem>>)
      %dma_wait3A_288 = tpu.memref_slice %arg8[%mul3A_2] : memref<10240xi32, #tpu.memory_space<hbm>> -> memref<320xi32, #tpu.memory_space<hbm>>
      %dma_wait3A_289 = tpu.memref_slice %arg8[%mul3A_2] : memref<10240xi32, #tpu.memory_space<hbm>> -> memref<320xi32, #tpu.memory_space<hbm>>
      tpu.wait_dma2 semaphore(%run_scoped3A : memref<!tpu.dma_semaphore, #tpu.memory_space<semaphore_mem>>) src(%arg15 : memref<320xi32, #tpu.memory_space<vmem>>) dst(%dma_wait3A_289 : memref<320xi32, #tpu.memory_space<hbm>>)
      tpu.yield
    }) : () -> ()
    %dma_start3A = arith.constant 0 : i32
    %dma_start3A_9 = tpu.memref_slice %arg16[%dma_start3A] : memref<320xf32, #tpu.memory_space<vmem>> -> memref<80xf32, #tpu.memory_space<vmem>>
    %dma_start3A_10 = arith.constant 0 : i32
    %dma_start3A_11 = tpu.memref_slice %arg14[%dma_start3A_10] : memref<320xi32, #tpu.memory_space<vmem>> -> memref<80xi32, #tpu.memory_space<vmem>>
    %dma_start3A_12 = arith.constant 0 : i32
    %dma_start3A_13 = tpu.memref_slice %arg4[%dma_start3A_12] : memref<320000xf32, #tpu.memory_space<hbm>> -> memref<320000xf32, #tpu.memory_space<hbm>>
    tpu.enqueue_indirect_dma source(%dma_start3A_13 : memref<320000xf32, #tpu.memory_space<hbm>>) target(%dma_start3A_9 : memref<80xf32, #tpu.memory_space<vmem>>) offsets(%dma_start3A_11 : memref<80xi32, #tpu.memory_space<vmem>>) semaphore(%arg22 : memref<!tpu.dma_semaphore, #tpu.memory_space<semaphore_mem>>)
    %dma_wait3A = arith.constant 0 : i32
    %dma_wait3A_14 = tpu.memref_slice %arg16[%dma_wait3A] : memref<320xf32, #tpu.memory_space<vmem>> -> memref<80xf32, #tpu.memory_space<vmem>>
    %dma_wait3A_15 = arith.constant 0 : i32
    %dma_wait3A_16 = tpu.memref_slice %arg14[%dma_wait3A_15] : memref<320xi32, #tpu.memory_space<vmem>> -> memref<80xi32, #tpu.memory_space<vmem>>
    %dma_wait3A_17 = arith.constant 0 : i32
    %dma_wait3A_18 = tpu.memref_slice %arg4[%dma_wait3A_17] : memref<320000xf32, #tpu.memory_space<hbm>> -> memref<320000xf32, #tpu.memory_space<hbm>>
    tpu.wait_indirect_dma semaphore(%arg22 : memref<!tpu.dma_semaphore, #tpu.memory_space<semaphore_mem>>) src(%dma_wait3A_18 : memref<320000xf32, #tpu.memory_space<hbm>>) dst(%dma_wait3A_14 : memref<80xf32, #tpu.memory_space<vmem>>)
    %dma_start3A_19 = arith.constant 0 : i32
    %dma_start3A_20 = tpu.memref_slice %arg17[%dma_start3A_19] : memref<320xi32, #tpu.memory_space<vmem>> -> memref<80xi32, #tpu.memory_space<vmem>>
    %dma_start3A_21 = arith.constant 0 : i32
    %dma_start3A_22 = tpu.memref_slice %arg14[%dma_start3A_21] : memref<320xi32, #tpu.memory_space<vmem>> -> memref<80xi32, #tpu.memory_space<vmem>>
    %dma_start3A_23 = arith.constant 0 : i32
    %dma_start3A_24 = tpu.memref_slice %arg3[%dma_start3A_23] : memref<320000xi32, #tpu.memory_space<hbm>> -> memref<320000xi32, #tpu.memory_space<hbm>>
    tpu.enqueue_indirect_dma source(%dma_start3A_24 : memref<320000xi32, #tpu.memory_space<hbm>>) target(%dma_start3A_20 : memref<80xi32, #tpu.memory_space<vmem>>) offsets(%dma_start3A_22 : memref<80xi32, #tpu.memory_space<vmem>>) semaphore(%arg22 : memref<!tpu.dma_semaphore, #tpu.memory_space<semaphore_mem>>)
    %dma_wait3A_25 = arith.constant 0 : i32
    %dma_wait3A_26 = tpu.memref_slice %arg17[%dma_wait3A_25] : memref<320xi32, #tpu.memory_space<vmem>> -> memref<80xi32, #tpu.memory_space<vmem>>
    %dma_wait3A_27 = arith.constant 0 : i32
    %dma_wait3A_28 = tpu.memref_slice %arg14[%dma_wait3A_27] : memref<320xi32, #tpu.memory_space<vmem>> -> memref<80xi32, #tpu.memory_space<vmem>>
    %dma_wait3A_29 = arith.constant 0 : i32
    %dma_wait3A_30 = tpu.memref_slice %arg3[%dma_wait3A_29] : memref<320000xi32, #tpu.memory_space<hbm>> -> memref<320000xi32, #tpu.memory_space<hbm>>
    tpu.wait_indirect_dma semaphore(%arg22 : memref<!tpu.dma_semaphore, #tpu.memory_space<semaphore_mem>>) src(%dma_wait3A_30 : memref<320000xi32, #tpu.memory_space<hbm>>) dst(%dma_wait3A_26 : memref<80xi32, #tpu.memory_space<vmem>>)
    %dma_start3A_31 = arith.constant 0 : i32
    %dma_start3A_32 = arith.constant 0 : i32
    %dma_start3A_33 = tpu.memref_slice %arg21[%dma_start3A_31, %dma_start3A_32] : memref<320x16xf32, #tpu.memory_space<vmem>> -> memref<80x16xf32, #tpu.memory_space<vmem>>
    %dma_start3A_34 = arith.constant 0 : i32
    %dma_start3A_35 = tpu.memref_slice %arg14[%dma_start3A_34] : memref<320xi32, #tpu.memory_space<vmem>> -> memref<80xi32, #tpu.memory_space<vmem>>
    %dma_start3A_36 = arith.constant 0 : i32
    %dma_start3A_37 = arith.constant 0 : i32
    %dma_start3A_38 = tpu.memref_slice %arg5[%dma_start3A_36, %dma_start3A_37] : memref<320000x16xf32, #tpu.memory_space<hbm>> -> memref<320000x16xf32, #tpu.memory_space<hbm>>
    tpu.enqueue_indirect_dma source(%dma_start3A_38 : memref<320000x16xf32, #tpu.memory_space<hbm>>) target(%dma_start3A_33 : memref<80x16xf32, #tpu.memory_space<vmem>>) offsets(%dma_start3A_35 : memref<80xi32, #tpu.memory_space<vmem>>) semaphore(%arg22 : memref<!tpu.dma_semaphore, #tpu.memory_space<semaphore_mem>>)
    %dma_wait3A_39 = arith.constant 0 : i32
    %dma_wait3A_40 = arith.constant 0 : i32
    %dma_wait3A_41 = tpu.memref_slice %arg21[%dma_wait3A_39, %dma_wait3A_40] : memref<320x16xf32, #tpu.memory_space<vmem>> -> memref<80x16xf32, #tpu.memory_space<vmem>>
    %dma_wait3A_42 = arith.constant 0 : i32
    %dma_wait3A_43 = tpu.memref_slice %arg14[%dma_wait3A_42] : memref<320xi32, #tpu.memory_space<vmem>> -> memref<80xi32, #tpu.memory_space<vmem>>
    %dma_wait3A_44 = arith.constant 0 : i32
    %dma_wait3A_45 = arith.constant 0 : i32
    %dma_wait3A_46 = tpu.memref_slice %arg5[%dma_wait3A_44, %dma_wait3A_45] : memref<320000x16xf32, #tpu.memory_space<hbm>> -> memref<320000x16xf32, #tpu.memory_space<hbm>>
    tpu.wait_indirect_dma semaphore(%arg22 : memref<!tpu.dma_semaphore, #tpu.memory_space<semaphore_mem>>) src(%dma_wait3A_46 : memref<320000x16xf32, #tpu.memory_space<hbm>>) dst(%dma_wait3A_41 : memref<80x16xf32, #tpu.memory_space<vmem>>)
    %dma_start3A_47 = arith.constant 80 : i32
    %dma_start3A_48 = tpu.memref_slice %arg16[%dma_start3A_47] : memref<320xf32, #tpu.memory_space<vmem>> -> memref<80xf32, #tpu.memory_space<vmem>>
    %dma_start3A_49 = arith.constant 80 : i32
    %dma_start3A_50 = tpu.memref_slice %arg14[%dma_start3A_49] : memref<320xi32, #tpu.memory_space<vmem>> -> memref<80xi32, #tpu.memory_space<vmem>>
    %dma_start3A_51 = arith.constant 0 : i32
    %dma_start3A_52 = tpu.memref_slice %arg4[%dma_start3A_51] : memref<320000xf32, #tpu.memory_space<hbm>> -> memref<320000xf32, #tpu.memory_space<hbm>>
    tpu.enqueue_indirect_dma source(%dma_start3A_52 : memref<320000xf32, #tpu.memory_space<hbm>>) target(%dma_start3A_48 : memref<80xf32, #tpu.memory_space<vmem>>) offsets(%dma_start3A_50 : memref<80xi32, #tpu.memory_space<vmem>>) semaphore(%arg22 : memref<!tpu.dma_semaphore, #tpu.memory_space<semaphore_mem>>)
    %dma_wait3A_53 = arith.constant 80 : i32
    %dma_wait3A_54 = tpu.memref_slice %arg16[%dma_wait3A_53] : memref<320xf32, #tpu.memory_space<vmem>> -> memref<80xf32, #tpu.memory_space<vmem>>
    %dma_wait3A_55 = arith.constant 80 : i32
    %dma_wait3A_56 = tpu.memref_slice %arg14[%dma_wait3A_55] : memref<320xi32, #tpu.memory_space<vmem>> -> memref<80xi32, #tpu.memory_space<vmem>>
    %dma_wait3A_57 = arith.constant 0 : i32
    %dma_wait3A_58 = tpu.memref_slice %arg4[%dma_wait3A_57] : memref<320000xf32, #tpu.memory_space<hbm>> -> memref<320000xf32, #tpu.memory_space<hbm>>
    tpu.wait_indirect_dma semaphore(%arg22 : memref<!tpu.dma_semaphore, #tpu.memory_space<semaphore_mem>>) src(%dma_wait3A_58 : memref<320000xf32, #tpu.memory_space<hbm>>) dst(%dma_wait3A_54 : memref<80xf32, #tpu.memory_space<vmem>>)
    %dma_start3A_59 = arith.constant 80 : i32
    %dma_start3A_60 = tpu.memref_slice %arg17[%dma_start3A_59] : memref<320xi32, #tpu.memory_space<vmem>> -> memref<80xi32, #tpu.memory_space<vmem>>
    %dma_start3A_61 = arith.constant 80 : i32
    %dma_start3A_62 = tpu.memref_slice %arg14[%dma_start3A_61] : memref<320xi32, #tpu.memory_space<vmem>> -> memref<80xi32, #tpu.memory_space<vmem>>
    %dma_start3A_63 = arith.constant 0 : i32
    %dma_start3A_64 = tpu.memref_slice %arg3[%dma_start3A_63] : memref<320000xi32, #tpu.memory_space<hbm>> -> memref<320000xi32, #tpu.memory_space<hbm>>
    tpu.enqueue_indirect_dma source(%dma_start3A_64 : memref<320000xi32, #tpu.memory_space<hbm>>) target(%dma_start3A_60 : memref<80xi32, #tpu.memory_space<vmem>>) offsets(%dma_start3A_62 : memref<80xi32, #tpu.memory_space<vmem>>) semaphore(%arg22 : memref<!tpu.dma_semaphore, #tpu.memory_space<semaphore_mem>>)
    %dma_wait3A_65 = arith.constant 80 : i32
    %dma_wait3A_66 = tpu.memref_slice %arg17[%dma_wait3A_65] : memref<320xi32, #tpu.memory_space<vmem>> -> memref<80xi32, #tpu.memory_space<vmem>>
    %dma_wait3A_67 = arith.constant 80 : i32
    %dma_wait3A_68 = tpu.memref_slice %arg14[%dma_wait3A_67] : memref<320xi32, #tpu.memory_space<vmem>> -> memref<80xi32, #tpu.memory_space<vmem>>
    %dma_wait3A_69 = arith.constant 0 : i32
    %dma_wait3A_70 = tpu.memref_slice %arg3[%dma_wait3A_69] : memref<320000xi32, #tpu.memory_space<hbm>> -> memref<320000xi32, #tpu.memory_space<hbm>>
    tpu.wait_indirect_dma semaphore(%arg22 : memref<!tpu.dma_semaphore, #tpu.memory_space<semaphore_mem>>) src(%dma_wait3A_70 : memref<320000xi32, #tpu.memory_space<hbm>>) dst(%dma_wait3A_66 : memref<80xi32, #tpu.memory_space<vmem>>)
    %dma_start3A_71 = arith.constant 80 : i32
    %dma_start3A_72 = arith.constant 0 : i32
    %dma_start3A_73 = tpu.memref_slice %arg21[%dma_start3A_71, %dma_start3A_72] : memref<320x16xf32, #tpu.memory_space<vmem>> -> memref<80x16xf32, #tpu.memory_space<vmem>>
    %dma_start3A_74 = arith.constant 80 : i32
    %dma_start3A_75 = tpu.memref_slice %arg14[%dma_start3A_74] : memref<320xi32, #tpu.memory_space<vmem>> -> memref<80xi32, #tpu.memory_space<vmem>>
    %dma_start3A_76 = arith.constant 0 : i32
    %dma_start3A_77 = arith.constant 0 : i32
    %dma_start3A_78 = tpu.memref_slice %arg5[%dma_start3A_76, %dma_start3A_77] : memref<320000x16xf32, #tpu.memory_space<hbm>> -> memref<320000x16xf32, #tpu.memory_space<hbm>>
    tpu.enqueue_indirect_dma source(%dma_start3A_78 : memref<320000x16xf32, #tpu.memory_space<hbm>>) target(%dma_start3A_73 : memref<80x16xf32, #tpu.memory_space<vmem>>) offsets(%dma_start3A_75 : memref<80xi32, #tpu.memory_space<vmem>>) semaphore(%arg22 : memref<!tpu.dma_semaphore, #tpu.memory_space<semaphore_mem>>)
    %dma_wait3A_79 = arith.constant 80 : i32
    %dma_wait3A_80 = arith.constant 0 : i32
    %dma_wait3A_81 = tpu.memref_slice %arg21[%dma_wait3A_79, %dma_wait3A_80] : memref<320x16xf32, #tpu.memory_space<vmem>> -> memref<80x16xf32, #tpu.memory_space<vmem>>
    %dma_wait3A_82 = arith.constant 80 : i32
    %dma_wait3A_83 = tpu.memref_slice %arg14[%dma_wait3A_82] : memref<320xi32, #tpu.memory_space<vmem>> -> memref<80xi32, #tpu.memory_space<vmem>>
    %dma_wait3A_84 = arith.constant 0 : i32
    %dma_wait3A_85 = arith.constant 0 : i32
    %dma_wait3A_86 = tpu.memref_slice %arg5[%dma_wait3A_84, %dma_wait3A_85] : memref<320000x16xf32, #tpu.memory_space<hbm>> -> memref<320000x16xf32, #tpu.memory_space<hbm>>
    tpu.wait_indirect_dma semaphore(%arg22 : memref<!tpu.dma_semaphore, #tpu.memory_space<semaphore_mem>>) src(%dma_wait3A_86 : memref<320000x16xf32, #tpu.memory_space<hbm>>) dst(%dma_wait3A_81 : memref<80x16xf32, #tpu.memory_space<vmem>>)
    %dma_start3A_87 = arith.constant 160 : i32
    %dma_start3A_88 = tpu.memref_slice %arg16[%dma_start3A_87] : memref<320xf32, #tpu.memory_space<vmem>> -> memref<80xf32, #tpu.memory_space<vmem>>
    %dma_start3A_89 = arith.constant 160 : i32
    %dma_start3A_90 = tpu.memref_slice %arg14[%dma_start3A_89] : memref<320xi32, #tpu.memory_space<vmem>> -> memref<80xi32, #tpu.memory_space<vmem>>
    %dma_start3A_91 = arith.constant 0 : i32
    %dma_start3A_92 = tpu.memref_slice %arg4[%dma_start3A_91] : memref<320000xf32, #tpu.memory_space<hbm>> -> memref<320000xf32, #tpu.memory_space<hbm>>
    tpu.enqueue_indirect_dma source(%dma_start3A_92 : memref<320000xf32, #tpu.memory_space<hbm>>) target(%dma_start3A_88 : memref<80xf32, #tpu.memory_space<vmem>>) offsets(%dma_start3A_90 : memref<80xi32, #tpu.memory_space<vmem>>) semaphore(%arg22 : memref<!tpu.dma_semaphore, #tpu.memory_space<semaphore_mem>>)
    %dma_wait3A_93 = arith.constant 160 : i32
    %dma_wait3A_94 = tpu.memref_slice %arg16[%dma_wait3A_93] : memref<320xf32, #tpu.memory_space<vmem>> -> memref<80xf32, #tpu.memory_space<vmem>>
    %dma_wait3A_95 = arith.constant 160 : i32
    %dma_wait3A_96 = tpu.memref_slice %arg14[%dma_wait3A_95] : memref<320xi32, #tpu.memory_space<vmem>> -> memref<80xi32, #tpu.memory_space<vmem>>
    %dma_wait3A_97 = arith.constant 0 : i32
    %dma_wait3A_98 = tpu.memref_slice %arg4[%dma_wait3A_97] : memref<320000xf32, #tpu.memory_space<hbm>> -> memref<320000xf32, #tpu.memory_space<hbm>>
    tpu.wait_indirect_dma semaphore(%arg22 : memref<!tpu.dma_semaphore, #tpu.memory_space<semaphore_mem>>) src(%dma_wait3A_98 : memref<320000xf32, #tpu.memory_space<hbm>>) dst(%dma_wait3A_94 : memref<80xf32, #tpu.memory_space<vmem>>)
    %dma_start3A_99 = arith.constant 160 : i32
    %dma_start3A_100 = tpu.memref_slice %arg17[%dma_start3A_99] : memref<320xi32, #tpu.memory_space<vmem>> -> memref<80xi32, #tpu.memory_space<vmem>>
    %dma_start3A_101 = arith.constant 160 : i32
    %dma_start3A_102 = tpu.memref_slice %arg14[%dma_start3A_101] : memref<320xi32, #tpu.memory_space<vmem>> -> memref<80xi32, #tpu.memory_space<vmem>>
    %dma_start3A_103 = arith.constant 0 : i32
    %dma_start3A_104 = tpu.memref_slice %arg3[%dma_start3A_103] : memref<320000xi32, #tpu.memory_space<hbm>> -> memref<320000xi32, #tpu.memory_space<hbm>>
    tpu.enqueue_indirect_dma source(%dma_start3A_104 : memref<320000xi32, #tpu.memory_space<hbm>>) target(%dma_start3A_100 : memref<80xi32, #tpu.memory_space<vmem>>) offsets(%dma_start3A_102 : memref<80xi32, #tpu.memory_space<vmem>>) semaphore(%arg22 : memref<!tpu.dma_semaphore, #tpu.memory_space<semaphore_mem>>)
    %dma_wait3A_105 = arith.constant 160 : i32
    %dma_wait3A_106 = tpu.memref_slice %arg17[%dma_wait3A_105] : memref<320xi32, #tpu.memory_space<vmem>> -> memref<80xi32, #tpu.memory_space<vmem>>
    %dma_wait3A_107 = arith.constant 160 : i32
    %dma_wait3A_108 = tpu.memref_slice %arg14[%dma_wait3A_107] : memref<320xi32, #tpu.memory_space<vmem>> -> memref<80xi32, #tpu.memory_space<vmem>>
    %dma_wait3A_109 = arith.constant 0 : i32
    %dma_wait3A_110 = tpu.memref_slice %arg3[%dma_wait3A_109] : memref<320000xi32, #tpu.memory_space<hbm>> -> memref<320000xi32, #tpu.memory_space<hbm>>
    tpu.wait_indirect_dma semaphore(%arg22 : memref<!tpu.dma_semaphore, #tpu.memory_space<semaphore_mem>>) src(%dma_wait3A_110 : memref<320000xi32, #tpu.memory_space<hbm>>) dst(%dma_wait3A_106 : memref<80xi32, #tpu.memory_space<vmem>>)
    %dma_start3A_111 = arith.constant 160 : i32
    %dma_start3A_112 = arith.constant 0 : i32
    %dma_start3A_113 = tpu.memref_slice %arg21[%dma_start3A_111, %dma_start3A_112] : memref<320x16xf32, #tpu.memory_space<vmem>> -> memref<80x16xf32, #tpu.memory_space<vmem>>
    %dma_start3A_114 = arith.constant 160 : i32
    %dma_start3A_115 = tpu.memref_slice %arg14[%dma_start3A_114] : memref<320xi32, #tpu.memory_space<vmem>> -> memref<80xi32, #tpu.memory_space<vmem>>
    %dma_start3A_116 = arith.constant 0 : i32
    %dma_start3A_117 = arith.constant 0 : i32
    %dma_start3A_118 = tpu.memref_slice %arg5[%dma_start3A_116, %dma_start3A_117] : memref<320000x16xf32, #tpu.memory_space<hbm>> -> memref<320000x16xf32, #tpu.memory_space<hbm>>
    tpu.enqueue_indirect_dma source(%dma_start3A_118 : memref<320000x16xf32, #tpu.memory_space<hbm>>) target(%dma_start3A_113 : memref<80x16xf32, #tpu.memory_space<vmem>>) offsets(%dma_start3A_115 : memref<80xi32, #tpu.memory_space<vmem>>) semaphore(%arg22 : memref<!tpu.dma_semaphore, #tpu.memory_space<semaphore_mem>>)
    %dma_wait3A_119 = arith.constant 160 : i32
    %dma_wait3A_120 = arith.constant 0 : i32
    %dma_wait3A_121 = tpu.memref_slice %arg21[%dma_wait3A_119, %dma_wait3A_120] : memref<320x16xf32, #tpu.memory_space<vmem>> -> memref<80x16xf32, #tpu.memory_space<vmem>>
    %dma_wait3A_122 = arith.constant 160 : i32
    %dma_wait3A_123 = tpu.memref_slice %arg14[%dma_wait3A_122] : memref<320xi32, #tpu.memory_space<vmem>> -> memref<80xi32, #tpu.memory_space<vmem>>
    %dma_wait3A_124 = arith.constant 0 : i32
    %dma_wait3A_125 = arith.constant 0 : i32
    %dma_wait3A_126 = tpu.memref_slice %arg5[%dma_wait3A_124, %dma_wait3A_125] : memref<320000x16xf32, #tpu.memory_space<hbm>> -> memref<320000x16xf32, #tpu.memory_space<hbm>>
    tpu.wait_indirect_dma semaphore(%arg22 : memref<!tpu.dma_semaphore, #tpu.memory_space<semaphore_mem>>) src(%dma_wait3A_126 : memref<320000x16xf32, #tpu.memory_space<hbm>>) dst(%dma_wait3A_121 : memref<80x16xf32, #tpu.memory_space<vmem>>)
    %dma_start3A_127 = arith.constant 240 : i32
    %dma_start3A_128 = tpu.memref_slice %arg16[%dma_start3A_127] : memref<320xf32, #tpu.memory_space<vmem>> -> memref<80xf32, #tpu.memory_space<vmem>>
    %dma_start3A_129 = arith.constant 240 : i32
    %dma_start3A_130 = tpu.memref_slice %arg14[%dma_start3A_129] : memref<320xi32, #tpu.memory_space<vmem>> -> memref<80xi32, #tpu.memory_space<vmem>>
    %dma_start3A_131 = arith.constant 0 : i32
    %dma_start3A_132 = tpu.memref_slice %arg4[%dma_start3A_131] : memref<320000xf32, #tpu.memory_space<hbm>> -> memref<320000xf32, #tpu.memory_space<hbm>>
    tpu.enqueue_indirect_dma source(%dma_start3A_132 : memref<320000xf32, #tpu.memory_space<hbm>>) target(%dma_start3A_128 : memref<80xf32, #tpu.memory_space<vmem>>) offsets(%dma_start3A_130 : memref<80xi32, #tpu.memory_space<vmem>>) semaphore(%arg22 : memref<!tpu.dma_semaphore, #tpu.memory_space<semaphore_mem>>)
    %dma_wait3A_133 = arith.constant 240 : i32
    %dma_wait3A_134 = tpu.memref_slice %arg16[%dma_wait3A_133] : memref<320xf32, #tpu.memory_space<vmem>> -> memref<80xf32, #tpu.memory_space<vmem>>
    %dma_wait3A_135 = arith.constant 240 : i32
    %dma_wait3A_136 = tpu.memref_slice %arg14[%dma_wait3A_135] : memref<320xi32, #tpu.memory_space<vmem>> -> memref<80xi32, #tpu.memory_space<vmem>>
    %dma_wait3A_137 = arith.constant 0 : i32
    %dma_wait3A_138 = tpu.memref_slice %arg4[%dma_wait3A_137] : memref<320000xf32, #tpu.memory_space<hbm>> -> memref<320000xf32, #tpu.memory_space<hbm>>
    tpu.wait_indirect_dma semaphore(%arg22 : memref<!tpu.dma_semaphore, #tpu.memory_space<semaphore_mem>>) src(%dma_wait3A_138 : memref<320000xf32, #tpu.memory_space<hbm>>) dst(%dma_wait3A_134 : memref<80xf32, #tpu.memory_space<vmem>>)
    %dma_start3A_139 = arith.constant 240 : i32
    %dma_start3A_140 = tpu.memref_slice %arg17[%dma_start3A_139] : memref<320xi32, #tpu.memory_space<vmem>> -> memref<80xi32, #tpu.memory_space<vmem>>
    %dma_start3A_141 = arith.constant 240 : i32
    %dma_start3A_142 = tpu.memref_slice %arg14[%dma_start3A_141] : memref<320xi32, #tpu.memory_space<vmem>> -> memref<80xi32, #tpu.memory_space<vmem>>
    %dma_start3A_143 = arith.constant 0 : i32
    %dma_start3A_144 = tpu.memref_slice %arg3[%dma_start3A_143] : memref<320000xi32, #tpu.memory_space<hbm>> -> memref<320000xi32, #tpu.memory_space<hbm>>
    tpu.enqueue_indirect_dma source(%dma_start3A_144 : memref<320000xi32, #tpu.memory_space<hbm>>) target(%dma_start3A_140 : memref<80xi32, #tpu.memory_space<vmem>>) offsets(%dma_start3A_142 : memref<80xi32, #tpu.memory_space<vmem>>) semaphore(%arg22 : memref<!tpu.dma_semaphore, #tpu.memory_space<semaphore_mem>>)
    %dma_wait3A_145 = arith.constant 240 : i32
    %dma_wait3A_146 = tpu.memref_slice %arg17[%dma_wait3A_145] : memref<320xi32, #tpu.memory_space<vmem>> -> memref<80xi32, #tpu.memory_space<vmem>>
    %dma_wait3A_147 = arith.constant 240 : i32
    %dma_wait3A_148 = tpu.memref_slice %arg14[%dma_wait3A_147] : memref<320xi32, #tpu.memory_space<vmem>> -> memref<80xi32, #tpu.memory_space<vmem>>
    %dma_wait3A_149 = arith.constant 0 : i32
    %dma_wait3A_150 = tpu.memref_slice %arg3[%dma_wait3A_149] : memref<320000xi32, #tpu.memory_space<hbm>> -> memref<320000xi32, #tpu.memory_space<hbm>>
    tpu.wait_indirect_dma semaphore(%arg22 : memref<!tpu.dma_semaphore, #tpu.memory_space<semaphore_mem>>) src(%dma_wait3A_150 : memref<320000xi32, #tpu.memory_space<hbm>>) dst(%dma_wait3A_146 : memref<80xi32, #tpu.memory_space<vmem>>)
    %dma_start3A_151 = arith.constant 240 : i32
    %dma_start3A_152 = arith.constant 0 : i32
    %dma_start3A_153 = tpu.memref_slice %arg21[%dma_start3A_151, %dma_start3A_152] : memref<320x16xf32, #tpu.memory_space<vmem>> -> memref<80x16xf32, #tpu.memory_space<vmem>>
    %dma_start3A_154 = arith.constant 240 : i32
    %dma_start3A_155 = tpu.memref_slice %arg14[%dma_start3A_154] : memref<320xi32, #tpu.memory_space<vmem>> -> memref<80xi32, #tpu.memory_space<vmem>>
    %dma_start3A_156 = arith.constant 0 : i32
    %dma_start3A_157 = arith.constant 0 : i32
    %dma_start3A_158 = tpu.memref_slice %arg5[%dma_start3A_156, %dma_start3A_157] : memref<320000x16xf32, #tpu.memory_space<hbm>> -> memref<320000x16xf32, #tpu.memory_space<hbm>>
    tpu.enqueue_indirect_dma source(%dma_start3A_158 : memref<320000x16xf32, #tpu.memory_space<hbm>>) target(%dma_start3A_153 : memref<80x16xf32, #tpu.memory_space<vmem>>) offsets(%dma_start3A_155 : memref<80xi32, #tpu.memory_space<vmem>>) semaphore(%arg22 : memref<!tpu.dma_semaphore, #tpu.memory_space<semaphore_mem>>)
    %dma_wait3A_159 = arith.constant 240 : i32
    %dma_wait3A_160 = arith.constant 0 : i32
    %dma_wait3A_161 = tpu.memref_slice %arg21[%dma_wait3A_159, %dma_wait3A_160] : memref<320x16xf32, #tpu.memory_space<vmem>> -> memref<80x16xf32, #tpu.memory_space<vmem>>
    %dma_wait3A_162 = arith.constant 240 : i32
    %dma_wait3A_163 = tpu.memref_slice %arg14[%dma_wait3A_162] : memref<320xi32, #tpu.memory_space<vmem>> -> memref<80xi32, #tpu.memory_space<vmem>>
    %dma_wait3A_164 = arith.constant 0 : i32
    %dma_wait3A_165 = arith.constant 0 : i32
    %dma_wait3A_166 = tpu.memref_slice %arg5[%dma_wait3A_164, %dma_wait3A_165] : memref<320000x16xf32, #tpu.memory_space<hbm>> -> memref<320000x16xf32, #tpu.memory_space<hbm>>
    tpu.wait_indirect_dma semaphore(%arg22 : memref<!tpu.dma_semaphore, #tpu.memory_space<semaphore_mem>>) src(%dma_wait3A_166 : memref<320000x16xf32, #tpu.memory_space<hbm>>) dst(%dma_wait3A_161 : memref<80x16xf32, #tpu.memory_space<vmem>>)
    %dma_start3A_167 = arith.constant 0 : i32
    %dma_start3A_168 = arith.constant 0 : i32
    %dma_start3A_169 = tpu.memref_slice %arg20[%dma_start3A_167, %dma_start3A_168] : memref<320x128xf32, #tpu.memory_space<vmem>> -> memref<80x128xf32, #tpu.memory_space<vmem>>
    %dma_start3A_170 = arith.constant 0 : i32
    %dma_start3A_171 = tpu.memref_slice %arg17[%dma_start3A_170] : memref<320xi32, #tpu.memory_space<vmem>> -> memref<80xi32, #tpu.memory_space<vmem>>
    %dma_start3A_172 = arith.constant 0 : i32
    %dma_start3A_173 = arith.constant 0 : i32
    %dma_start3A_174 = tpu.memref_slice %arg6[%dma_start3A_172, %dma_start3A_173] : memref<10000x128xf32, #tpu.memory_space<hbm>> -> memref<10000x128xf32, #tpu.memory_space<hbm>>
    tpu.enqueue_indirect_dma source(%dma_start3A_174 : memref<10000x128xf32, #tpu.memory_space<hbm>>) target(%dma_start3A_169 : memref<80x128xf32, #tpu.memory_space<vmem>>) offsets(%dma_start3A_171 : memref<80xi32, #tpu.memory_space<vmem>>) semaphore(%arg22 : memref<!tpu.dma_semaphore, #tpu.memory_space<semaphore_mem>>)
    %dma_wait3A_175 = arith.constant 0 : i32
    %dma_wait3A_176 = arith.constant 0 : i32
    %dma_wait3A_177 = tpu.memref_slice %arg20[%dma_wait3A_175, %dma_wait3A_176] : memref<320x128xf32, #tpu.memory_space<vmem>> -> memref<80x128xf32, #tpu.memory_space<vmem>>
    %dma_wait3A_178 = arith.constant 0 : i32
    %dma_wait3A_179 = tpu.memref_slice %arg17[%dma_wait3A_178] : memref<320xi32, #tpu.memory_space<vmem>> -> memref<80xi32, #tpu.memory_space<vmem>>
    %dma_wait3A_180 = arith.constant 0 : i32
    %dma_wait3A_181 = arith.constant 0 : i32
    %dma_wait3A_182 = tpu.memref_slice %arg6[%dma_wait3A_180, %dma_wait3A_181] : memref<10000x128xf32, #tpu.memory_space<hbm>> -> memref<10000x128xf32, #tpu.memory_space<hbm>>
    tpu.wait_indirect_dma semaphore(%arg22 : memref<!tpu.dma_semaphore, #tpu.memory_space<semaphore_mem>>) src(%dma_wait3A_182 : memref<10000x128xf32, #tpu.memory_space<hbm>>) dst(%dma_wait3A_177 : memref<80x128xf32, #tpu.memory_space<vmem>>)
    %dma_start3A_183 = arith.constant 0 : i32
    %dma_start3A_184 = tpu.memref_slice %arg18[%dma_start3A_183] : memref<320xf32, #tpu.memory_space<vmem>> -> memref<80xf32, #tpu.memory_space<vmem>>
    %dma_start3A_185 = arith.constant 0 : i32
    %dma_start3A_186 = tpu.memref_slice %arg17[%dma_start3A_185] : memref<320xi32, #tpu.memory_space<vmem>> -> memref<80xi32, #tpu.memory_space<vmem>>
    %dma_start3A_187 = arith.constant 0 : i32
    %dma_start3A_188 = tpu.memref_slice %arg7[%dma_start3A_187] : memref<10000xf32, #tpu.memory_space<hbm>> -> memref<10000xf32, #tpu.memory_space<hbm>>
    tpu.enqueue_indirect_dma source(%dma_start3A_188 : memref<10000xf32, #tpu.memory_space<hbm>>) target(%dma_start3A_184 : memref<80xf32, #tpu.memory_space<vmem>>) offsets(%dma_start3A_186 : memref<80xi32, #tpu.memory_space<vmem>>) semaphore(%arg22 : memref<!tpu.dma_semaphore, #tpu.memory_space<semaphore_mem>>)
    %dma_wait3A_189 = arith.constant 0 : i32
    %dma_wait3A_190 = tpu.memref_slice %arg18[%dma_wait3A_189] : memref<320xf32, #tpu.memory_space<vmem>> -> memref<80xf32, #tpu.memory_space<vmem>>
    %dma_wait3A_191 = arith.constant 0 : i32
    %dma_wait3A_192 = tpu.memref_slice %arg17[%dma_wait3A_191] : memref<320xi32, #tpu.memory_space<vmem>> -> memref<80xi32, #tpu.memory_space<vmem>>
    %dma_wait3A_193 = arith.constant 0 : i32
    %dma_wait3A_194 = tpu.memref_slice %arg7[%dma_wait3A_193] : memref<10000xf32, #tpu.memory_space<hbm>> -> memref<10000xf32, #tpu.memory_space<hbm>>
    tpu.wait_indirect_dma semaphore(%arg22 : memref<!tpu.dma_semaphore, #tpu.memory_space<semaphore_mem>>) src(%dma_wait3A_194 : memref<10000xf32, #tpu.memory_space<hbm>>) dst(%dma_wait3A_190 : memref<80xf32, #tpu.memory_space<vmem>>)
    %dma_start3A_195 = arith.constant 80 : i32
    %dma_start3A_196 = arith.constant 0 : i32
    %dma_start3A_197 = tpu.memref_slice %arg20[%dma_start3A_195, %dma_start3A_196] : memref<320x128xf32, #tpu.memory_space<vmem>> -> memref<80x128xf32, #tpu.memory_space<vmem>>
    %dma_start3A_198 = arith.constant 80 : i32
    %dma_start3A_199 = tpu.memref_slice %arg17[%dma_start3A_198] : memref<320xi32, #tpu.memory_space<vmem>> -> memref<80xi32, #tpu.memory_space<vmem>>
    %dma_start3A_200 = arith.constant 0 : i32
    %dma_start3A_201 = arith.constant 0 : i32
    %dma_start3A_202 = tpu.memref_slice %arg6[%dma_start3A_200, %dma_start3A_201] : memref<10000x128xf32, #tpu.memory_space<hbm>> -> memref<10000x128xf32, #tpu.memory_space<hbm>>
    tpu.enqueue_indirect_dma source(%dma_start3A_202 : memref<10000x128xf32, #tpu.memory_space<hbm>>) target(%dma_start3A_197 : memref<80x128xf32, #tpu.memory_space<vmem>>) offsets(%dma_start3A_199 : memref<80xi32, #tpu.memory_space<vmem>>) semaphore(%arg22 : memref<!tpu.dma_semaphore, #tpu.memory_space<semaphore_mem>>)
    %dma_wait3A_203 = arith.constant 80 : i32
    %dma_wait3A_204 = arith.constant 0 : i32
    %dma_wait3A_205 = tpu.memref_slice %arg20[%dma_wait3A_203, %dma_wait3A_204] : memref<320x128xf32, #tpu.memory_space<vmem>> -> memref<80x128xf32, #tpu.memory_space<vmem>>
    %dma_wait3A_206 = arith.constant 80 : i32
    %dma_wait3A_207 = tpu.memref_slice %arg17[%dma_wait3A_206] : memref<320xi32, #tpu.memory_space<vmem>> -> memref<80xi32, #tpu.memory_space<vmem>>
    %dma_wait3A_208 = arith.constant 0 : i32
    %dma_wait3A_209 = arith.constant 0 : i32
    %dma_wait3A_210 = tpu.memref_slice %arg6[%dma_wait3A_208, %dma_wait3A_209] : memref<10000x128xf32, #tpu.memory_space<hbm>> -> memref<10000x128xf32, #tpu.memory_space<hbm>>
    tpu.wait_indirect_dma semaphore(%arg22 : memref<!tpu.dma_semaphore, #tpu.memory_space<semaphore_mem>>) src(%dma_wait3A_210 : memref<10000x128xf32, #tpu.memory_space<hbm>>) dst(%dma_wait3A_205 : memref<80x128xf32, #tpu.memory_space<vmem>>)
    %dma_start3A_211 = arith.constant 80 : i32
    %dma_start3A_212 = tpu.memref_slice %arg18[%dma_start3A_211] : memref<320xf32, #tpu.memory_space<vmem>> -> memref<80xf32, #tpu.memory_space<vmem>>
    %dma_start3A_213 = arith.constant 80 : i32
    %dma_start3A_214 = tpu.memref_slice %arg17[%dma_start3A_213] : memref<320xi32, #tpu.memory_space<vmem>> -> memref<80xi32, #tpu.memory_space<vmem>>
    %dma_start3A_215 = arith.constant 0 : i32
    %dma_start3A_216 = tpu.memref_slice %arg7[%dma_start3A_215] : memref<10000xf32, #tpu.memory_space<hbm>> -> memref<10000xf32, #tpu.memory_space<hbm>>
    tpu.enqueue_indirect_dma source(%dma_start3A_216 : memref<10000xf32, #tpu.memory_space<hbm>>) target(%dma_start3A_212 : memref<80xf32, #tpu.memory_space<vmem>>) offsets(%dma_start3A_214 : memref<80xi32, #tpu.memory_space<vmem>>) semaphore(%arg22 : memref<!tpu.dma_semaphore, #tpu.memory_space<semaphore_mem>>)
    %dma_wait3A_217 = arith.constant 80 : i32
    %dma_wait3A_218 = tpu.memref_slice %arg18[%dma_wait3A_217] : memref<320xf32, #tpu.memory_space<vmem>> -> memref<80xf32, #tpu.memory_space<vmem>>
    %dma_wait3A_219 = arith.constant 80 : i32
    %dma_wait3A_220 = tpu.memref_slice %arg17[%dma_wait3A_219] : memref<320xi32, #tpu.memory_space<vmem>> -> memref<80xi32, #tpu.memory_space<vmem>>
    %dma_wait3A_221 = arith.constant 0 : i32
    %dma_wait3A_222 = tpu.memref_slice %arg7[%dma_wait3A_221] : memref<10000xf32, #tpu.memory_space<hbm>> -> memref<10000xf32, #tpu.memory_space<hbm>>
    tpu.wait_indirect_dma semaphore(%arg22 : memref<!tpu.dma_semaphore, #tpu.memory_space<semaphore_mem>>) src(%dma_wait3A_222 : memref<10000xf32, #tpu.memory_space<hbm>>) dst(%dma_wait3A_218 : memref<80xf32, #tpu.memory_space<vmem>>)
    %dma_start3A_223 = arith.constant 160 : i32
    %dma_start3A_224 = arith.constant 0 : i32
    %dma_start3A_225 = tpu.memref_slice %arg20[%dma_start3A_223, %dma_start3A_224] : memref<320x128xf32, #tpu.memory_space<vmem>> -> memref<80x128xf32, #tpu.memory_space<vmem>>
    %dma_start3A_226 = arith.constant 160 : i32
    %dma_start3A_227 = tpu.memref_slice %arg17[%dma_start3A_226] : memref<320xi32, #tpu.memory_space<vmem>> -> memref<80xi32, #tpu.memory_space<vmem>>
    %dma_start3A_228 = arith.constant 0 : i32
    %dma_start3A_229 = arith.constant 0 : i32
    %dma_start3A_230 = tpu.memref_slice %arg6[%dma_start3A_228, %dma_start3A_229] : memref<10000x128xf32, #tpu.memory_space<hbm>> -> memref<10000x128xf32, #tpu.memory_space<hbm>>
    tpu.enqueue_indirect_dma source(%dma_start3A_230 : memref<10000x128xf32, #tpu.memory_space<hbm>>) target(%dma_start3A_225 : memref<80x128xf32, #tpu.memory_space<vmem>>) offsets(%dma_start3A_227 : memref<80xi32, #tpu.memory_space<vmem>>) semaphore(%arg22 : memref<!tpu.dma_semaphore, #tpu.memory_space<semaphore_mem>>)
    %dma_wait3A_231 = arith.constant 160 : i32
    %dma_wait3A_232 = arith.constant 0 : i32
    %dma_wait3A_233 = tpu.memref_slice %arg20[%dma_wait3A_231, %dma_wait3A_232] : memref<320x128xf32, #tpu.memory_space<vmem>> -> memref<80x128xf32, #tpu.memory_space<vmem>>
    %dma_wait3A_234 = arith.constant 160 : i32
    %dma_wait3A_235 = tpu.memref_slice %arg17[%dma_wait3A_234] : memref<320xi32, #tpu.memory_space<vmem>> -> memref<80xi32, #tpu.memory_space<vmem>>
    %dma_wait3A_236 = arith.constant 0 : i32
    %dma_wait3A_237 = arith.constant 0 : i32
    %dma_wait3A_238 = tpu.memref_slice %arg6[%dma_wait3A_236, %dma_wait3A_237] : memref<10000x128xf32, #tpu.memory_space<hbm>> -> memref<10000x128xf32, #tpu.memory_space<hbm>>
    tpu.wait_indirect_dma semaphore(%arg22 : memref<!tpu.dma_semaphore, #tpu.memory_space<semaphore_mem>>) src(%dma_wait3A_238 : memref<10000x128xf32, #tpu.memory_space<hbm>>) dst(%dma_wait3A_233 : memref<80x128xf32, #tpu.memory_space<vmem>>)
    %dma_start3A_239 = arith.constant 160 : i32
    %dma_start3A_240 = tpu.memref_slice %arg18[%dma_start3A_239] : memref<320xf32, #tpu.memory_space<vmem>> -> memref<80xf32, #tpu.memory_space<vmem>>
    %dma_start3A_241 = arith.constant 160 : i32
    %dma_start3A_242 = tpu.memref_slice %arg17[%dma_start3A_241] : memref<320xi32, #tpu.memory_space<vmem>> -> memref<80xi32, #tpu.memory_space<vmem>>
    %dma_start3A_243 = arith.constant 0 : i32
    %dma_start3A_244 = tpu.memref_slice %arg7[%dma_start3A_243] : memref<10000xf32, #tpu.memory_space<hbm>> -> memref<10000xf32, #tpu.memory_space<hbm>>
    tpu.enqueue_indirect_dma source(%dma_start3A_244 : memref<10000xf32, #tpu.memory_space<hbm>>) target(%dma_start3A_240 : memref<80xf32, #tpu.memory_space<vmem>>) offsets(%dma_start3A_242 : memref<80xi32, #tpu.memory_space<vmem>>) semaphore(%arg22 : memref<!tpu.dma_semaphore, #tpu.memory_space<semaphore_mem>>)
    %dma_wait3A_245 = arith.constant 160 : i32
    %dma_wait3A_246 = tpu.memref_slice %arg18[%dma_wait3A_245] : memref<320xf32, #tpu.memory_space<vmem>> -> memref<80xf32, #tpu.memory_space<vmem>>
    %dma_wait3A_247 = arith.constant 160 : i32
    %dma_wait3A_248 = tpu.memref_slice %arg17[%dma_wait3A_247] : memref<320xi32, #tpu.memory_space<vmem>> -> memref<80xi32, #tpu.memory_space<vmem>>
    %dma_wait3A_249 = arith.constant 0 : i32
    %dma_wait3A_250 = tpu.memref_slice %arg7[%dma_wait3A_249] : memref<10000xf32, #tpu.memory_space<hbm>> -> memref<10000xf32, #tpu.memory_space<hbm>>
    tpu.wait_indirect_dma semaphore(%arg22 : memref<!tpu.dma_semaphore, #tpu.memory_space<semaphore_mem>>) src(%dma_wait3A_250 : memref<10000xf32, #tpu.memory_space<hbm>>) dst(%dma_wait3A_246 : memref<80xf32, #tpu.memory_space<vmem>>)
    %dma_start3A_251 = arith.constant 240 : i32
    %dma_start3A_252 = arith.constant 0 : i32
    %dma_start3A_253 = tpu.memref_slice %arg20[%dma_start3A_251, %dma_start3A_252] : memref<320x128xf32, #tpu.memory_space<vmem>> -> memref<80x128xf32, #tpu.memory_space<vmem>>
    %dma_start3A_254 = arith.constant 240 : i32
    %dma_start3A_255 = tpu.memref_slice %arg17[%dma_start3A_254] : memref<320xi32, #tpu.memory_space<vmem>> -> memref<80xi32, #tpu.memory_space<vmem>>
    %dma_start3A_256 = arith.constant 0 : i32
    %dma_start3A_257 = arith.constant 0 : i32
    %dma_start3A_258 = tpu.memref_slice %arg6[%dma_start3A_256, %dma_start3A_257] : memref<10000x128xf32, #tpu.memory_space<hbm>> -> memref<10000x128xf32, #tpu.memory_space<hbm>>
    tpu.enqueue_indirect_dma source(%dma_start3A_258 : memref<10000x128xf32, #tpu.memory_space<hbm>>) target(%dma_start3A_253 : memref<80x128xf32, #tpu.memory_space<vmem>>) offsets(%dma_start3A_255 : memref<80xi32, #tpu.memory_space<vmem>>) semaphore(%arg22 : memref<!tpu.dma_semaphore, #tpu.memory_space<semaphore_mem>>)
    %dma_wait3A_259 = arith.constant 240 : i32
    %dma_wait3A_260 = arith.constant 0 : i32
    %dma_wait3A_261 = tpu.memref_slice %arg20[%dma_wait3A_259, %dma_wait3A_260] : memref<320x128xf32, #tpu.memory_space<vmem>> -> memref<80x128xf32, #tpu.memory_space<vmem>>
    %dma_wait3A_262 = arith.constant 240 : i32
    %dma_wait3A_263 = tpu.memref_slice %arg17[%dma_wait3A_262] : memref<320xi32, #tpu.memory_space<vmem>> -> memref<80xi32, #tpu.memory_space<vmem>>
    %dma_wait3A_264 = arith.constant 0 : i32
    %dma_wait3A_265 = arith.constant 0 : i32
    %dma_wait3A_266 = tpu.memref_slice %arg6[%dma_wait3A_264, %dma_wait3A_265] : memref<10000x128xf32, #tpu.memory_space<hbm>> -> memref<10000x128xf32, #tpu.memory_space<hbm>>
    tpu.wait_indirect_dma semaphore(%arg22 : memref<!tpu.dma_semaphore, #tpu.memory_space<semaphore_mem>>) src(%dma_wait3A_266 : memref<10000x128xf32, #tpu.memory_space<hbm>>) dst(%dma_wait3A_261 : memref<80x128xf32, #tpu.memory_space<vmem>>)
    %dma_start3A_267 = arith.constant 240 : i32
    %dma_start3A_268 = tpu.memref_slice %arg18[%dma_start3A_267] : memref<320xf32, #tpu.memory_space<vmem>> -> memref<80xf32, #tpu.memory_space<vmem>>
    %dma_start3A_269 = arith.constant 240 : i32
    %dma_start3A_270 = tpu.memref_slice %arg17[%dma_start3A_269] : memref<320xi32, #tpu.memory_space<vmem>> -> memref<80xi32, #tpu.memory_space<vmem>>
    %dma_start3A_271 = arith.constant 0 : i32
    %dma_start3A_272 = tpu.memref_slice %arg7[%dma_start3A_271] : memref<10000xf32, #tpu.memory_space<hbm>> -> memref<10000xf32, #tpu.memory_space<hbm>>
    tpu.enqueue_indirect_dma source(%dma_start3A_272 : memref<10000xf32, #tpu.memory_space<hbm>>) target(%dma_start3A_268 : memref<80xf32, #tpu.memory_space<vmem>>) offsets(%dma_start3A_270 : memref<80xi32, #tpu.memory_space<vmem>>) semaphore(%arg22 : memref<!tpu.dma_semaphore, #tpu.memory_space<semaphore_mem>>)
    %dma_wait3A_273 = arith.constant 240 : i32
    %dma_wait3A_274 = tpu.memref_slice %arg18[%dma_wait3A_273] : memref<320xf32, #tpu.memory_space<vmem>> -> memref<80xf32, #tpu.memory_space<vmem>>
    %dma_wait3A_275 = arith.constant 240 : i32
    %dma_wait3A_276 = tpu.memref_slice %arg17[%dma_wait3A_275] : memref<320xi32, #tpu.memory_space<vmem>> -> memref<80xi32, #tpu.memory_space<vmem>>
    %dma_wait3A_277 = arith.constant 0 : i32
    %dma_wait3A_278 = tpu.memref_slice %arg7[%dma_wait3A_277] : memref<10000xf32, #tpu.memory_space<hbm>> -> memref<10000xf32, #tpu.memory_space<hbm>>
    tpu.wait_indirect_dma semaphore(%arg22 : memref<!tpu.dma_semaphore, #tpu.memory_space<semaphore_mem>>) src(%dma_wait3A_278 : memref<10000xf32, #tpu.memory_space<hbm>>) dst(%dma_wait3A_274 : memref<80xf32, #tpu.memory_space<vmem>>)
    %scan3A_279 = arith.constant 0 : i32
    %scan3A_280 = arith.constant 0 : i32
    %scan3A_281 = arith.constant 20 : i32
    %scan3A_282 = arith.addi %scan3A_280, %scan3A_281 : i32
    %scan3A_283 = arith.constant 1 : i32
    %scan3A_284 = scf.for %scan3A_286 = %scan3A_280 to %scan3A_282 step %scan3A_283 iter_args(%scan3A_287 = %scan3A_279) -> (i32)  : i32 {
      %mul3A_288 = arith.constant 16 : i32
      %mul3A_289 = arith.muli %scan3A_286, %mul3A_288 : i32
      %get3A = arith.index_cast %mul3A_289 : i32 to index
      %get3A_290 = tpu.vector_load %arg16[%get3A] {strides = array<i32>} : memref<320xf32, #tpu.memory_space<vmem>>, vector<16xf32>,
      %get3A_291 = arith.index_cast %mul3A_289 : i32 to index
      %get3A_292 = tpu.vector_load %arg18[%get3A_291] {strides = array<i32>} : memref<320xf32, #tpu.memory_space<vmem>>, vector<16xf32>,
      %sub3A = arith.subf %get3A_290, %get3A_292 : vector<16xf32>
      %swap3A = arith.index_cast %mul3A_289 : i32 to index
      %swap3A_293 = tpu.vector_load %arg19[%swap3A] {strides = array<i32>} : memref<320xf32, #tpu.memory_space<vmem>>, vector<16xf32>,
      tpu.vector_store %arg19[%swap3A], %sub3A {strides = array<i32>} : memref<320xf32, #tpu.memory_space<vmem>>, vector<16xf32>,
      %scan3A_294 = arith.constant 0 : i32
      scf.yield %scan3A_294 : i32
    }
    %scan3A_285 = arith.constant 20 : i32
    "tpu.region"() ({
      %run_scoped3A = tpu.sem_alloc : memref<!tpu.dma_semaphore, #tpu.memory_space<semaphore_mem>>
      %dma_start3A_286 = tpu.memref_slice %arg9[%mul3A_2] : memref<10240xf32, #tpu.memory_space<hbm>> -> memref<320xf32, #tpu.memory_space<hbm>>
      %dma_start3A_287 = tpu.memref_slice %arg9[%mul3A_2] : memref<10240xf32, #tpu.memory_space<hbm>> -> memref<320xf32, #tpu.memory_space<hbm>>
      tpu.enqueue_dma source(%arg16 : memref<320xf32, #tpu.memory_space<vmem>>) target(%dma_start3A_287 : memref<320xf32, #tpu.memory_space<hbm>>) target_semaphore(%run_scoped3A : memref<!tpu.dma_semaphore, #tpu.memory_space<semaphore_mem>>)
      %dma_wait3A_288 = tpu.memref_slice %arg9[%mul3A_2] : memref<10240xf32, #tpu.memory_space<hbm>> -> memref<320xf32, #tpu.memory_space<hbm>>
      %dma_wait3A_289 = tpu.memref_slice %arg9[%mul3A_2] : memref<10240xf32, #tpu.memory_space<hbm>> -> memref<320xf32, #tpu.memory_space<hbm>>
      tpu.wait_dma2 semaphore(%run_scoped3A : memref<!tpu.dma_semaphore, #tpu.memory_space<semaphore_mem>>) src(%arg16 : memref<320xf32, #tpu.memory_space<vmem>>) dst(%dma_wait3A_289 : memref<320xf32, #tpu.memory_space<hbm>>)
      tpu.yield
    }) : () -> ()
    "tpu.region"() ({
      %run_scoped3A = tpu.sem_alloc : memref<!tpu.dma_semaphore, #tpu.memory_space<semaphore_mem>>
      %dma_start3A_286 = tpu.memref_slice %arg10[%mul3A_2] : memref<10240xf32, #tpu.memory_space<hbm>> -> memref<320xf32, #tpu.memory_space<hbm>>
      %dma_start3A_287 = tpu.memref_slice %arg10[%mul3A_2] : memref<10240xf32, #tpu.memory_space<hbm>> -> memref<320xf32, #tpu.memory_space<hbm>>
      tpu.enqueue_dma source(%arg19 : memref<320xf32, #tpu.memory_space<vmem>>) target(%dma_start3A_287 : memref<320xf32, #tpu.memory_space<hbm>>) target_semaphore(%run_scoped3A : memref<!tpu.dma_semaphore, #tpu.memory_space<semaphore_mem>>)
      %dma_wait3A_288 = tpu.memref_slice %arg10[%mul3A_2] : memref<10240xf32, #tpu.memory_space<hbm>> -> memref<320xf32, #tpu.memory_space<hbm>>
      %dma_wait3A_289 = tpu.memref_slice %arg10[%mul3A_2] : memref<10240xf32, #tpu.memory_space<hbm>> -> memref<320xf32, #tpu.memory_space<hbm>>
      tpu.wait_dma2 semaphore(%run_scoped3A : memref<!tpu.dma_semaphore, #tpu.memory_space<semaphore_mem>>) src(%arg19 : memref<320xf32, #tpu.memory_space<vmem>>) dst(%dma_wait3A_289 : memref<320xf32, #tpu.memory_space<hbm>>)
      tpu.yield
    }) : () -> ()
    "tpu.region"() ({
      %run_scoped3A = tpu.sem_alloc : memref<!tpu.dma_semaphore, #tpu.memory_space<semaphore_mem>>
      %dma_start3A_286 = arith.constant 0 : i32
      %dma_start3A_287 = tpu.memref_slice %arg11[%mul3A_2, %dma_start3A_286] : memref<10240x128xf32, #tpu.memory_space<hbm>> -> memref<320x128xf32, #tpu.memory_space<hbm>>
      %dma_start3A_288 = arith.constant 0 : i32
      %dma_start3A_289 = tpu.memref_slice %arg11[%mul3A_2, %dma_start3A_288] : memref<10240x128xf32, #tpu.memory_space<hbm>> -> memref<320x128xf32, #tpu.memory_space<hbm>>
      tpu.enqueue_dma source(%arg20 : memref<320x128xf32, #tpu.memory_space<vmem>>) target(%dma_start3A_289 : memref<320x128xf32, #tpu.memory_space<hbm>>) target_semaphore(%run_scoped3A : memref<!tpu.dma_semaphore, #tpu.memory_space<semaphore_mem>>)
      %dma_wait3A_290 = arith.constant 0 : i32
      %dma_wait3A_291 = tpu.memref_slice %arg11[%mul3A_2, %dma_wait3A_290] : memref<10240x128xf32, #tpu.memory_space<hbm>> -> memref<320x128xf32, #tpu.memory_space<hbm>>
      %dma_wait3A_292 = arith.constant 0 : i32
      %dma_wait3A_293 = tpu.memref_slice %arg11[%mul3A_2, %dma_wait3A_292] : memref<10240x128xf32, #tpu.memory_space<hbm>> -> memref<320x128xf32, #tpu.memory_space<hbm>>
      tpu.wait_dma2 semaphore(%run_scoped3A : memref<!tpu.dma_semaphore, #tpu.memory_space<semaphore_mem>>) src(%arg20 : memref<320x128xf32, #tpu.memory_space<vmem>>) dst(%dma_wait3A_293 : memref<320x128xf32, #tpu.memory_space<hbm>>)
      tpu.yield
    }) : () -> ()
    "tpu.region"() ({
      %run_scoped3A = tpu.sem_alloc : memref<!tpu.dma_semaphore, #tpu.memory_space<semaphore_mem>>
      %dma_start3A_286 = arith.constant 0 : i32
      %dma_start3A_287 = tpu.memref_slice %arg12[%mul3A_2, %dma_start3A_286] : memref<10240x16xf32, #tpu.memory_space<hbm>> -> memref<320x16xf32, #tpu.memory_space<hbm>>
      %dma_start3A_288 = arith.constant 0 : i32
      %dma_start3A_289 = tpu.memref_slice %arg12[%mul3A_2, %dma_start3A_288] : memref<10240x16xf32, #tpu.memory_space<hbm>> -> memref<320x16xf32, #tpu.memory_space<hbm>>
      tpu.enqueue_dma source(%arg21 : memref<320x16xf32, #tpu.memory_space<vmem>>) target(%dma_start3A_289 : memref<320x16xf32, #tpu.memory_space<hbm>>) target_semaphore(%run_scoped3A : memref<!tpu.dma_semaphore, #tpu.memory_space<semaphore_mem>>)
      %dma_wait3A_290 = arith.constant 0 : i32
      %dma_wait3A_291 = tpu.memref_slice %arg12[%mul3A_2, %dma_wait3A_290] : memref<10240x16xf32, #tpu.memory_space<hbm>> -> memref<320x16xf32, #tpu.memory_space<hbm>>
      %dma_wait3A_292 = arith.constant 0 : i32
      %dma_wait3A_293 = tpu.memref_slice %arg12[%mul3A_2, %dma_wait3A_292] : memref<10240x16xf32, #tpu.memory_space<hbm>> -> memref<320x16xf32, #tpu.memory_space<hbm>>
      tpu.wait_dma2 semaphore(%run_scoped3A : memref<!tpu.dma_semaphore, #tpu.memory_space<semaphore_mem>>) src(%arg21 : memref<320x16xf32, #tpu.memory_space<vmem>>) dst(%dma_wait3A_293 : memref<320x16xf32, #tpu.memory_space<hbm>>)
      tpu.yield
    }) : () -> ()
    return
  }
}

#map = affine_map<(d0, d1) -> (0)>
#map1 = affine_map<(d0, d1) -> (0, 0)>
module attributes {stable_mosaic.version = 14 : i64} {
  func.func @_k_seg_argmax(%arg0: i32, %arg1: i32, %arg2: memref<320000xi32, #tpu.memory_space<hbm>>, %arg3: memref<320000xf32, #tpu.memory_space<hbm>>, %arg4: memref<10240xf32, #tpu.memory_space<hbm>>, %arg5: memref<32x10240xi32, #tpu.memory_space<hbm>>, %arg6: memref<10000xi32, #tpu.memory_space<vmem>>, %arg7: memref<10000xf32, #tpu.memory_space<vmem>>, %arg8: memref<10240xf32, #tpu.memory_space<vmem>>, %arg9: memref<10240xi32, #tpu.memory_space<vmem>>) attributes {dimension_semantics = [#tpu.dimension_semantics<core_parallel>, #tpu.dimension_semantics<subcore_parallel>], iteration_bounds = array<i64: 2, 16>, scalar_prefetch = 0 : i64, scratch_operands = 4 : i64, tpu.core_type = #tpu.core_type<sc_vector_subcore>, window_params = [{transform_indices = #map}, {transform_indices = #map}, {transform_indices = #map}, {transform_indices = #map1}]} {
    %mul3A = arith.constant 2 : i32
    %mul3A_0 = arith.muli %arg1, %mul3A : i32
    %add3A = arith.addi %mul3A_0, %arg0 : i32
    %mul3A_1 = arith.constant 10000 : i32
    %mul3A_2 = arith.muli %add3A, %mul3A_1 : i32
    "tpu.region"() ({
      %run_scoped3A = tpu.sem_alloc : memref<!tpu.dma_semaphore, #tpu.memory_space<semaphore_mem>>
      %dma_start3A = tpu.memref_slice %arg2[%mul3A_2] : memref<320000xi32, #tpu.memory_space<hbm>> -> memref<10000xi32, #tpu.memory_space<hbm>>
      %dma_start3A_17 = tpu.memref_slice %arg2[%mul3A_2] : memref<320000xi32, #tpu.memory_space<hbm>> -> memref<10000xi32, #tpu.memory_space<hbm>>
      tpu.enqueue_dma source(%dma_start3A_17 : memref<10000xi32, #tpu.memory_space<hbm>>) target(%arg6 : memref<10000xi32, #tpu.memory_space<vmem>>) target_semaphore(%run_scoped3A : memref<!tpu.dma_semaphore, #tpu.memory_space<semaphore_mem>>)
      %dma_wait3A = tpu.memref_slice %arg2[%mul3A_2] : memref<320000xi32, #tpu.memory_space<hbm>> -> memref<10000xi32, #tpu.memory_space<hbm>>
      %dma_wait3A_18 = tpu.memref_slice %arg2[%mul3A_2] : memref<320000xi32, #tpu.memory_space<hbm>> -> memref<10000xi32, #tpu.memory_space<hbm>>
      tpu.wait_dma2 semaphore(%run_scoped3A : memref<!tpu.dma_semaphore, #tpu.memory_space<semaphore_mem>>) src(%dma_wait3A_18 : memref<10000xi32, #tpu.memory_space<hbm>>) dst(%arg6 : memref<10000xi32, #tpu.memory_space<vmem>>)
      tpu.yield
    }) : () -> ()
    "tpu.region"() ({
      %run_scoped3A = tpu.sem_alloc : memref<!tpu.dma_semaphore, #tpu.memory_space<semaphore_mem>>
      %dma_start3A = tpu.memref_slice %arg3[%mul3A_2] : memref<320000xf32, #tpu.memory_space<hbm>> -> memref<10000xf32, #tpu.memory_space<hbm>>
      %dma_start3A_17 = tpu.memref_slice %arg3[%mul3A_2] : memref<320000xf32, #tpu.memory_space<hbm>> -> memref<10000xf32, #tpu.memory_space<hbm>>
      tpu.enqueue_dma source(%dma_start3A_17 : memref<10000xf32, #tpu.memory_space<hbm>>) target(%arg7 : memref<10000xf32, #tpu.memory_space<vmem>>) target_semaphore(%run_scoped3A : memref<!tpu.dma_semaphore, #tpu.memory_space<semaphore_mem>>)
      %dma_wait3A = tpu.memref_slice %arg3[%mul3A_2] : memref<320000xf32, #tpu.memory_space<hbm>> -> memref<10000xf32, #tpu.memory_space<hbm>>
      %dma_wait3A_18 = tpu.memref_slice %arg3[%mul3A_2] : memref<320000xf32, #tpu.memory_space<hbm>> -> memref<10000xf32, #tpu.memory_space<hbm>>
      tpu.wait_dma2 semaphore(%run_scoped3A : memref<!tpu.dma_semaphore, #tpu.memory_space<semaphore_mem>>) src(%dma_wait3A_18 : memref<10000xf32, #tpu.memory_space<hbm>>) dst(%arg7 : memref<10000xf32, #tpu.memory_space<vmem>>)
      tpu.yield
    }) : () -> ()
    "tpu.region"() ({
      %run_scoped3A = tpu.sem_alloc : memref<!tpu.dma_semaphore, #tpu.memory_space<semaphore_mem>>
      tpu.enqueue_dma source(%arg4 : memref<10240xf32, #tpu.memory_space<hbm>>) target(%arg8 : memref<10240xf32, #tpu.memory_space<vmem>>) target_semaphore(%run_scoped3A : memref<!tpu.dma_semaphore, #tpu.memory_space<semaphore_mem>>)
      tpu.wait_dma2 semaphore(%run_scoped3A : memref<!tpu.dma_semaphore, #tpu.memory_space<semaphore_mem>>) src(%arg4 : memref<10240xf32, #tpu.memory_space<hbm>>) dst(%arg8 : memref<10240xf32, #tpu.memory_space<vmem>>)
      tpu.yield
    }) : () -> ()
    %broadcast_in_dim3A = arith.constant -1 : i32
    %broadcast_in_dim3A_3 = vector.broadcast %broadcast_in_dim3A : i32 to vector<16xi32>
    %scan3A = arith.constant 0 : i32
    %scan3A_4 = arith.constant 0 : i32
    %scan3A_5 = arith.constant 640 : i32
    %scan3A_6 = arith.addi %scan3A_4, %scan3A_5 : i32
    %scan3A_7 = arith.constant 1 : i32
    %scan3A_8 = scf.for %scan3A_17 = %scan3A_4 to %scan3A_6 step %scan3A_7 iter_args(%scan3A_18 = %scan3A) -> (i32)  : i32 {
      %mul3A_19 = arith.constant 16 : i32
      %mul3A_20 = arith.muli %scan3A_17, %mul3A_19 : i32
      %swap3A = arith.index_cast %mul3A_20 : i32 to index
      %swap3A_21 = tpu.vector_load %arg9[%swap3A] {strides = array<i32>} : memref<10240xi32, #tpu.memory_space<vmem>>, vector<16xi32>,
      tpu.vector_store %arg9[%swap3A], %broadcast_in_dim3A_3 {strides = array<i32>} : memref<10240xi32, #tpu.memory_space<vmem>>, vector<16xi32>,
      %scan3A_22 = arith.constant 0 : i32
      scf.yield %scan3A_22 : i32
    }
    %scan3A_9 = arith.constant 640 : i32
    %iota3A = tpu.iota {dimensions = array<i32: 0>} : vector<16xi32>
    %scan3A_10 = arith.constant 0 : i32
    %scan3A_11 = arith.constant 0 : i32
    %scan3A_12 = arith.constant 625 : i32
    %scan3A_13 = arith.addi %scan3A_11, %scan3A_12 : i32
    %scan3A_14 = arith.constant 1 : i32
    %scan3A_15 = scf.for %scan3A_17 = %scan3A_11 to %scan3A_13 step %scan3A_14 iter_args(%scan3A_18 = %scan3A_10) -> (i32)  : i32 {
      %mul3A_19 = arith.constant 16 : i32
      %mul3A_20 = arith.muli %scan3A_17, %mul3A_19 : i32
      %get3A = arith.index_cast %mul3A_20 : i32 to index
      %get3A_21 = tpu.vector_load %arg6[%get3A] {strides = array<i32>} : memref<10000xi32, #tpu.memory_space<vmem>>, vector<16xi32>,
      %mul3A_22 = arith.constant 16 : i32
      %mul3A_23 = arith.muli %scan3A_17, %mul3A_22 : i32
      %get3A_24 = arith.index_cast %mul3A_23 : i32 to index
      %get3A_25 = tpu.vector_load %arg7[%get3A_24] {strides = array<i32>} : memref<10000xf32, #tpu.memory_space<vmem>>, vector<16xf32>,
      %gather3A = tpu.vector_load_idx %arg8[%get3A_21] : memref<10240xf32, #tpu.memory_space<vmem>>[vector<16xi32>], vector<16xf32>,
      %mul3A_26 = arith.constant 16 : i32
      %mul3A_27 = arith.muli %scan3A_17, %mul3A_26 : i32
      %add3A_28 = arith.addi %mul3A_2, %mul3A_27 : i32
      %add3A_29 = vector.broadcast %add3A_28 : i32 to vector<16xi32>
      %add3A_30 = arith.addi %add3A_29, %iota3A : vector<16xi32>
      %ge3A = arith.cmpf oge, %get3A_25, %gather3A : vector<16xf32>
      %iota3A_31 = tpu.iota {dimensions = array<i32: 0>} : vector<16xi32>
      %jit3A = arith.constant -1 : i32
      %broadcast_in_dim3A_32 = vector.broadcast %jit3A : i32 to vector<16xi32>
      %select_n3A = arith.select %ge3A, %add3A_30, %broadcast_in_dim3A_32 : vector<16xi1>, vector<16xi32>
      %masked_sort3A = arith.constant dense<true> : vector<16xi1>
      %masked_sort3A_33 = arith.constant -2147483648 : i32
      %masked_sort3A_34 = vector.broadcast %masked_sort3A_33 : i32 to vector<16xi32>
      %masked_sort3A_35 = arith.xori %get3A_21, %masked_sort3A_34 : vector<16xi32>
      %masked_sort3A_36, %masked_sort3A_37, %masked_sort3A_38 = tpu.sort %masked_sort3A_35, %select_n3A masked %masked_sort3A : (vector<16xi32>, vector<16xi32>, vector<16xi1>) -> (vector<16xi1>, vector<16xi32>, vector<16xi32>)
      %masked_sort3A_39 = arith.xori %masked_sort3A_37, %masked_sort3A_34 : vector<16xi32>
      %add3A_40 = arith.constant 1 : i32
      %add3A_41 = vector.broadcast %add3A_40 : i32 to vector<16xi32>
      %add3A_42 = arith.addi %iota3A_31, %add3A_41 : vector<16xi32>
      %and3A = arith.constant 15 : i32
      %and3A_43 = vector.broadcast %and3A : i32 to vector<16xi32>
      %and3A_44 = arith.andi %add3A_42, %and3A_43 : vector<16xi32>
      %broadcast_in_dim3A_45 = vector.shape_cast %and3A_44 : vector<16xi32> to vector<16x1xi32>
      %gather3A_46 = vector.shape_cast %broadcast_in_dim3A_45 : vector<16x1xi32> to vector<16xi32>
      %gather3A_47 = tpu.dynamic_gather %masked_sort3A_39[%gather3A_46] in [0] : vector<16xi32>, vector<16xi32> -> vector<16xi32>
      %broadcast_in_dim3A_48 = vector.shape_cast %and3A_44 : vector<16xi32> to vector<16x1xi32>
      %gather3A_49 = vector.shape_cast %broadcast_in_dim3A_48 : vector<16x1xi32> to vector<16xi32>
      %gather3A_50 = tpu.dynamic_gather %masked_sort3A_38[%gather3A_49] in [0] : vector<16xi32>, vector<16xi32> -> vector<16xi32>
      %eq3A = arith.cmpi eq, %masked_sort3A_39, %gather3A_47 : vector<16xi32>
      %jit3A_51 = arith.constant -1 : i32
      %broadcast_in_dim3A_52 = vector.broadcast %jit3A_51 : i32 to vector<16xi32>
      %select_n3A_53 = arith.select %eq3A, %gather3A_50, %broadcast_in_dim3A_52 : vector<16xi1>, vector<16xi32>
      %max3A = arith.maxsi %masked_sort3A_38, %select_n3A_53 : vector<16xi32>
      %add3A_54 = arith.constant 2 : i32
      %add3A_55 = vector.broadcast %add3A_54 : i32 to vector<16xi32>
      %add3A_56 = arith.addi %iota3A_31, %add3A_55 : vector<16xi32>
      %and3A_57 = arith.constant 15 : i32
      %and3A_58 = vector.broadcast %and3A_57 : i32 to vector<16xi32>
      %and3A_59 = arith.andi %add3A_56, %and3A_58 : vector<16xi32>
      %broadcast_in_dim3A_60 = vector.shape_cast %and3A_59 : vector<16xi32> to vector<16x1xi32>
      %gather3A_61 = vector.shape_cast %broadcast_in_dim3A_60 : vector<16x1xi32> to vector<16xi32>
      %gather3A_62 = tpu.dynamic_gather %masked_sort3A_39[%gather3A_61] in [0] : vector<16xi32>, vector<16xi32> -> vector<16xi32>
      %broadcast_in_dim3A_63 = vector.shape_cast %and3A_59 : vector<16xi32> to vector<16x1xi32>
      %gather3A_64 = vector.shape_cast %broadcast_in_dim3A_63 : vector<16x1xi32> to vector<16xi32>
      %gather3A_65 = tpu.dynamic_gather %max3A[%gather3A_64] in [0] : vector<16xi32>, vector<16xi32> -> vector<16xi32>
      %eq3A_66 = arith.cmpi eq, %masked_sort3A_39, %gather3A_62 : vector<16xi32>
      %jit3A_67 = arith.constant -1 : i32
      %broadcast_in_dim3A_68 = vector.broadcast %jit3A_67 : i32 to vector<16xi32>
      %select_n3A_69 = arith.select %eq3A_66, %gather3A_65, %broadcast_in_dim3A_68 : vector<16xi1>, vector<16xi32>
      %max3A_70 = arith.maxsi %max3A, %select_n3A_69 : vector<16xi32>
      %add3A_71 = arith.constant 4 : i32
      %add3A_72 = vector.broadcast %add3A_71 : i32 to vector<16xi32>
      %add3A_73 = arith.addi %iota3A_31, %add3A_72 : vector<16xi32>
      %and3A_74 = arith.constant 15 : i32
      %and3A_75 = vector.broadcast %and3A_74 : i32 to vector<16xi32>
      %and3A_76 = arith.andi %add3A_73, %and3A_75 : vector<16xi32>
      %broadcast_in_dim3A_77 = vector.shape_cast %and3A_76 : vector<16xi32> to vector<16x1xi32>
      %gather3A_78 = vector.shape_cast %broadcast_in_dim3A_77 : vector<16x1xi32> to vector<16xi32>
      %gather3A_79 = tpu.dynamic_gather %masked_sort3A_39[%gather3A_78] in [0] : vector<16xi32>, vector<16xi32> -> vector<16xi32>
      %broadcast_in_dim3A_80 = vector.shape_cast %and3A_76 : vector<16xi32> to vector<16x1xi32>
      %gather3A_81 = vector.shape_cast %broadcast_in_dim3A_80 : vector<16x1xi32> to vector<16xi32>
      %gather3A_82 = tpu.dynamic_gather %max3A_70[%gather3A_81] in [0] : vector<16xi32>, vector<16xi32> -> vector<16xi32>
      %eq3A_83 = arith.cmpi eq, %masked_sort3A_39, %gather3A_79 : vector<16xi32>
      %jit3A_84 = arith.constant -1 : i32
      %broadcast_in_dim3A_85 = vector.broadcast %jit3A_84 : i32 to vector<16xi32>
      %select_n3A_86 = arith.select %eq3A_83, %gather3A_82, %broadcast_in_dim3A_85 : vector<16xi1>, vector<16xi32>
      %max3A_87 = arith.maxsi %max3A_70, %select_n3A_86 : vector<16xi32>
      %add3A_88 = arith.constant 8 : i32
      %add3A_89 = vector.broadcast %add3A_88 : i32 to vector<16xi32>
      %add3A_90 = arith.addi %iota3A_31, %add3A_89 : vector<16xi32>
      %and3A_91 = arith.constant 15 : i32
      %and3A_92 = vector.broadcast %and3A_91 : i32 to vector<16xi32>
      %and3A_93 = arith.andi %add3A_90, %and3A_92 : vector<16xi32>
      %broadcast_in_dim3A_94 = vector.shape_cast %and3A_93 : vector<16xi32> to vector<16x1xi32>
      %gather3A_95 = vector.shape_cast %broadcast_in_dim3A_94 : vector<16x1xi32> to vector<16xi32>
      %gather3A_96 = tpu.dynamic_gather %masked_sort3A_39[%gather3A_95] in [0] : vector<16xi32>, vector<16xi32> -> vector<16xi32>
      %broadcast_in_dim3A_97 = vector.shape_cast %and3A_93 : vector<16xi32> to vector<16x1xi32>
      %gather3A_98 = vector.shape_cast %broadcast_in_dim3A_97 : vector<16x1xi32> to vector<16xi32>
      %gather3A_99 = tpu.dynamic_gather %max3A_87[%gather3A_98] in [0] : vector<16xi32>, vector<16xi32> -> vector<16xi32>
      %eq3A_100 = arith.cmpi eq, %masked_sort3A_39, %gather3A_96 : vector<16xi32>
      %jit3A_101 = arith.constant -1 : i32
      %broadcast_in_dim3A_102 = vector.broadcast %jit3A_101 : i32 to vector<16xi32>
      %select_n3A_103 = arith.select %eq3A_100, %gather3A_99, %broadcast_in_dim3A_102 : vector<16xi1>, vector<16xi32>
      %max3A_104 = arith.maxsi %max3A_87, %select_n3A_103 : vector<16xi32>
      %sub3A = arith.constant 1 : i32
      %sub3A_105 = vector.broadcast %sub3A : i32 to vector<16xi32>
      %sub3A_106 = arith.subi %iota3A_31, %sub3A_105 : vector<16xi32>
      %and3A_107 = arith.constant 15 : i32
      %and3A_108 = vector.broadcast %and3A_107 : i32 to vector<16xi32>
      %and3A_109 = arith.andi %sub3A_106, %and3A_108 : vector<16xi32>
      %broadcast_in_dim3A_110 = vector.shape_cast %and3A_109 : vector<16xi32> to vector<16x1xi32>
      %gather3A_111 = vector.shape_cast %broadcast_in_dim3A_110 : vector<16x1xi32> to vector<16xi32>
      %gather3A_112 = tpu.dynamic_gather %masked_sort3A_39[%gather3A_111] in [0] : vector<16xi32>, vector<16xi32> -> vector<16xi32>
      %eq3A_113 = arith.constant 0 : i32
      %eq3A_114 = vector.broadcast %eq3A_113 : i32 to vector<16xi32>
      %eq3A_115 = arith.cmpi eq, %iota3A_31, %eq3A_114 : vector<16xi32>
      %ne3A = arith.cmpi ne, %masked_sort3A_39, %gather3A_112 : vector<16xi32>
      %or3A = arith.ori %eq3A_115, %ne3A : vector<16xi1>
      %gather3A_116 = tpu.vector_load_idx %arg9[%masked_sort3A_39] : memref<10240xi32, #tpu.memory_space<vmem>>[vector<16xi32>], vector<16xi32>,
      %max3A_117 = arith.maxsi %gather3A_116, %max3A_104 : vector<16xi32>
      tpu.vector_store_idx %arg9[%masked_sort3A_39], %max3A_117 masked %or3A : memref<10240xi32, #tpu.memory_space<vmem>>[vector<16xi32>], vector<16xi32>, vector<16xi1>
      %scan3A_118 = arith.constant 0 : i32
      scf.yield %scan3A_118 : i32
    }
    %scan3A_16 = arith.constant 625 : i32
    "tpu.region"() ({
      %run_scoped3A = tpu.sem_alloc : memref<!tpu.dma_semaphore, #tpu.memory_space<semaphore_mem>>
      %dma_start3A = arith.constant 0 : i32
      %dma_start3A_17 = tpu.memref_slice %arg5[%add3A, %dma_start3A] : memref<32x10240xi32, #tpu.memory_space<hbm>> -> memref<1x10240xi32, #tpu.memory_space<hbm>>
      %dma_start3A_18 = tpu.memref_squeeze %dma_start3A_17 : memref<1x10240xi32, #tpu.memory_space<hbm>> -> memref<10240xi32, #tpu.memory_space<hbm>>
      %dma_start3A_19 = arith.constant 0 : i32
      %dma_start3A_20 = tpu.memref_slice %arg5[%add3A, %dma_start3A_19] : memref<32x10240xi32, #tpu.memory_space<hbm>> -> memref<1x10240xi32, #tpu.memory_space<hbm>>
      %dma_start3A_21 = tpu.memref_squeeze %dma_start3A_20 : memref<1x10240xi32, #tpu.memory_space<hbm>> -> memref<10240xi32, #tpu.memory_space<hbm>>
      tpu.enqueue_dma source(%arg9 : memref<10240xi32, #tpu.memory_space<vmem>>) target(%dma_start3A_21 : memref<10240xi32, #tpu.memory_space<hbm>>) target_semaphore(%run_scoped3A : memref<!tpu.dma_semaphore, #tpu.memory_space<semaphore_mem>>)
      %dma_wait3A = arith.constant 0 : i32
      %dma_wait3A_22 = tpu.memref_slice %arg5[%add3A, %dma_wait3A] : memref<32x10240xi32, #tpu.memory_space<hbm>> -> memref<1x10240xi32, #tpu.memory_space<hbm>>
      %dma_wait3A_23 = tpu.memref_squeeze %dma_wait3A_22 : memref<1x10240xi32, #tpu.memory_space<hbm>> -> memref<10240xi32, #tpu.memory_space<hbm>>
      %dma_wait3A_24 = arith.constant 0 : i32
      %dma_wait3A_25 = tpu.memref_slice %arg5[%add3A, %dma_wait3A_24] : memref<32x10240xi32, #tpu.memory_space<hbm>> -> memref<1x10240xi32, #tpu.memory_space<hbm>>
      %dma_wait3A_26 = tpu.memref_squeeze %dma_wait3A_25 : memref<1x10240xi32, #tpu.memory_space<hbm>> -> memref<10240xi32, #tpu.memory_space<hbm>>
      tpu.wait_dma2 semaphore(%run_scoped3A : memref<!tpu.dma_semaphore, #tpu.memory_space<semaphore_mem>>) src(%arg9 : memref<10240xi32, #tpu.memory_space<vmem>>) dst(%dma_wait3A_26 : memref<10240xi32, #tpu.memory_space<hbm>>)
      tpu.yield
    }) : () -> ()
    return
  }
}

#map = affine_map<(d0, d1) -> (0, 0)>
#map1 = affine_map<(d0, d1) -> (0)>
module attributes {stable_mosaic.version = 14 : i64} {
  func.func @_k_merge_max(%arg0: i32, %arg1: i32, %arg2: memref<32x10240xf32, #tpu.memory_space<hbm>>, %arg3: memref<10240xf32, #tpu.memory_space<hbm>>, %arg4: memref<32x320xf32, #tpu.memory_space<vmem>>, %arg5: memref<320xf32, #tpu.memory_space<vmem>>) attributes {dimension_semantics = [#tpu.dimension_semantics<core_parallel>, #tpu.dimension_semantics<subcore_parallel>], iteration_bounds = array<i64: 2, 16>, scalar_prefetch = 0 : i64, scratch_operands = 2 : i64, tpu.core_type = #tpu.core_type<sc_vector_subcore>, window_params = [{transform_indices = #map}, {transform_indices = #map1}]} {
    %mul3A = arith.constant 2 : i32
    %mul3A_0 = arith.muli %arg1, %mul3A : i32
    %add3A = arith.addi %mul3A_0, %arg0 : i32
    %mul3A_1 = arith.constant 320 : i32
    %mul3A_2 = arith.muli %add3A, %mul3A_1 : i32
    "tpu.region"() ({
      %run_scoped3A = tpu.sem_alloc : memref<!tpu.dma_semaphore, #tpu.memory_space<semaphore_mem>>
      %dma_start3A = arith.constant 0 : i32
      %dma_start3A_9 = tpu.memref_slice %arg2[%dma_start3A, %mul3A_2] : memref<32x10240xf32, #tpu.memory_space<hbm>> -> memref<32x320xf32, #tpu.memory_space<hbm>>
      %dma_start3A_10 = arith.constant 0 : i32
      %dma_start3A_11 = tpu.memref_slice %arg2[%dma_start3A_10, %mul3A_2] : memref<32x10240xf32, #tpu.memory_space<hbm>> -> memref<32x320xf32, #tpu.memory_space<hbm>>
      tpu.enqueue_dma source(%dma_start3A_11 : memref<32x320xf32, #tpu.memory_space<hbm>>) target(%arg4 : memref<32x320xf32, #tpu.memory_space<vmem>>) target_semaphore(%run_scoped3A : memref<!tpu.dma_semaphore, #tpu.memory_space<semaphore_mem>>)
      %dma_wait3A = arith.constant 0 : i32
      %dma_wait3A_12 = tpu.memref_slice %arg2[%dma_wait3A, %mul3A_2] : memref<32x10240xf32, #tpu.memory_space<hbm>> -> memref<32x320xf32, #tpu.memory_space<hbm>>
      %dma_wait3A_13 = arith.constant 0 : i32
      %dma_wait3A_14 = tpu.memref_slice %arg2[%dma_wait3A_13, %mul3A_2] : memref<32x10240xf32, #tpu.memory_space<hbm>> -> memref<32x320xf32, #tpu.memory_space<hbm>>
      tpu.wait_dma2 semaphore(%run_scoped3A : memref<!tpu.dma_semaphore, #tpu.memory_space<semaphore_mem>>) src(%dma_wait3A_14 : memref<32x320xf32, #tpu.memory_space<hbm>>) dst(%arg4 : memref<32x320xf32, #tpu.memory_space<vmem>>)
      tpu.yield
    }) : () -> ()
    %scan3A = arith.constant 0 : i32
    %scan3A_3 = arith.constant 0 : i32
    %scan3A_4 = arith.constant 20 : i32
    %scan3A_5 = arith.addi %scan3A_3, %scan3A_4 : i32
    %scan3A_6 = arith.constant 1 : i32
    %scan3A_7 = scf.for %scan3A_9 = %scan3A_3 to %scan3A_5 step %scan3A_6 iter_args(%scan3A_10 = %scan3A) -> (i32)  : i32 {
      %mul3A_11 = arith.constant 16 : i32
      %mul3A_12 = arith.muli %scan3A_9, %mul3A_11 : i32
      %get3A = arith.constant 0 : i32
      %get3A_13 = arith.index_cast %get3A : i32 to index
      %get3A_14 = arith.index_cast %mul3A_12 : i32 to index
      %get3A_15 = tpu.vector_load %arg4[%get3A_13, %get3A_14] {strides = array<i32>} : memref<32x320xf32, #tpu.memory_space<vmem>>, vector<16xf32>,
      %mul3A_16 = arith.constant 16 : i32
      %mul3A_17 = arith.muli %scan3A_9, %mul3A_16 : i32
      %get3A_18 = arith.constant 1 : i32
      %get3A_19 = arith.index_cast %get3A_18 : i32 to index
      %get3A_20 = arith.index_cast %mul3A_17 : i32 to index
      %get3A_21 = tpu.vector_load %arg4[%get3A_19, %get3A_20] {strides = array<i32>} : memref<32x320xf32, #tpu.memory_space<vmem>>, vector<16xf32>,
      %max3A = arith.maximumf %get3A_15, %get3A_21 : vector<16xf32>
      %mul3A_22 = arith.constant 16 : i32
      %mul3A_23 = arith.muli %scan3A_9, %mul3A_22 : i32
      %get3A_24 = arith.constant 2 : i32
      %get3A_25 = arith.index_cast %get3A_24 : i32 to index
      %get3A_26 = arith.index_cast %mul3A_23 : i32 to index
      %get3A_27 = tpu.vector_load %arg4[%get3A_25, %get3A_26] {strides = array<i32>} : memref<32x320xf32, #tpu.memory_space<vmem>>, vector<16xf32>,
      %max3A_28 = arith.maximumf %max3A, %get3A_27 : vector<16xf32>
      %mul3A_29 = arith.constant 16 : i32
      %mul3A_30 = arith.muli %scan3A_9, %mul3A_29 : i32
      %get3A_31 = arith.constant 3 : i32
      %get3A_32 = arith.index_cast %get3A_31 : i32 to index
      %get3A_33 = arith.index_cast %mul3A_30 : i32 to index
      %get3A_34 = tpu.vector_load %arg4[%get3A_32, %get3A_33] {strides = array<i32>} : memref<32x320xf32, #tpu.memory_space<vmem>>, vector<16xf32>,
      %max3A_35 = arith.maximumf %max3A_28, %get3A_34 : vector<16xf32>
      %mul3A_36 = arith.constant 16 : i32
      %mul3A_37 = arith.muli %scan3A_9, %mul3A_36 : i32
      %get3A_38 = arith.constant 4 : i32
      %get3A_39 = arith.index_cast %get3A_38 : i32 to index
      %get3A_40 = arith.index_cast %mul3A_37 : i32 to index
      %get3A_41 = tpu.vector_load %arg4[%get3A_39, %get3A_40] {strides = array<i32>} : memref<32x320xf32, #tpu.memory_space<vmem>>, vector<16xf32>,
      %max3A_42 = arith.maximumf %max3A_35, %get3A_41 : vector<16xf32>
      %mul3A_43 = arith.constant 16 : i32
      %mul3A_44 = arith.muli %scan3A_9, %mul3A_43 : i32
      %get3A_45 = arith.constant 5 : i32
      %get3A_46 = arith.index_cast %get3A_45 : i32 to index
      %get3A_47 = arith.index_cast %mul3A_44 : i32 to index
      %get3A_48 = tpu.vector_load %arg4[%get3A_46, %get3A_47] {strides = array<i32>} : memref<32x320xf32, #tpu.memory_space<vmem>>, vector<16xf32>,
      %max3A_49 = arith.maximumf %max3A_42, %get3A_48 : vector<16xf32>
      %mul3A_50 = arith.constant 16 : i32
      %mul3A_51 = arith.muli %scan3A_9, %mul3A_50 : i32
      %get3A_52 = arith.constant 6 : i32
      %get3A_53 = arith.index_cast %get3A_52 : i32 to index
      %get3A_54 = arith.index_cast %mul3A_51 : i32 to index
      %get3A_55 = tpu.vector_load %arg4[%get3A_53, %get3A_54] {strides = array<i32>} : memref<32x320xf32, #tpu.memory_space<vmem>>, vector<16xf32>,
      %max3A_56 = arith.maximumf %max3A_49, %get3A_55 : vector<16xf32>
      %mul3A_57 = arith.constant 16 : i32
      %mul3A_58 = arith.muli %scan3A_9, %mul3A_57 : i32
      %get3A_59 = arith.constant 7 : i32
      %get3A_60 = arith.index_cast %get3A_59 : i32 to index
      %get3A_61 = arith.index_cast %mul3A_58 : i32 to index
      %get3A_62 = tpu.vector_load %arg4[%get3A_60, %get3A_61] {strides = array<i32>} : memref<32x320xf32, #tpu.memory_space<vmem>>, vector<16xf32>,
      %max3A_63 = arith.maximumf %max3A_56, %get3A_62 : vector<16xf32>
      %mul3A_64 = arith.constant 16 : i32
      %mul3A_65 = arith.muli %scan3A_9, %mul3A_64 : i32
      %get3A_66 = arith.constant 8 : i32
      %get3A_67 = arith.index_cast %get3A_66 : i32 to index
      %get3A_68 = arith.index_cast %mul3A_65 : i32 to index
      %get3A_69 = tpu.vector_load %arg4[%get3A_67, %get3A_68] {strides = array<i32>} : memref<32x320xf32, #tpu.memory_space<vmem>>, vector<16xf32>,
      %max3A_70 = arith.maximumf %max3A_63, %get3A_69 : vector<16xf32>
      %mul3A_71 = arith.constant 16 : i32
      %mul3A_72 = arith.muli %scan3A_9, %mul3A_71 : i32
      %get3A_73 = arith.constant 9 : i32
      %get3A_74 = arith.index_cast %get3A_73 : i32 to index
      %get3A_75 = arith.index_cast %mul3A_72 : i32 to index
      %get3A_76 = tpu.vector_load %arg4[%get3A_74, %get3A_75] {strides = array<i32>} : memref<32x320xf32, #tpu.memory_space<vmem>>, vector<16xf32>,
      %max3A_77 = arith.maximumf %max3A_70, %get3A_76 : vector<16xf32>
      %mul3A_78 = arith.constant 16 : i32
      %mul3A_79 = arith.muli %scan3A_9, %mul3A_78 : i32
      %get3A_80 = arith.constant 10 : i32
      %get3A_81 = arith.index_cast %get3A_80 : i32 to index
      %get3A_82 = arith.index_cast %mul3A_79 : i32 to index
      %get3A_83 = tpu.vector_load %arg4[%get3A_81, %get3A_82] {strides = array<i32>} : memref<32x320xf32, #tpu.memory_space<vmem>>, vector<16xf32>,
      %max3A_84 = arith.maximumf %max3A_77, %get3A_83 : vector<16xf32>
      %mul3A_85 = arith.constant 16 : i32
      %mul3A_86 = arith.muli %scan3A_9, %mul3A_85 : i32
      %get3A_87 = arith.constant 11 : i32
      %get3A_88 = arith.index_cast %get3A_87 : i32 to index
      %get3A_89 = arith.index_cast %mul3A_86 : i32 to index
      %get3A_90 = tpu.vector_load %arg4[%get3A_88, %get3A_89] {strides = array<i32>} : memref<32x320xf32, #tpu.memory_space<vmem>>, vector<16xf32>,
      %max3A_91 = arith.maximumf %max3A_84, %get3A_90 : vector<16xf32>
      %mul3A_92 = arith.constant 16 : i32
      %mul3A_93 = arith.muli %scan3A_9, %mul3A_92 : i32
      %get3A_94 = arith.constant 12 : i32
      %get3A_95 = arith.index_cast %get3A_94 : i32 to index
      %get3A_96 = arith.index_cast %mul3A_93 : i32 to index
      %get3A_97 = tpu.vector_load %arg4[%get3A_95, %get3A_96] {strides = array<i32>} : memref<32x320xf32, #tpu.memory_space<vmem>>, vector<16xf32>,
      %max3A_98 = arith.maximumf %max3A_91, %get3A_97 : vector<16xf32>
      %mul3A_99 = arith.constant 16 : i32
      %mul3A_100 = arith.muli %scan3A_9, %mul3A_99 : i32
      %get3A_101 = arith.constant 13 : i32
      %get3A_102 = arith.index_cast %get3A_101 : i32 to index
      %get3A_103 = arith.index_cast %mul3A_100 : i32 to index
      %get3A_104 = tpu.vector_load %arg4[%get3A_102, %get3A_103] {strides = array<i32>} : memref<32x320xf32, #tpu.memory_space<vmem>>, vector<16xf32>,
      %max3A_105 = arith.maximumf %max3A_98, %get3A_104 : vector<16xf32>
      %mul3A_106 = arith.constant 16 : i32
      %mul3A_107 = arith.muli %scan3A_9, %mul3A_106 : i32
      %get3A_108 = arith.constant 14 : i32
      %get3A_109 = arith.index_cast %get3A_108 : i32 to index
      %get3A_110 = arith.index_cast %mul3A_107 : i32 to index
      %get3A_111 = tpu.vector_load %arg4[%get3A_109, %get3A_110] {strides = array<i32>} : memref<32x320xf32, #tpu.memory_space<vmem>>, vector<16xf32>,
      %max3A_112 = arith.maximumf %max3A_105, %get3A_111 : vector<16xf32>
      %mul3A_113 = arith.constant 16 : i32
      %mul3A_114 = arith.muli %scan3A_9, %mul3A_113 : i32
      %get3A_115 = arith.constant 15 : i32
      %get3A_116 = arith.index_cast %get3A_115 : i32 to index
      %get3A_117 = arith.index_cast %mul3A_114 : i32 to index
      %get3A_118 = tpu.vector_load %arg4[%get3A_116, %get3A_117] {strides = array<i32>} : memref<32x320xf32, #tpu.memory_space<vmem>>, vector<16xf32>,
      %max3A_119 = arith.maximumf %max3A_112, %get3A_118 : vector<16xf32>
      %mul3A_120 = arith.constant 16 : i32
      %mul3A_121 = arith.muli %scan3A_9, %mul3A_120 : i32
      %get3A_122 = arith.constant 16 : i32
      %get3A_123 = arith.index_cast %get3A_122 : i32 to index
      %get3A_124 = arith.index_cast %mul3A_121 : i32 to index
      %get3A_125 = tpu.vector_load %arg4[%get3A_123, %get3A_124] {strides = array<i32>} : memref<32x320xf32, #tpu.memory_space<vmem>>, vector<16xf32>,
      %max3A_126 = arith.maximumf %max3A_119, %get3A_125 : vector<16xf32>
      %mul3A_127 = arith.constant 16 : i32
      %mul3A_128 = arith.muli %scan3A_9, %mul3A_127 : i32
      %get3A_129 = arith.constant 17 : i32
      %get3A_130 = arith.index_cast %get3A_129 : i32 to index
      %get3A_131 = arith.index_cast %mul3A_128 : i32 to index
      %get3A_132 = tpu.vector_load %arg4[%get3A_130, %get3A_131] {strides = array<i32>} : memref<32x320xf32, #tpu.memory_space<vmem>>, vector<16xf32>,
      %max3A_133 = arith.maximumf %max3A_126, %get3A_132 : vector<16xf32>
      %mul3A_134 = arith.constant 16 : i32
      %mul3A_135 = arith.muli %scan3A_9, %mul3A_134 : i32
      %get3A_136 = arith.constant 18 : i32
      %get3A_137 = arith.index_cast %get3A_136 : i32 to index
      %get3A_138 = arith.index_cast %mul3A_135 : i32 to index
      %get3A_139 = tpu.vector_load %arg4[%get3A_137, %get3A_138] {strides = array<i32>} : memref<32x320xf32, #tpu.memory_space<vmem>>, vector<16xf32>,
      %max3A_140 = arith.maximumf %max3A_133, %get3A_139 : vector<16xf32>
      %mul3A_141 = arith.constant 16 : i32
      %mul3A_142 = arith.muli %scan3A_9, %mul3A_141 : i32
      %get3A_143 = arith.constant 19 : i32
      %get3A_144 = arith.index_cast %get3A_143 : i32 to index
      %get3A_145 = arith.index_cast %mul3A_142 : i32 to index
      %get3A_146 = tpu.vector_load %arg4[%get3A_144, %get3A_145] {strides = array<i32>} : memref<32x320xf32, #tpu.memory_space<vmem>>, vector<16xf32>,
      %max3A_147 = arith.maximumf %max3A_140, %get3A_146 : vector<16xf32>
      %mul3A_148 = arith.constant 16 : i32
      %mul3A_149 = arith.muli %scan3A_9, %mul3A_148 : i32
      %get3A_150 = arith.constant 20 : i32
      %get3A_151 = arith.index_cast %get3A_150 : i32 to index
      %get3A_152 = arith.index_cast %mul3A_149 : i32 to index
      %get3A_153 = tpu.vector_load %arg4[%get3A_151, %get3A_152] {strides = array<i32>} : memref<32x320xf32, #tpu.memory_space<vmem>>, vector<16xf32>,
      %max3A_154 = arith.maximumf %max3A_147, %get3A_153 : vector<16xf32>
      %mul3A_155 = arith.constant 16 : i32
      %mul3A_156 = arith.muli %scan3A_9, %mul3A_155 : i32
      %get3A_157 = arith.constant 21 : i32
      %get3A_158 = arith.index_cast %get3A_157 : i32 to index
      %get3A_159 = arith.index_cast %mul3A_156 : i32 to index
      %get3A_160 = tpu.vector_load %arg4[%get3A_158, %get3A_159] {strides = array<i32>} : memref<32x320xf32, #tpu.memory_space<vmem>>, vector<16xf32>,
      %max3A_161 = arith.maximumf %max3A_154, %get3A_160 : vector<16xf32>
      %mul3A_162 = arith.constant 16 : i32
      %mul3A_163 = arith.muli %scan3A_9, %mul3A_162 : i32
      %get3A_164 = arith.constant 22 : i32
      %get3A_165 = arith.index_cast %get3A_164 : i32 to index
      %get3A_166 = arith.index_cast %mul3A_163 : i32 to index
      %get3A_167 = tpu.vector_load %arg4[%get3A_165, %get3A_166] {strides = array<i32>} : memref<32x320xf32, #tpu.memory_space<vmem>>, vector<16xf32>,
      %max3A_168 = arith.maximumf %max3A_161, %get3A_167 : vector<16xf32>
      %mul3A_169 = arith.constant 16 : i32
      %mul3A_170 = arith.muli %scan3A_9, %mul3A_169 : i32
      %get3A_171 = arith.constant 23 : i32
      %get3A_172 = arith.index_cast %get3A_171 : i32 to index
      %get3A_173 = arith.index_cast %mul3A_170 : i32 to index
      %get3A_174 = tpu.vector_load %arg4[%get3A_172, %get3A_173] {strides = array<i32>} : memref<32x320xf32, #tpu.memory_space<vmem>>, vector<16xf32>,
      %max3A_175 = arith.maximumf %max3A_168, %get3A_174 : vector<16xf32>
      %mul3A_176 = arith.constant 16 : i32
      %mul3A_177 = arith.muli %scan3A_9, %mul3A_176 : i32
      %get3A_178 = arith.constant 24 : i32
      %get3A_179 = arith.index_cast %get3A_178 : i32 to index
      %get3A_180 = arith.index_cast %mul3A_177 : i32 to index
      %get3A_181 = tpu.vector_load %arg4[%get3A_179, %get3A_180] {strides = array<i32>} : memref<32x320xf32, #tpu.memory_space<vmem>>, vector<16xf32>,
      %max3A_182 = arith.maximumf %max3A_175, %get3A_181 : vector<16xf32>
      %mul3A_183 = arith.constant 16 : i32
      %mul3A_184 = arith.muli %scan3A_9, %mul3A_183 : i32
      %get3A_185 = arith.constant 25 : i32
      %get3A_186 = arith.index_cast %get3A_185 : i32 to index
      %get3A_187 = arith.index_cast %mul3A_184 : i32 to index
      %get3A_188 = tpu.vector_load %arg4[%get3A_186, %get3A_187] {strides = array<i32>} : memref<32x320xf32, #tpu.memory_space<vmem>>, vector<16xf32>,
      %max3A_189 = arith.maximumf %max3A_182, %get3A_188 : vector<16xf32>
      %mul3A_190 = arith.constant 16 : i32
      %mul3A_191 = arith.muli %scan3A_9, %mul3A_190 : i32
      %get3A_192 = arith.constant 26 : i32
      %get3A_193 = arith.index_cast %get3A_192 : i32 to index
      %get3A_194 = arith.index_cast %mul3A_191 : i32 to index
      %get3A_195 = tpu.vector_load %arg4[%get3A_193, %get3A_194] {strides = array<i32>} : memref<32x320xf32, #tpu.memory_space<vmem>>, vector<16xf32>,
      %max3A_196 = arith.maximumf %max3A_189, %get3A_195 : vector<16xf32>
      %mul3A_197 = arith.constant 16 : i32
      %mul3A_198 = arith.muli %scan3A_9, %mul3A_197 : i32
      %get3A_199 = arith.constant 27 : i32
      %get3A_200 = arith.index_cast %get3A_199 : i32 to index
      %get3A_201 = arith.index_cast %mul3A_198 : i32 to index
      %get3A_202 = tpu.vector_load %arg4[%get3A_200, %get3A_201] {strides = array<i32>} : memref<32x320xf32, #tpu.memory_space<vmem>>, vector<16xf32>,
      %max3A_203 = arith.maximumf %max3A_196, %get3A_202 : vector<16xf32>
      %mul3A_204 = arith.constant 16 : i32
      %mul3A_205 = arith.muli %scan3A_9, %mul3A_204 : i32
      %get3A_206 = arith.constant 28 : i32
      %get3A_207 = arith.index_cast %get3A_206 : i32 to index
      %get3A_208 = arith.index_cast %mul3A_205 : i32 to index
      %get3A_209 = tpu.vector_load %arg4[%get3A_207, %get3A_208] {strides = array<i32>} : memref<32x320xf32, #tpu.memory_space<vmem>>, vector<16xf32>,
      %max3A_210 = arith.maximumf %max3A_203, %get3A_209 : vector<16xf32>
      %mul3A_211 = arith.constant 16 : i32
      %mul3A_212 = arith.muli %scan3A_9, %mul3A_211 : i32
      %get3A_213 = arith.constant 29 : i32
      %get3A_214 = arith.index_cast %get3A_213 : i32 to index
      %get3A_215 = arith.index_cast %mul3A_212 : i32 to index
      %get3A_216 = tpu.vector_load %arg4[%get3A_214, %get3A_215] {strides = array<i32>} : memref<32x320xf32, #tpu.memory_space<vmem>>, vector<16xf32>,
      %max3A_217 = arith.maximumf %max3A_210, %get3A_216 : vector<16xf32>
      %mul3A_218 = arith.constant 16 : i32
      %mul3A_219 = arith.muli %scan3A_9, %mul3A_218 : i32
      %get3A_220 = arith.constant 30 : i32
      %get3A_221 = arith.index_cast %get3A_220 : i32 to index
      %get3A_222 = arith.index_cast %mul3A_219 : i32 to index
      %get3A_223 = tpu.vector_load %arg4[%get3A_221, %get3A_222] {strides = array<i32>} : memref<32x320xf32, #tpu.memory_space<vmem>>, vector<16xf32>,
      %max3A_224 = arith.maximumf %max3A_217, %get3A_223 : vector<16xf32>
      %mul3A_225 = arith.constant 16 : i32
      %mul3A_226 = arith.muli %scan3A_9, %mul3A_225 : i32
      %get3A_227 = arith.constant 31 : i32
      %get3A_228 = arith.index_cast %get3A_227 : i32 to index
      %get3A_229 = arith.index_cast %mul3A_226 : i32 to index
      %get3A_230 = tpu.vector_load %arg4[%get3A_228, %get3A_229] {strides = array<i32>} : memref<32x320xf32, #tpu.memory_space<vmem>>, vector<16xf32>,
      %max3A_231 = arith.maximumf %max3A_224, %get3A_230 : vector<16xf32>
      %mul3A_232 = arith.constant 16 : i32
      %mul3A_233 = arith.muli %scan3A_9, %mul3A_232 : i32
      %swap3A = arith.index_cast %mul3A_233 : i32 to index
      %swap3A_234 = tpu.vector_load %arg5[%swap3A] {strides = array<i32>} : memref<320xf32, #tpu.memory_space<vmem>>, vector<16xf32>,
      tpu.vector_store %arg5[%swap3A], %max3A_231 {strides = array<i32>} : memref<320xf32, #tpu.memory_space<vmem>>, vector<16xf32>,
      %scan3A_235 = arith.constant 0 : i32
      scf.yield %scan3A_235 : i32
    }
    %scan3A_8 = arith.constant 20 : i32
    "tpu.region"() ({
      %run_scoped3A = tpu.sem_alloc : memref<!tpu.dma_semaphore, #tpu.memory_space<semaphore_mem>>
      %dma_start3A = tpu.memref_slice %arg3[%mul3A_2] : memref<10240xf32, #tpu.memory_space<hbm>> -> memref<320xf32, #tpu.memory_space<hbm>>
      %dma_start3A_9 = tpu.memref_slice %arg3[%mul3A_2] : memref<10240xf32, #tpu.memory_space<hbm>> -> memref<320xf32, #tpu.memory_space<hbm>>
      tpu.enqueue_dma source(%arg5 : memref<320xf32, #tpu.memory_space<vmem>>) target(%dma_start3A_9 : memref<320xf32, #tpu.memory_space<hbm>>) target_semaphore(%run_scoped3A : memref<!tpu.dma_semaphore, #tpu.memory_space<semaphore_mem>>)
      %dma_wait3A = tpu.memref_slice %arg3[%mul3A_2] : memref<10240xf32, #tpu.memory_space<hbm>> -> memref<320xf32, #tpu.memory_space<hbm>>
      %dma_wait3A_10 = tpu.memref_slice %arg3[%mul3A_2] : memref<10240xf32, #tpu.memory_space<hbm>> -> memref<320xf32, #tpu.memory_space<hbm>>
      tpu.wait_dma2 semaphore(%run_scoped3A : memref<!tpu.dma_semaphore, #tpu.memory_space<semaphore_mem>>) src(%arg5 : memref<320xf32, #tpu.memory_space<vmem>>) dst(%dma_wait3A_10 : memref<320xf32, #tpu.memory_space<hbm>>)
      tpu.yield
    }) : () -> ()
    return
  }
}

#map = affine_map<(d0, d1) -> (0)>
#map1 = affine_map<(d0, d1) -> (0, 0)>
module attributes {stable_mosaic.version = 14 : i64} {
  func.func @_k_seg_max_ts(%arg0: i32, %arg1: i32, %arg2: memref<320000xi32, #tpu.memory_space<hbm>>, %arg3: memref<320000xf32, #tpu.memory_space<hbm>>, %arg4: memref<32x10240xf32, #tpu.memory_space<hbm>>, %arg5: memref<10000xi32, #tpu.memory_space<vmem>>, %arg6: memref<10000xf32, #tpu.memory_space<vmem>>, %arg7: memref<10240xf32, #tpu.memory_space<vmem>>) attributes {dimension_semantics = [#tpu.dimension_semantics<core_parallel>, #tpu.dimension_semantics<subcore_parallel>], iteration_bounds = array<i64: 2, 16>, scalar_prefetch = 0 : i64, scratch_operands = 3 : i64, tpu.core_type = #tpu.core_type<sc_vector_subcore>, window_params = [{transform_indices = #map}, {transform_indices = #map}, {transform_indices = #map1}]} {
    %mul3A = arith.constant 2 : i32
    %mul3A_0 = arith.muli %arg1, %mul3A : i32
    %add3A = arith.addi %mul3A_0, %arg0 : i32
    %mul3A_1 = arith.constant 10000 : i32
    %mul3A_2 = arith.muli %add3A, %mul3A_1 : i32
    "tpu.region"() ({
      %run_scoped3A = tpu.sem_alloc : memref<!tpu.dma_semaphore, #tpu.memory_space<semaphore_mem>>
      %dma_start3A = tpu.memref_slice %arg2[%mul3A_2] : memref<320000xi32, #tpu.memory_space<hbm>> -> memref<10000xi32, #tpu.memory_space<hbm>>
      %dma_start3A_17 = tpu.memref_slice %arg2[%mul3A_2] : memref<320000xi32, #tpu.memory_space<hbm>> -> memref<10000xi32, #tpu.memory_space<hbm>>
      tpu.enqueue_dma source(%dma_start3A_17 : memref<10000xi32, #tpu.memory_space<hbm>>) target(%arg5 : memref<10000xi32, #tpu.memory_space<vmem>>) target_semaphore(%run_scoped3A : memref<!tpu.dma_semaphore, #tpu.memory_space<semaphore_mem>>)
      %dma_wait3A = tpu.memref_slice %arg2[%mul3A_2] : memref<320000xi32, #tpu.memory_space<hbm>> -> memref<10000xi32, #tpu.memory_space<hbm>>
      %dma_wait3A_18 = tpu.memref_slice %arg2[%mul3A_2] : memref<320000xi32, #tpu.memory_space<hbm>> -> memref<10000xi32, #tpu.memory_space<hbm>>
      tpu.wait_dma2 semaphore(%run_scoped3A : memref<!tpu.dma_semaphore, #tpu.memory_space<semaphore_mem>>) src(%dma_wait3A_18 : memref<10000xi32, #tpu.memory_space<hbm>>) dst(%arg5 : memref<10000xi32, #tpu.memory_space<vmem>>)
      tpu.yield
    }) : () -> ()
    "tpu.region"() ({
      %run_scoped3A = tpu.sem_alloc : memref<!tpu.dma_semaphore, #tpu.memory_space<semaphore_mem>>
      %dma_start3A = tpu.memref_slice %arg3[%mul3A_2] : memref<320000xf32, #tpu.memory_space<hbm>> -> memref<10000xf32, #tpu.memory_space<hbm>>
      %dma_start3A_17 = tpu.memref_slice %arg3[%mul3A_2] : memref<320000xf32, #tpu.memory_space<hbm>> -> memref<10000xf32, #tpu.memory_space<hbm>>
      tpu.enqueue_dma source(%dma_start3A_17 : memref<10000xf32, #tpu.memory_space<hbm>>) target(%arg6 : memref<10000xf32, #tpu.memory_space<vmem>>) target_semaphore(%run_scoped3A : memref<!tpu.dma_semaphore, #tpu.memory_space<semaphore_mem>>)
      %dma_wait3A = tpu.memref_slice %arg3[%mul3A_2] : memref<320000xf32, #tpu.memory_space<hbm>> -> memref<10000xf32, #tpu.memory_space<hbm>>
      %dma_wait3A_18 = tpu.memref_slice %arg3[%mul3A_2] : memref<320000xf32, #tpu.memory_space<hbm>> -> memref<10000xf32, #tpu.memory_space<hbm>>
      tpu.wait_dma2 semaphore(%run_scoped3A : memref<!tpu.dma_semaphore, #tpu.memory_space<semaphore_mem>>) src(%dma_wait3A_18 : memref<10000xf32, #tpu.memory_space<hbm>>) dst(%arg6 : memref<10000xf32, #tpu.memory_space<vmem>>)
      tpu.yield
    }) : () -> ()
    %broadcast_in_dim3A = arith.constant 0xFF800000 : f32
    %broadcast_in_dim3A_3 = vector.broadcast %broadcast_in_dim3A : f32 to vector<16xf32>
    %scan3A = arith.constant 0 : i32
    %scan3A_4 = arith.constant 0 : i32
    %scan3A_5 = arith.constant 640 : i32
    %scan3A_6 = arith.addi %scan3A_4, %scan3A_5 : i32
    %scan3A_7 = arith.constant 1 : i32
    %scan3A_8 = scf.for %scan3A_17 = %scan3A_4 to %scan3A_6 step %scan3A_7 iter_args(%scan3A_18 = %scan3A) -> (i32)  : i32 {
      %mul3A_19 = arith.constant 16 : i32
      %mul3A_20 = arith.muli %scan3A_17, %mul3A_19 : i32
      %swap3A = arith.index_cast %mul3A_20 : i32 to index
      %swap3A_21 = tpu.vector_load %arg7[%swap3A] {strides = array<i32>} : memref<10240xf32, #tpu.memory_space<vmem>>, vector<16xf32>,
      tpu.vector_store %arg7[%swap3A], %broadcast_in_dim3A_3 {strides = array<i32>} : memref<10240xf32, #tpu.memory_space<vmem>>, vector<16xf32>,
      %scan3A_22 = arith.constant 0 : i32
      scf.yield %scan3A_22 : i32
    }
    %scan3A_9 = arith.constant 640 : i32
    %scan3A_10 = arith.constant 0 : i32
    %scan3A_11 = arith.constant 0 : i32
    %scan3A_12 = arith.constant 625 : i32
    %scan3A_13 = arith.addi %scan3A_11, %scan3A_12 : i32
    %scan3A_14 = arith.constant 1 : i32
    %scan3A_15 = scf.for %scan3A_17 = %scan3A_11 to %scan3A_13 step %scan3A_14 iter_args(%scan3A_18 = %scan3A_10) -> (i32)  : i32 {
      %mul3A_19 = arith.constant 16 : i32
      %mul3A_20 = arith.muli %scan3A_17, %mul3A_19 : i32
      %get3A = arith.index_cast %mul3A_20 : i32 to index
      %get3A_21 = tpu.vector_load %arg5[%get3A] {strides = array<i32>} : memref<10000xi32, #tpu.memory_space<vmem>>, vector<16xi32>,
      %mul3A_22 = arith.constant 16 : i32
      %mul3A_23 = arith.muli %scan3A_17, %mul3A_22 : i32
      %get3A_24 = arith.index_cast %mul3A_23 : i32 to index
      %get3A_25 = tpu.vector_load %arg6[%get3A_24] {strides = array<i32>} : memref<10000xf32, #tpu.memory_space<vmem>>, vector<16xf32>,
      %broadcast_in_dim3A_26 = arith.constant true
      %broadcast_in_dim3A_27 = vector.broadcast %broadcast_in_dim3A_26 : i1 to vector<16xi1>
      %iota3A = tpu.iota {dimensions = array<i32: 0>} : vector<16xi32>
      %jit3A = arith.constant 0xFF800000 : f32
      %broadcast_in_dim3A_28 = vector.broadcast %jit3A : f32 to vector<16xf32>
      %select_n3A = arith.select %broadcast_in_dim3A_27, %get3A_25, %broadcast_in_dim3A_28 : vector<16xi1>, vector<16xf32>
      %masked_sort3A = arith.constant dense<true> : vector<16xi1>
      %masked_sort3A_29 = arith.constant -2147483648 : i32
      %masked_sort3A_30 = vector.broadcast %masked_sort3A_29 : i32 to vector<16xi32>
      %masked_sort3A_31 = arith.xori %get3A_21, %masked_sort3A_30 : vector<16xi32>
      %masked_sort3A_32, %masked_sort3A_33, %masked_sort3A_34 = tpu.sort %masked_sort3A_31, %select_n3A masked %masked_sort3A : (vector<16xi32>, vector<16xf32>, vector<16xi1>) -> (vector<16xi1>, vector<16xi32>, vector<16xf32>)
      %masked_sort3A_35 = arith.xori %masked_sort3A_33, %masked_sort3A_30 : vector<16xi32>
      %add3A_36 = arith.constant 1 : i32
      %add3A_37 = vector.broadcast %add3A_36 : i32 to vector<16xi32>
      %add3A_38 = arith.addi %iota3A, %add3A_37 : vector<16xi32>
      %and3A = arith.constant 15 : i32
      %and3A_39 = vector.broadcast %and3A : i32 to vector<16xi32>
      %and3A_40 = arith.andi %add3A_38, %and3A_39 : vector<16xi32>
      %broadcast_in_dim3A_41 = vector.shape_cast %and3A_40 : vector<16xi32> to vector<16x1xi32>
      %gather3A = vector.shape_cast %broadcast_in_dim3A_41 : vector<16x1xi32> to vector<16xi32>
      %gather3A_42 = tpu.dynamic_gather %masked_sort3A_35[%gather3A] in [0] : vector<16xi32>, vector<16xi32> -> vector<16xi32>
      %broadcast_in_dim3A_43 = vector.shape_cast %and3A_40 : vector<16xi32> to vector<16x1xi32>
      %gather3A_44 = vector.shape_cast %broadcast_in_dim3A_43 : vector<16x1xi32> to vector<16xi32>
      %gather3A_45 = tpu.dynamic_gather %masked_sort3A_34[%gather3A_44] in [0] : vector<16xf32>, vector<16xi32> -> vector<16xf32>
      %eq3A = arith.cmpi eq, %masked_sort3A_35, %gather3A_42 : vector<16xi32>
      %jit3A_46 = arith.constant 0xFF800000 : f32
      %broadcast_in_dim3A_47 = vector.broadcast %jit3A_46 : f32 to vector<16xf32>
      %select_n3A_48 = arith.select %eq3A, %gather3A_45, %broadcast_in_dim3A_47 : vector<16xi1>, vector<16xf32>
      %max3A = arith.maximumf %masked_sort3A_34, %select_n3A_48 : vector<16xf32>
      %add3A_49 = arith.constant 2 : i32
      %add3A_50 = vector.broadcast %add3A_49 : i32 to vector<16xi32>
      %add3A_51 = arith.addi %iota3A, %add3A_50 : vector<16xi32>
      %and3A_52 = arith.constant 15 : i32
      %and3A_53 = vector.broadcast %and3A_52 : i32 to vector<16xi32>
      %and3A_54 = arith.andi %add3A_51, %and3A_53 : vector<16xi32>
      %broadcast_in_dim3A_55 = vector.shape_cast %and3A_54 : vector<16xi32> to vector<16x1xi32>
      %gather3A_56 = vector.shape_cast %broadcast_in_dim3A_55 : vector<16x1xi32> to vector<16xi32>
      %gather3A_57 = tpu.dynamic_gather %masked_sort3A_35[%gather3A_56] in [0] : vector<16xi32>, vector<16xi32> -> vector<16xi32>
      %broadcast_in_dim3A_58 = vector.shape_cast %and3A_54 : vector<16xi32> to vector<16x1xi32>
      %gather3A_59 = vector.shape_cast %broadcast_in_dim3A_58 : vector<16x1xi32> to vector<16xi32>
      %gather3A_60 = tpu.dynamic_gather %max3A[%gather3A_59] in [0] : vector<16xf32>, vector<16xi32> -> vector<16xf32>
      %eq3A_61 = arith.cmpi eq, %masked_sort3A_35, %gather3A_57 : vector<16xi32>
      %jit3A_62 = arith.constant 0xFF800000 : f32
      %broadcast_in_dim3A_63 = vector.broadcast %jit3A_62 : f32 to vector<16xf32>
      %select_n3A_64 = arith.select %eq3A_61, %gather3A_60, %broadcast_in_dim3A_63 : vector<16xi1>, vector<16xf32>
      %max3A_65 = arith.maximumf %max3A, %select_n3A_64 : vector<16xf32>
      %add3A_66 = arith.constant 4 : i32
      %add3A_67 = vector.broadcast %add3A_66 : i32 to vector<16xi32>
      %add3A_68 = arith.addi %iota3A, %add3A_67 : vector<16xi32>
      %and3A_69 = arith.constant 15 : i32
      %and3A_70 = vector.broadcast %and3A_69 : i32 to vector<16xi32>
      %and3A_71 = arith.andi %add3A_68, %and3A_70 : vector<16xi32>
      %broadcast_in_dim3A_72 = vector.shape_cast %and3A_71 : vector<16xi32> to vector<16x1xi32>
      %gather3A_73 = vector.shape_cast %broadcast_in_dim3A_72 : vector<16x1xi32> to vector<16xi32>
      %gather3A_74 = tpu.dynamic_gather %masked_sort3A_35[%gather3A_73] in [0] : vector<16xi32>, vector<16xi32> -> vector<16xi32>
      %broadcast_in_dim3A_75 = vector.shape_cast %and3A_71 : vector<16xi32> to vector<16x1xi32>
      %gather3A_76 = vector.shape_cast %broadcast_in_dim3A_75 : vector<16x1xi32> to vector<16xi32>
      %gather3A_77 = tpu.dynamic_gather %max3A_65[%gather3A_76] in [0] : vector<16xf32>, vector<16xi32> -> vector<16xf32>
      %eq3A_78 = arith.cmpi eq, %masked_sort3A_35, %gather3A_74 : vector<16xi32>
      %jit3A_79 = arith.constant 0xFF800000 : f32
      %broadcast_in_dim3A_80 = vector.broadcast %jit3A_79 : f32 to vector<16xf32>
      %select_n3A_81 = arith.select %eq3A_78, %gather3A_77, %broadcast_in_dim3A_80 : vector<16xi1>, vector<16xf32>
      %max3A_82 = arith.maximumf %max3A_65, %select_n3A_81 : vector<16xf32>
      %add3A_83 = arith.constant 8 : i32
      %add3A_84 = vector.broadcast %add3A_83 : i32 to vector<16xi32>
      %add3A_85 = arith.addi %iota3A, %add3A_84 : vector<16xi32>
      %and3A_86 = arith.constant 15 : i32
      %and3A_87 = vector.broadcast %and3A_86 : i32 to vector<16xi32>
      %and3A_88 = arith.andi %add3A_85, %and3A_87 : vector<16xi32>
      %broadcast_in_dim3A_89 = vector.shape_cast %and3A_88 : vector<16xi32> to vector<16x1xi32>
      %gather3A_90 = vector.shape_cast %broadcast_in_dim3A_89 : vector<16x1xi32> to vector<16xi32>
      %gather3A_91 = tpu.dynamic_gather %masked_sort3A_35[%gather3A_90] in [0] : vector<16xi32>, vector<16xi32> -> vector<16xi32>
      %broadcast_in_dim3A_92 = vector.shape_cast %and3A_88 : vector<16xi32> to vector<16x1xi32>
      %gather3A_93 = vector.shape_cast %broadcast_in_dim3A_92 : vector<16x1xi32> to vector<16xi32>
      %gather3A_94 = tpu.dynamic_gather %max3A_82[%gather3A_93] in [0] : vector<16xf32>, vector<16xi32> -> vector<16xf32>
      %eq3A_95 = arith.cmpi eq, %masked_sort3A_35, %gather3A_91 : vector<16xi32>
      %jit3A_96 = arith.constant 0xFF800000 : f32
      %broadcast_in_dim3A_97 = vector.broadcast %jit3A_96 : f32 to vector<16xf32>
      %select_n3A_98 = arith.select %eq3A_95, %gather3A_94, %broadcast_in_dim3A_97 : vector<16xi1>, vector<16xf32>
      %max3A_99 = arith.maximumf %max3A_82, %select_n3A_98 : vector<16xf32>
      %sub3A = arith.constant 1 : i32
      %sub3A_100 = vector.broadcast %sub3A : i32 to vector<16xi32>
      %sub3A_101 = arith.subi %iota3A, %sub3A_100 : vector<16xi32>
      %and3A_102 = arith.constant 15 : i32
      %and3A_103 = vector.broadcast %and3A_102 : i32 to vector<16xi32>
      %and3A_104 = arith.andi %sub3A_101, %and3A_103 : vector<16xi32>
      %broadcast_in_dim3A_105 = vector.shape_cast %and3A_104 : vector<16xi32> to vector<16x1xi32>
      %gather3A_106 = vector.shape_cast %broadcast_in_dim3A_105 : vector<16x1xi32> to vector<16xi32>
      %gather3A_107 = tpu.dynamic_gather %masked_sort3A_35[%gather3A_106] in [0] : vector<16xi32>, vector<16xi32> -> vector<16xi32>
      %eq3A_108 = arith.constant 0 : i32
      %eq3A_109 = vector.broadcast %eq3A_108 : i32 to vector<16xi32>
      %eq3A_110 = arith.cmpi eq, %iota3A, %eq3A_109 : vector<16xi32>
      %ne3A = arith.cmpi ne, %masked_sort3A_35, %gather3A_107 : vector<16xi32>
      %or3A = arith.ori %eq3A_110, %ne3A : vector<16xi1>
      %gather3A_111 = tpu.vector_load_idx %arg7[%masked_sort3A_35] : memref<10240xf32, #tpu.memory_space<vmem>>[vector<16xi32>], vector<16xf32>,
      %max3A_112 = arith.maximumf %gather3A_111, %max3A_99 : vector<16xf32>
      tpu.vector_store_idx %arg7[%masked_sort3A_35], %max3A_112 masked %or3A : memref<10240xf32, #tpu.memory_space<vmem>>[vector<16xi32>], vector<16xf32>, vector<16xi1>
      %scan3A_113 = arith.constant 0 : i32
      scf.yield %scan3A_113 : i32
    }
    %scan3A_16 = arith.constant 625 : i32
    "tpu.region"() ({
      %run_scoped3A = tpu.sem_alloc : memref<!tpu.dma_semaphore, #tpu.memory_space<semaphore_mem>>
      %dma_start3A = arith.constant 0 : i32
      %dma_start3A_17 = tpu.memref_slice %arg4[%add3A, %dma_start3A] : memref<32x10240xf32, #tpu.memory_space<hbm>> -> memref<1x10240xf32, #tpu.memory_space<hbm>>
      %dma_start3A_18 = tpu.memref_squeeze %dma_start3A_17 : memref<1x10240xf32, #tpu.memory_space<hbm>> -> memref<10240xf32, #tpu.memory_space<hbm>>
      %dma_start3A_19 = arith.constant 0 : i32
      %dma_start3A_20 = tpu.memref_slice %arg4[%add3A, %dma_start3A_19] : memref<32x10240xf32, #tpu.memory_space<hbm>> -> memref<1x10240xf32, #tpu.memory_space<hbm>>
      %dma_start3A_21 = tpu.memref_squeeze %dma_start3A_20 : memref<1x10240xf32, #tpu.memory_space<hbm>> -> memref<10240xf32, #tpu.memory_space<hbm>>
      tpu.enqueue_dma source(%arg7 : memref<10240xf32, #tpu.memory_space<vmem>>) target(%dma_start3A_21 : memref<10240xf32, #tpu.memory_space<hbm>>) target_semaphore(%run_scoped3A : memref<!tpu.dma_semaphore, #tpu.memory_space<semaphore_mem>>)
      %dma_wait3A = arith.constant 0 : i32
      %dma_wait3A_22 = tpu.memref_slice %arg4[%add3A, %dma_wait3A] : memref<32x10240xf32, #tpu.memory_space<hbm>> -> memref<1x10240xf32, #tpu.memory_space<hbm>>
      %dma_wait3A_23 = tpu.memref_squeeze %dma_wait3A_22 : memref<1x10240xf32, #tpu.memory_space<hbm>> -> memref<10240xf32, #tpu.memory_space<hbm>>
      %dma_wait3A_24 = arith.constant 0 : i32
      %dma_wait3A_25 = tpu.memref_slice %arg4[%add3A, %dma_wait3A_24] : memref<32x10240xf32, #tpu.memory_space<hbm>> -> memref<1x10240xf32, #tpu.memory_space<hbm>>
      %dma_wait3A_26 = tpu.memref_squeeze %dma_wait3A_25 : memref<1x10240xf32, #tpu.memory_space<hbm>> -> memref<10240xf32, #tpu.memory_space<hbm>>
      tpu.wait_dma2 semaphore(%run_scoped3A : memref<!tpu.dma_semaphore, #tpu.memory_space<semaphore_mem>>) src(%arg7 : memref<10240xf32, #tpu.memory_space<vmem>>) dst(%dma_wait3A_26 : memref<10240xf32, #tpu.memory_space<hbm>>)
      tpu.yield
    }) : () -> ()
    return
  }
}

module attributes {stable_mosaic.version = 14 : i64} {
  func.func @_gru_body(%arg0: i32, %arg1: memref<256x128xf32, #tpu.memory_space<vmem>>, %arg2: memref<256x128xf32, #tpu.memory_space<vmem>>, %arg3: memref<256x16xf32, #tpu.memory_space<vmem>>, %arg4: memref<256x1xf32, #tpu.memory_space<vmem>>, %arg5: memref<256x1xi32, #tpu.memory_space<vmem>>, %arg6: memref<256x1xf32, #tpu.memory_space<vmem>>, %arg7: memref<256x1xf32, #tpu.memory_space<vmem>>, %arg8: memref<1x128xf32, #tpu.memory_space<vmem>>, %arg9: memref<1x128xf32, #tpu.memory_space<vmem>>, %arg10: memref<384x128xf32, #tpu.memory_space<vmem>>, %arg11: memref<384x128xf32, #tpu.memory_space<vmem>>, %arg12: memref<384x16xf32, #tpu.memory_space<vmem>>, %arg13: memref<384x128xf32, #tpu.memory_space<vmem>>, %arg14: memref<384x128xf32, #tpu.memory_space<vmem>>, %arg15: memref<1x384xf32, #tpu.memory_space<vmem>>, %arg16: memref<1x384xf32, #tpu.memory_space<vmem>>, %arg17: memref<256x128xf32, #tpu.memory_space<vmem>>, %arg18: memref<256x1xf32, #tpu.memory_space<vmem>>) attributes {dimension_semantics = [#tpu.dimension_semantics<arbitrary>], iteration_bounds = array<i64: 40>, scalar_prefetch = 0 : i64, scratch_operands = 0 : i64, tpu.core_type = #tpu.core_type<tc>, window_params = [{transform_indices = @transform_0, window_bounds = array<i64: 256, 128>}, {transform_indices = @transform_1, window_bounds = array<i64: 256, 128>}, {transform_indices = @transform_2, window_bounds = array<i64: 256, 16>}, {transform_indices = @transform_3, window_bounds = array<i64: 256, 1>}, {transform_indices = @transform_4, window_bounds = array<i64: 256, 1>}, {transform_indices = @transform_5, window_bounds = array<i64: 256, 1>}, {transform_indices = @transform_6, window_bounds = array<i64: 256, 1>}, {pipeline_mode = #tpu.pipeline_mode<synchronous>, transform_indices = @transform_7, window_bounds = array<i64: 1, 128>}, {pipeline_mode = #tpu.pipeline_mode<synchronous>, transform_indices = @transform_8, window_bounds = array<i64: 1, 128>}, {pipeline_mode = #tpu.pipeline_mode<synchronous>, transform_indices = @transform_9, window_bounds = array<i64: 384, 128>}, {pipeline_mode = #tpu.pipeline_mode<synchronous>, transform_indices = @transform_10, window_bounds = array<i64: 384, 128>}, {pipeline_mode = #tpu.pipeline_mode<synchronous>, transform_indices = @transform_11, window_bounds = array<i64: 384, 16>}, {pipeline_mode = #tpu.pipeline_mode<synchronous>, transform_indices = @transform_12, window_bounds = array<i64: 384, 128>}, {pipeline_mode = #tpu.pipeline_mode<synchronous>, transform_indices = @transform_13, window_bounds = array<i64: 384, 128>}, {pipeline_mode = #tpu.pipeline_mode<synchronous>, transform_indices = @transform_14, window_bounds = array<i64: 1, 384>}, {pipeline_mode = #tpu.pipeline_mode<synchronous>, transform_indices = @transform_15, window_bounds = array<i64: 1, 384>}, {transform_indices = @transform_16, window_bounds = array<i64: 256, 128>}, {transform_indices = @transform_17, window_bounds = array<i64: 256, 1>}]} {
    %get3A = arith.constant 0 : index
    %get3A_0 = arith.constant 0 : index
    %get3A_1 = vector.load %arg1[%get3A, %get3A_0] : memref<256x128xf32, #tpu.memory_space<vmem>>, vector<256x128xf32>
    %get3A_2 = arith.constant 0 : index
    %get3A_3 = arith.constant 0 : index
    %get3A_4 = vector.load %arg4[%get3A_2, %get3A_3] : memref<256x1xf32, #tpu.memory_space<vmem>>, vector<256x1xf32>
    %get3A_5 = arith.constant 0 : index
    %get3A_6 = arith.constant 0 : index
    %get3A_7 = vector.load %arg8[%get3A_5, %get3A_6] : memref<1x128xf32, #tpu.memory_space<vmem>>, vector<1x128xf32>
    %mul3A = vector.broadcast %get3A_4 : vector<256x1xf32> to vector<256x128xf32>
    %mul3A_8 = vector.broadcast %get3A_7 : vector<1x128xf32> to vector<256x128xf32>
    %mul3A_9 = arith.mulf %mul3A, %mul3A_8 : vector<256x128xf32>
    %get3A_10 = arith.constant 0 : index
    %get3A_11 = arith.constant 0 : index
    %get3A_12 = vector.load %arg9[%get3A_10, %get3A_11] : memref<1x128xf32, #tpu.memory_space<vmem>>, vector<1x128xf32>
    %add3A = vector.broadcast %get3A_12 : vector<1x128xf32> to vector<256x128xf32>
    %add3A_13 = arith.addf %mul3A_9, %add3A : vector<256x128xf32>
    %cos3A = math.cos %add3A_13 : vector<256x128xf32>
    %get3A_14 = arith.constant 0 : index
    %get3A_15 = arith.constant 0 : index
    %get3A_16 = vector.load %arg2[%get3A_14, %get3A_15] : memref<256x128xf32, #tpu.memory_space<vmem>>, vector<256x128xf32>
    %get3A_17 = arith.constant 0 : index
    %get3A_18 = arith.constant 0 : index
    %get3A_19 = vector.load %arg10[%get3A_17, %get3A_18] : memref<384x128xf32, #tpu.memory_space<vmem>>, vector<384x128xf32>
    %dot_general3A = arith.constant dense<0.000000e+00> : vector<256x384xf32>
    %dot_general3A_20 = tpu.matmul %get3A_16, %get3A_19, %dot_general3A {dimension_numbers = #tpu.dot_dimension_numbers<[1], [1], [0], [0], [0, 0, 1, 0], [], []>, precision = #tpu.contract_precision<fp32>, transpose_lhs_hint = false} : vector<256x128xf32>, vector<384x128xf32>, vector<256x384xf32> -> vector<256x384xf32>
    %get3A_21 = arith.constant 0 : index
    %get3A_22 = arith.constant 0 : index
    %get3A_23 = vector.load %arg11[%get3A_21, %get3A_22] : memref<384x128xf32, #tpu.memory_space<vmem>>, vector<384x128xf32>
    %dot_general3A_24 = arith.constant dense<0.000000e+00> : vector<256x384xf32>
    %dot_general3A_25 = tpu.matmul %get3A_1, %get3A_23, %dot_general3A_24 {dimension_numbers = #tpu.dot_dimension_numbers<[1], [1], [0], [0], [0, 0, 1, 0], [], []>, precision = #tpu.contract_precision<fp32>, transpose_lhs_hint = false} : vector<256x128xf32>, vector<384x128xf32>, vector<256x384xf32> -> vector<256x384xf32>
    %add3A_26 = arith.addf %dot_general3A_20, %dot_general3A_25 : vector<256x384xf32>
    %get3A_27 = arith.constant 0 : index
    %get3A_28 = arith.constant 0 : index
    %get3A_29 = vector.load %arg3[%get3A_27, %get3A_28] : memref<256x16xf32, #tpu.memory_space<vmem>>, vector<256x16xf32>
    %get3A_30 = arith.constant 0 : index
    %get3A_31 = arith.constant 0 : index
    %get3A_32 = vector.load %arg12[%get3A_30, %get3A_31] : memref<384x16xf32, #tpu.memory_space<vmem>>, vector<384x16xf32>
    %dot_general3A_33 = arith.constant dense<0.000000e+00> : vector<256x384xf32>
    %dot_general3A_34 = tpu.matmul %get3A_29, %get3A_32, %dot_general3A_33 {dimension_numbers = #tpu.dot_dimension_numbers<[1], [1], [0], [0], [0, 0, 1, 0], [], []>, precision = #tpu.contract_precision<fp32>, transpose_lhs_hint = false} : vector<256x16xf32>, vector<384x16xf32>, vector<256x384xf32> -> vector<256x384xf32>
    %add3A_35 = arith.addf %add3A_26, %dot_general3A_34 : vector<256x384xf32>
    %get3A_36 = arith.constant 0 : index
    %get3A_37 = arith.constant 0 : index
    %get3A_38 = vector.load %arg13[%get3A_36, %get3A_37] : memref<384x128xf32, #tpu.memory_space<vmem>>, vector<384x128xf32>
    %dot_general3A_39 = arith.constant dense<0.000000e+00> : vector<256x384xf32>
    %dot_general3A_40 = tpu.matmul %cos3A, %get3A_38, %dot_general3A_39 {dimension_numbers = #tpu.dot_dimension_numbers<[1], [1], [0], [0], [0, 0, 1, 0], [], []>, precision = #tpu.contract_precision<fp32>, transpose_lhs_hint = false} : vector<256x128xf32>, vector<384x128xf32>, vector<256x384xf32> -> vector<256x384xf32>
    %add3A_41 = arith.addf %add3A_35, %dot_general3A_40 : vector<256x384xf32>
    %get3A_42 = arith.constant 0 : index
    %get3A_43 = arith.constant 0 : index
    %get3A_44 = vector.load %arg15[%get3A_42, %get3A_43] : memref<1x384xf32, #tpu.memory_space<vmem>>, vector<1x384xf32>
    %add3A_45 = vector.broadcast %get3A_44 : vector<1x384xf32> to vector<256x384xf32>
    %add3A_46 = arith.addf %add3A_41, %add3A_45 : vector<256x384xf32>
    %get3A_47 = arith.constant 0 : index
    %get3A_48 = arith.constant 0 : index
    %get3A_49 = vector.load %arg14[%get3A_47, %get3A_48] : memref<384x128xf32, #tpu.memory_space<vmem>>, vector<384x128xf32>
    %dot_general3A_50 = arith.constant dense<0.000000e+00> : vector<256x384xf32>
    %dot_general3A_51 = tpu.matmul %get3A_1, %get3A_49, %dot_general3A_50 {dimension_numbers = #tpu.dot_dimension_numbers<[1], [1], [0], [0], [0, 0, 1, 0], [], []>, precision = #tpu.contract_precision<fp32>, transpose_lhs_hint = false} : vector<256x128xf32>, vector<384x128xf32>, vector<256x384xf32> -> vector<256x384xf32>
    %get3A_52 = arith.constant 0 : index
    %get3A_53 = arith.constant 0 : index
    %get3A_54 = vector.load %arg16[%get3A_52, %get3A_53] : memref<1x384xf32, #tpu.memory_space<vmem>>, vector<1x384xf32>
    %add3A_55 = vector.broadcast %get3A_54 : vector<1x384xf32> to vector<256x384xf32>
    %add3A_56 = arith.addf %dot_general3A_51, %add3A_55 : vector<256x384xf32>
    %slice3A = vector.extract_strided_slice %add3A_46 {offsets = [0, 0], sizes = [256, 128], strides = [1, 1]} : vector<256x384xf32> to vector<256x128xf32>
    %slice3A_57 = vector.extract_strided_slice %add3A_56 {offsets = [0, 0], sizes = [256, 128], strides = [1, 1]} : vector<256x384xf32> to vector<256x128xf32>
    %add3A_58 = arith.addf %slice3A, %slice3A_57 : vector<256x128xf32>
    %logistic3A = arith.negf %add3A_58 : vector<256x128xf32>
    %logistic3A_59 = math.exp %logistic3A : vector<256x128xf32>
    %logistic3A_60 = arith.constant 1.000000e+00 : f32
    %logistic3A_61 = vector.broadcast %logistic3A_60 : f32 to vector<256x128xf32>
    %logistic3A_62 = arith.addf %logistic3A_61, %logistic3A_59 : vector<256x128xf32>
    %logistic3A_63 = arith.divf %logistic3A_61, %logistic3A_62 : vector<256x128xf32>
    %slice3A_64 = vector.extract_strided_slice %add3A_46 {offsets = [0, 128], sizes = [256, 128], strides = [1, 1]} : vector<256x384xf32> to vector<256x128xf32>
    %slice3A_65 = vector.extract_strided_slice %add3A_56 {offsets = [0, 128], sizes = [256, 128], strides = [1, 1]} : vector<256x384xf32> to vector<256x128xf32>
    %add3A_66 = arith.addf %slice3A_64, %slice3A_65 : vector<256x128xf32>
    %logistic3A_67 = arith.negf %add3A_66 : vector<256x128xf32>
    %logistic3A_68 = math.exp %logistic3A_67 : vector<256x128xf32>
    %logistic3A_69 = arith.constant 1.000000e+00 : f32
    %logistic3A_70 = vector.broadcast %logistic3A_69 : f32 to vector<256x128xf32>
    %logistic3A_71 = arith.addf %logistic3A_70, %logistic3A_68 : vector<256x128xf32>
    %logistic3A_72 = arith.divf %logistic3A_70, %logistic3A_71 : vector<256x128xf32>
    %slice3A_73 = vector.extract_strided_slice %add3A_46 {offsets = [0, 256], sizes = [256, 128], strides = [1, 1]} : vector<256x384xf32> to vector<256x128xf32>
    %slice3A_74 = vector.extract_strided_slice %add3A_56 {offsets = [0, 256], sizes = [256, 128], strides = [1, 1]} : vector<256x384xf32> to vector<256x128xf32>
    %mul3A_75 = arith.mulf %logistic3A_63, %slice3A_74 : vector<256x128xf32>
    %add3A_76 = arith.addf %slice3A_73, %mul3A_75 : vector<256x128xf32>
    %tanh3A = math.tanh %add3A_76 : vector<256x128xf32>
    %sub3A = arith.constant 1.000000e+00 : f32
    %sub3A_77 = vector.broadcast %sub3A : f32 to vector<256x128xf32>
    %sub3A_78 = arith.subf %sub3A_77, %logistic3A_72 : vector<256x128xf32>
    %mul3A_79 = arith.mulf %sub3A_78, %tanh3A : vector<256x128xf32>
    %mul3A_80 = arith.mulf %logistic3A_72, %get3A_1 : vector<256x128xf32>
    %add3A_81 = arith.addf %mul3A_79, %mul3A_80 : vector<256x128xf32>
    %get3A_82 = arith.constant 0 : index
    %get3A_83 = arith.constant 0 : index
    %get3A_84 = vector.load %arg5[%get3A_82, %get3A_83] : memref<256x1xi32, #tpu.memory_space<vmem>>, vector<256x1xi32>
    %ge3A = arith.constant 0 : i32
    %ge3A_85 = vector.broadcast %ge3A : i32 to vector<256x1xi32>
    %ge3A_86 = arith.cmpi sge, %get3A_84, %ge3A_85 : vector<256x1xi32>
    %broadcast_in_dim3A = vector.shape_cast %ge3A_86 : vector<256x1xi1> to vector<256x1xi1>
    %broadcast_in_dim3A_87 = vector.broadcast %broadcast_in_dim3A : vector<256x1xi1> to vector<256x128xi1>
    %select_n3A = arith.select %broadcast_in_dim3A_87, %add3A_81, %get3A_1 : vector<256x128xi1>, vector<256x128xf32>
    %swap3A = arith.constant 0 : index
    %swap3A_88 = arith.constant 0 : index
    %swap3A_89 = vector.load %arg17[%swap3A, %swap3A_88] : memref<256x128xf32, #tpu.memory_space<vmem>>, vector<256x128xf32>
    tpu.vector_store %arg17[%swap3A, %swap3A_88], %select_n3A {strides = array<i32>} : memref<256x128xf32, #tpu.memory_space<vmem>>, vector<256x128xf32>,
    %get3A_90 = arith.constant 0 : index
    %get3A_91 = arith.constant 0 : index
    %get3A_92 = vector.load %arg6[%get3A_90, %get3A_91] : memref<256x1xf32, #tpu.memory_space<vmem>>, vector<256x1xf32>
    %get3A_93 = arith.constant 0 : index
    %get3A_94 = arith.constant 0 : index
    %get3A_95 = vector.load %arg7[%get3A_93, %get3A_94] : memref<256x1xf32, #tpu.memory_space<vmem>>, vector<256x1xf32>
    %select_n3A_96 = arith.select %ge3A_86, %get3A_92, %get3A_95 : vector<256x1xi1>, vector<256x1xf32>
    %swap3A_97 = arith.constant 0 : index
    %swap3A_98 = arith.constant 0 : index
    %swap3A_99 = vector.load %arg18[%swap3A_97, %swap3A_98] : memref<256x1xf32, #tpu.memory_space<vmem>>, vector<256x1xf32>
    tpu.vector_store %arg18[%swap3A_97, %swap3A_98], %select_n3A_96 {strides = array<i32>} : memref<256x1xf32, #tpu.memory_space<vmem>>, vector<256x1xf32>,
    return
  }
  func.func @transform_0(%arg0: i32) -> (i32, i32) {
    %c0_i32 = arith.constant 0 : i32
    %c0_i32_0 = arith.constant 0 : i32
    return %arg0, %c0_i32 : i32, i32
  }
  func.func @transform_1(%arg0: i32) -> (i32, i32) {
    %c0_i32 = arith.constant 0 : i32
    %c0_i32_0 = arith.constant 0 : i32
    return %arg0, %c0_i32 : i32, i32
  }
  func.func @transform_2(%arg0: i32) -> (i32, i32) {
    %c0_i32 = arith.constant 0 : i32
    %c0_i32_0 = arith.constant 0 : i32
    return %arg0, %c0_i32 : i32, i32
  }
  func.func @transform_3(%arg0: i32) -> (i32, i32) {
    %c0_i32 = arith.constant 0 : i32
    %c0_i32_0 = arith.constant 0 : i32
    return %arg0, %c0_i32 : i32, i32
  }
  func.func @transform_4(%arg0: i32) -> (i32, i32) {
    %c0_i32 = arith.constant 0 : i32
    %c0_i32_0 = arith.constant 0 : i32
    return %arg0, %c0_i32 : i32, i32
  }
  func.func @transform_5(%arg0: i32) -> (i32, i32) {
    %c0_i32 = arith.constant 0 : i32
    %c0_i32_0 = arith.constant 0 : i32
    return %arg0, %c0_i32 : i32, i32
  }
  func.func @transform_6(%arg0: i32) -> (i32, i32) {
    %c0_i32 = arith.constant 0 : i32
    %c0_i32_0 = arith.constant 0 : i32
    return %arg0, %c0_i32 : i32, i32
  }
  func.func @transform_7(%arg0: i32) -> (i32, i32) {
    %c0_i32 = arith.constant 0 : i32
    %c0_i32_0 = arith.constant 0 : i32
    %c0_i32_1 = arith.constant 0 : i32
    return %c0_i32, %c0_i32_0 : i32, i32
  }
  func.func @transform_8(%arg0: i32) -> (i32, i32) {
    %c0_i32 = arith.constant 0 : i32
    %c0_i32_0 = arith.constant 0 : i32
    %c0_i32_1 = arith.constant 0 : i32
    return %c0_i32, %c0_i32_0 : i32, i32
  }
  func.func @transform_9(%arg0: i32) -> (i32, i32) {
    %c0_i32 = arith.constant 0 : i32
    %c0_i32_0 = arith.constant 0 : i32
    %c0_i32_1 = arith.constant 0 : i32
    return %c0_i32, %c0_i32_0 : i32, i32
  }
  func.func @transform_10(%arg0: i32) -> (i32, i32) {
    %c0_i32 = arith.constant 0 : i32
    %c0_i32_0 = arith.constant 0 : i32
    %c0_i32_1 = arith.constant 0 : i32
    return %c0_i32, %c0_i32_0 : i32, i32
  }
  func.func @transform_11(%arg0: i32) -> (i32, i32) {
    %c0_i32 = arith.constant 0 : i32
    %c0_i32_0 = arith.constant 0 : i32
    %c0_i32_1 = arith.constant 0 : i32
    return %c0_i32, %c0_i32_0 : i32, i32
  }
  func.func @transform_12(%arg0: i32) -> (i32, i32) {
    %c0_i32 = arith.constant 0 : i32
    %c0_i32_0 = arith.constant 0 : i32
    %c0_i32_1 = arith.constant 0 : i32
    return %c0_i32, %c0_i32_0 : i32, i32
  }
  func.func @transform_13(%arg0: i32) -> (i32, i32) {
    %c0_i32 = arith.constant 0 : i32
    %c0_i32_0 = arith.constant 0 : i32
    %c0_i32_1 = arith.constant 0 : i32
    return %c0_i32, %c0_i32_0 : i32, i32
  }
  func.func @transform_14(%arg0: i32) -> (i32, i32) {
    %c0_i32 = arith.constant 0 : i32
    %c0_i32_0 = arith.constant 0 : i32
    %c0_i32_1 = arith.constant 0 : i32
    return %c0_i32, %c0_i32_0 : i32, i32
  }
  func.func @transform_15(%arg0: i32) -> (i32, i32) {
    %c0_i32 = arith.constant 0 : i32
    %c0_i32_0 = arith.constant 0 : i32
    %c0_i32_1 = arith.constant 0 : i32
    return %c0_i32, %c0_i32_0 : i32, i32
  }
  func.func @transform_16(%arg0: i32) -> (i32, i32) {
    %c0_i32 = arith.constant 0 : i32
    %c0_i32_0 = arith.constant 0 : i32
    return %arg0, %c0_i32 : i32, i32
  }
  func.func @transform_17(%arg0: i32) -> (i32, i32) {
    %c0_i32 = arith.constant 0 : i32
    %c0_i32_0 = arith.constant 0 : i32
    return %arg0, %c0_i32 : i32, i32
  }
}

</mosaic_0001>

<sc_bundles>
// kernel: kernel.10.cloned.1.call-start
scs
__scs_entry_jumppad:
0x0: {  	(pc) =	sbr.rel $0x88, $3  }
0x1: {  	(tag) =	ssettag $0x0;
	lr =	simm.s32 $0x1  }
0x2: {  	[smem:$0x3F96] =	sst lr;
	_ =	strace $0xD0000000  }
0x3: {  	_ = 	snop  }
0x4: {  	_ = 	snop  }
0x5: {  	_ = 	snop  }
0x6: {  	_ = 	snop  }
0x7: {  	_ = 	snop  }
__scs_overlays_trampoline_lowered:
0x8: {  	[smem:$0x3FA5] =	sst s0  }
0x9: {  	[smem:$0x3FA6] =	sst s1  }
0xa: {  	[smem:$0x3FA7] =	sst s2  }
0xb: {  	[smem:$0x3FA8] =	sst s3  }
0xc: {  	[smem:$0x3FA9] =	sst s4  }
0xd: {  	[smem:$0x3FAA] =	sst s5  }
0xe: {  	[smem:$0x3FAB] =	sst s6  }
0xf: {  	[smem:$0x3FAC] =	sst s7  }
0x10: {  	[smem:$0x3FAD] =	sst s8  }
0x11: {  	[smem:$0x3FAE] =	sst s9;
	s0 =	simm.s32 @!p0 $0x0  }
0x12: {  	s1 =	sld [smem:$0x3F94];
	s0 =	simm.s32 @p0 $0x1  }
0x13: {  	[smem:$0x3FAF] =	sst s0;
	s0 =	simm.s32 @!p1 $0x0  }
0x14: {  	s2 =	sld [smem:$0x3F93];
	s0 =	simm.s32 @p1 $0x1  }
0x15: {  	[smem:$0x3FB0] =	sst s0;
	s0 =	simm.s32 @!p2 $0x0  }
0x16: {  	s3 =	sld [smem:$0x3FDB];
	s0 =	simm.s32 @p2 $0x1  }
0x17: {  	s4 =	simm.s32 $0x1BF5;
	[smem:$0x3FB2] =	sst s0  }
0x18: {  	s0 =	sld [smem:$0x3F95];
	_ =	swait.ge [sflag:s4], $0x0  }
0x19: {  	s7 =	sld [smem:$0x3F96]  }
0x1a: {  	s8 =	sadd.s32 $0xFFFFE003, lr  }
0x1b: {  	s9 =	sadd.s32 $0xFFFFFEF7, lr;
	s5 =	simm.s32 $0xFFFFFFFF;
	p2 =	slt.u32 s8, $0xFFFFF086  }
0x1c: {  	p1 =	slt.u32 s9, $0xF7A;
	s5 =	simm.s32 @!p2 $0x0  }
0x1d: {  	s5 =	simm.s32 @p1 $0x1;
	p0 =	seq.s32 s7, s2  }
0x1e: {  	s7 =	smul.u32 @!p0 $0xF7A, s2;
	p2 =	seq.s32 @!p0 s5, $0x0  }
0x1f: {  	s9 =	smul.u32 $0xF7A, s1;
	s8 =	simm.s32 @!p0 $0x1BF5;
	p2 =	por !p2, p0  }
0x20: {  	[sflag:s8] =	ssyncset.s32 @!p0 $0xFFFFF086;
	s6 =	sadd.s32 @!p0 s3, s7;
	s7 =	simm.s32 @!p0 $0x108  }
0x21: {  	s3 =	sadd.s32 s3, s9;
	s6 =	sadd.s32 @!p0 $0x88, s6;
	s7 =	simm.s32 @p2 $0x1082  }
0x22: {  	[simem:s7], [sflag:s8] =	dma.local @!p0 [hbm:s6], $0xF7A  }
0x23: {  	s9 =	sor.u32 $0xD0000000, s2;
	s6 =	simm.s32 $0x108;
	_ =	swait.ge @!p0 [sflag:s8], $0x0  }
0x24: {  	s3 =	sadd.s32 $0x88, s3;
	s6 =	simm.s32 @!p1 $0x1082;
	[sflag:s4] =	ssyncset.s32 $0xFFFFF086  }
0x25: {  	[simem:s6], [sflag:s4] =	dma.local [hbm:s3], $0xF7A  }
0x26: {  	[smem:$0x3F96] =	sst s1;
	(tag) =	ssettag s2;
	_ =	strace s9  }
0x27: {  	s1 =	sld [smem:$0x3FA6]  }
0x28: {  	s2 =	sld [smem:$0x3FA7]  }
0x29: {  	s4 =	sld [smem:$0x3FA9]  }
0x2a: {  	p0 =	seq.s32 s5, $0x0;
	s5 =	sld [smem:$0x3FAA]  }
0x2b: {  	s6 =	sld [smem:$0x3FAB]  }
0x2c: {  	s7 =	sld [smem:$0x3FAC]  }
0x2d: {  	s3 =	simm.s32 $0x108;
	s8 =	sld [smem:$0x3FAD]  }
0x2e: {  	s3 =	simm.s32 @!p0 $0x1082;
	s9 =	sld [smem:$0x3FAE]  }
0x2f: {  	lr =	sadd.s32 s0, s3;
	s0 =	sld [smem:$0x3FA5]  }
0x30: {  	s3 =	sld [smem:$0x3FA8]  }
0x31: {  	[smem:$0x3FB1] =	sst s10  }
0x32: {  	s10 =	sld [smem:$0x3FAF];
	_ =	sdelay $0x3  }
0x33: {  	p0 =	seq.s32 s10, $0x1;
	s10 =	sld [smem:$0x3FB1];
	_ =	sdelay $0x3  }
0x34: {  	[smem:$0x3FB1] =	sst s10  }
0x35: {  	s10 =	sld [smem:$0x3FB0];
	_ =	sdelay $0x3  }
0x36: {  	p1 =	seq.s32 s10, $0x1;
	s10 =	sld [smem:$0x3FB1];
	_ =	sdelay $0x3  }
0x37: {  	[smem:$0x3FB1] =	sst s10  }
0x38: {  	s10 =	sld [smem:$0x3FB2]  }
0x39: {  	_ = 	snop;
	(pc) =	sbr.ind lr, $3  }
0x3a: {  	_ = 	snop  }
0x3b: {  	_ = 	snop  }
0x3c: {  	p2 =	seq.s32 s10, $0x1;
	s10 =	sld [smem:$0x3FB1]  }
0x3d: {  	_ =	shalt  }
0x3e: {  	_ =	shalt  }
0x3f: {  	_ =	shalt  }
0x40: {  	_ =	shalt  }
0x41: {  	_ =	shalt  }
0x42: {  	_ =	shalt  }
0x43: {  	_ =	shalt  }
0x44: {  	_ =	shalt  }
0x45: {  	_ =	shalt  }
0x46: {  	_ =	shalt  }
0x47: {  	_ =	shalt  }
0x48: {  	_ =	shalt  }
0x49: {  	_ =	shalt  }
0x4a: {  	_ =	shalt  }
0x4b: {  	_ =	shalt  }
0x4c: {  	_ =	shalt  }
0x4d: {  	_ =	shalt  }
0x4e: {  	_ =	shalt  }
0x4f: {  	_ =	shalt  }
0x50: {  	_ =	shalt  }
0x51: {  	_ =	shalt  }
0x52: {  	_ =	shalt  }
0x53: {  	_ =	shalt  }
0x54: {  	_ =	shalt  }
0x55: {  	_ =	shalt  }
0x56: {  	_ =	shalt  }
0x57: {  	_ =	shalt  }
0x58: {  	_ =	shalt  }
0x59: {  	_ =	shalt  }
0x5a: {  	_ =	shalt  }
0x5b: {  	_ =	shalt  }
0x5c: {  	_ =	shalt  }
0x5d: {  	_ =	shalt  }
0x5e: {  	_ =	shalt  }
0x5f: {  	_ =	shalt  }
0x60: {  	_ =	shalt  }
0x61: {  	_ =	shalt  }
0x62: {  	_ =	shalt  }
0x63: {  	_ =	shalt  }
0x64: {  	_ =	shalt  }
0x65: {  	_ =	shalt  }
0x66: {  	_ =	shalt  }
0x67: {  	_ =	shalt  }
0x68: {  	_ =	shalt  }
0x69: {  	_ =	shalt  }
0x6a: {  	_ =	shalt  }
0x6b: {  	_ =	shalt  }
0x6c: {  	_ =	shalt  }
0x6d: {  	_ =	shalt  }
0x6e: {  	_ =	shalt  }
0x6f: {  	_ =	shalt  }
0x70: {  	_ =	shalt  }
0x71: {  	_ =	shalt  }
0x72: {  	_ =	shalt  }
0x73: {  	_ =	shalt  }
0x74: {  	_ =	shalt  }
0x75: {  	_ =	shalt  }
0x76: {  	_ =	shalt  }
0x77: {  	_ =	shalt  }
0x78: {  	_ =	shalt  }
0x79: {  	_ =	shalt  }
0x7a: {  	_ =	shalt  }
0x7b: {  	_ =	shalt  }
0x7c: {  	_ =	shalt  }
0x7d: {  	_ =	shalt  }
0x7e: {  	_ =	shalt  }
0x7f: {  	_ =	shalt  }
0x80: {  	_ =	shalt  }
0x81: {  	_ =	shalt  }
0x82: {  	_ =	shalt  }
0x83: {  	_ =	shalt  }
0x84: {  	_ =	shalt  }
0x85: {  	_ =	shalt  }
0x86: {  	_ =	shalt  }
0x87: {  	_ =	shalt  }
.Lfunc_end0:
.L_simem_size_0:
called_computation.1_lowered:
.L_overlay_start_0:
0x88: {  	s2 =	sld [smem:$0x3FD9]  }
0x89: {  	s3 =	sld [smem:$0x3FFE];
	_ =	sdelay $0x1  }
0x8a: {  	s1 =	srdreg.scid  }
0x8b: {  	s0 =	sand.u32 $0x1, s1  }
0x8c: {  	s15 =	sshll.u32 s0, $0xA;
	s2 =	sadd.s32 s3, s2  }
0x8d: {  	s2 =	sadd.s32 s2, s15  }
0x8e: {  	[smem:$0x3FBD] =	sst s2  }
0x8f: {  	_ = 	snop  }
0x90: {  	s2 =	sld [smem:$0x3FD0];
	_ =	sdelay $0x2  }
0x91: {  	s16 =	simm.s32 $0xA;
	s4 =	simm.s32 $0x10  }
0x92: {  	[smem:s4], [sflag:s16] =	dma.local [hbm:s2], $0x1  }
0x93: {  	_ =	swait.eq [sflag:s16], $0x1  }
0x94: {  	[sflag:s16] =	ssyncset.done $0x0  }
0x95: {  	s17 =	sld [smem:$0x10];
	[sflag:s16] =	ssyncadd.s32 $0xFFFFFFFF  }
0x96: {  	s18 =	sld [smem:$0x11];
	(tm) =	ssettm $0x1  }
0x97: {  	s19 =	sld [smem:$0x3FFB];
	_ =	sdelay $0x3  }
0x98: {  	_ =	strace s19  }
0x99: {  	s4 =	sld [smem:$0x3FFC];
	_ =	sdelay $0x3  }
0x9a: {  	_ =	strace s4  }
0x9b: {  	s4 =	sld [smem:$0x3FFD];
	_ =	sdelay $0x3  }
0x9c: {  	_ =	strace s4  }
0x9d: {  	_ =	strace $0x8FFFFFFF  }
0x9e: {  	s20 =	sld [smem:$0x3FDB];
	_ =	sdelay $0x1  }
0x9f: {  	s5 =	simm.s32 $_scs_section_size  }
0xa0: {  	s6 =	simm.s32 $_size__tile_overlayer_lowered;
	s7 =	simm.s32 $_tile_overlayer_lowered  }
0xa1: {  	s23 =	simm.s32 $0x1BFF;
	s22 =	sshll.u32 s7, $0x1;
	s4 =	sadd.s32 s5, s20  }
0xa2: {  	s8 =	simm.s32 $0x0;
	s21 =	sshll.u32 s6, $0x1;
	s6 =	sadd.s32 s22, s4  }
0xa3: {  	[timem:s8], [sflag:s23] =	dma.local [hbm:s6], s21  }
0xa4: {  	_ =	swait.ge [sflag:s23], s21  }
0xa5: {  	s5 =	ssub.s32 $0x0, s21;
	[sflag:s23] =	ssyncset.done $0x0  }
0xa6: {  	[sflag:s23] =	ssyncadd.s32 s5;
	_ =	sdelay $0x1  }
0xa7: {  	s24 =	simm.s32 $0x1B8B  }
0xa8: {  	_ =	swait.ge [sflag:s24], $0x1  }
0xa9: {  	[sflag:s24] =	ssyncset.done $0x0  }
0xaa: {  	s25 =	simm.s32 $0x1B8E;
	[sflag:s24] =	ssyncadd.s32 $0xFFFFFFFF  }
0xab: {  	s26 =	simm.s32 $execute0_lowered;
	[smem:$0x3FD2] =	sst s25  }
0xac: {  	s5 =	sshll.u32 s26, $0x1;
	_ =	strace $0x80000049;
	[dreg:$0x1] =	wrdreg $0xFFFFFFFF  }
0xad: {  	s28 =	simm.s32 $_size_execute0_lowered;
	s4 =	sadd.s32 s4, s5;
	[dreg:$0x0] =	wrdreg $0x0  }
0xae: {  	s5 =	sshll.u32 s28, $0x1;
	[dreg:$0x2] =	wrdreg s4  }
0xaf: {  	[dreg:$0x3] =	wrdreg s5  }
0xb0: {  	[dreg:$0x4] =	wrdreg $0xC0  }
0xb1: {  	_ =	task [dreg:s8], $0x5FFFF  }
0xb2: {  	[dreg:$0x1] =	wrdreg $0xFFFFFFFF  }
0xb3: {  	[dreg:$0x0] =	wrdreg $0x60  }
0xb4: {  	[dreg:$0x2] =	wrdreg s17  }
0xb5: {  	[dreg:$0x3] =	wrdreg s18  }
0xb6: {  	[dreg:$0x4] =	wrdreg $0x9  }
0xb7: {  	_ =	task.clear_ibuf [dreg:s8], $0x5FFFF;
	_ =	strace $0x90000049  }
0xb8: {  	s29 =	simm.s32 $0x9;
	_ =	strace $0x8000004B  }
0xb9: {  	_ =	swait.ge [sflag:s29], $0x1  }
0xba: {  	[sflag:s29] =	ssyncadd.s32 $0xFFFFFFFF  }
0xbb: {  	_ =	strace $0x9000004B  }
0xbc: {  	_ =	sfence  }
0xbd: {  	s30 =	sld [smem:$0x0];
	_ =	sdelay $0x2  }
0xbe: {  	s31 =	sshll.u32 s1, $0xD;
	s1 =	sshrl.u32 s1, $0x2  }
0xbf: {  	s3 =	sand.u32 $0x4000, s31;
	s1 =	sadd.s32 s1, s30  }
0xc0: {  	s0 =	sor.u32 s3, s0;
	s1 =	sshll.u32 s1, $0x11  }
0xc1: {  	s0 =	sor.u32 s1, s0  }
0xc2: {  	s0 =	sadd.s32 $0x8F2B, s0  }
0xc3: {  	[sflag:s0] =	ssyncadd.remote.s32 $0x1  }
0xc4: {  	_ =	sfence.sel $0xFFFF  }
0xc5: {  	[dreg:$0x0] =	wrdreg $0xFFFFFFFF;
	(pc) =	sbr.abs _section_cstart, $3  }
0xc6: {  	[dreg:$0x1] =	wrdreg $0xFFFFFFFF  }
0xc7: {  	_ =	task.clear_ibuf [dreg:s8], $0x2FFFF;
	_ =	strace $0x9FFFFFFF  }
0xc8: {  	(tm) =	ssettm $0x7FFFFFFF  }
0xc9: {  	_ =	shalt  }
tec
execute0_lowered:
.L_overlay_start_1:
0x0: {  	(tag) =	ssettag $0x1  }
0x1: {  	s3 =	rddreg [dreg:$0x0];
	s1 =	srdreg.scid  }
0x2: {  	s0 =	stileid.u32;
	s4 =	rddreg [dreg:$0x1]  }
0x3: {  	s8 =	simm.s32 $0x1;
	s5 =	sand.u32 $0x1, s1;
	s2 =	sshll.u32 s0, $0x1  }
0x4: {  	s9 =	simm.s32 $0x0;
	s6 =	sor.u32 s5, s2;
	s2 =	simm.s32 $0x0  }
0x5: {  	s5 =	ssub.s32 $0x2, s5;
	s6 =	smul.u32 $0x28, s6;
	[smem:$0x7FF] =	sst s2  }
0x6: {  	s1 =	rddreg [dreg:$0x2];
	s7 =	sshrl.u32 s5, $0x1;
	_ =	strace $0x8000004A  }
0x7: {  	s5 =	ssub.s32 s5, s7;
	s7 =	simm.s32 $0x2800;
	s3 =	sadd.s32 s3, s6  }
0x8: {  	s4 =	sadd.s32 s4, s6;
	s5 =	smax.u32 s5, $0x1;
	s6 =	simm.s32 $0x140  }
.LBB2_1:
0x9: {  	[tilespmem:s2], [sflag:$0x1] =	stream.strided.gather [hbm4b:s3+s6], $0x2800, s7, s6, $0x38;
	[tilespmem:$0x2940] =	vst v63  }
0xa: {  	_ =	swait.ge [sflag:s8], $0x2800  }
0xb: {  	[sflag:s8] =	ssyncset.done $0x0  }
0xc: {  	s10 =	simm.s32 $0x0;
	[sflag:s8] =	ssyncadd.s32 $0xFFFFD800  }
0xd: {  	v0 =	vld [tilespmem:s10+$0x0]  }
0xe: {  	v1 =	vld [tilespmem:s10+$0x140]  }
0xf: {  	v2 =	vld [tilespmem:s10+$0x280]  }
0x10: {  	v3 =	vld [tilespmem:s10+$0x3C0]  }
0x11: {  	v4 =	vld [tilespmem:s10+$0x500]  }
0x12: {  	v5 =	vld [tilespmem:s10+$0x640]  }
0x13: {  	v0 =	vmax.f32 v0, v1;
	v1 =	vld [tilespmem:s10+$0x780]  }
0x14: {  	v0 =	vmax.f32 v0, v2;
	v2 =	vld [tilespmem:s10+$0x8C0]  }
0x15: {  	v0 =	vmax.f32 v0, v3;
	v3 =	vld [tilespmem:s10+$0xA00]  }
0x16: {  	v0 =	vmax.f32 v0, v4;
	v4 =	vld [tilespmem:s10+$0xB40]  }
0x17: {  	v0 =	vmax.f32 v0, v5;
	v5 =	vld [tilespmem:s10+$0xC80]  }
0x18: {  	v0 =	vmax.f32 v0, v1;
	v1 =	vld [tilespmem:s10+$0xDC0]  }
0x19: {  	v0 =	vmax.f32 v0, v2;
	v2 =	vld [tilespmem:s10+$0xF00]  }
0x1a: {  	v0 =	vmax.f32 v0, v3;
	v3 =	vld [tilespmem:s10+$0x1040]  }
0x1b: {  	v0 =	vmax.f32 v0, v4;
	v4 =	vld [tilespmem:s10+$0x1180]  }
0x1c: {  	v0 =	vmax.f32 v0, v5;
	v5 =	vld [tilespmem:s10+$0x12C0]  }
0x1d: {  	v0 =	vmax.f32 v0, v1;
	v1 =	vld [tilespmem:s10+$0x1400]  }
0x1e: {  	v0 =	vmax.f32 v0, v2;
	v2 =	vld [tilespmem:s10+$0x1540]  }
0x1f: {  	v0 =	vmax.f32 v0, v3;
	v3 =	vld [tilespmem:s10+$0x1680]  }
0x20: {  	v0 =	vmax.f32 v0, v4;
	v4 =	vld [tilespmem:s10+$0x17C0]  }
0x21: {  	v0 =	vmax.f32 v0, v5;
	v5 =	vld [tilespmem:s10+$0x1900]  }
0x22: {  	v0 =	vmax.f32 v0, v1;
	v1 =	vld [tilespmem:s10+$0x1A40]  }
0x23: {  	v0 =	vmax.f32 v0, v2;
	v2 =	vld [tilespmem:s10+$0x1B80]  }
0x24: {  	v0 =	vmax.f32 v0, v3;
	v3 =	vld [tilespmem:s10+$0x1CC0]  }
0x25: {  	v0 =	vmax.f32 v0, v4;
	v4 =	vld [tilespmem:s10+$0x1E00]  }
0x26: {  	v0 =	vmax.f32 v0, v5;
	v5 =	vld [tilespmem:s10+$0x1F40]  }
0x27: {  	v6 =	vld [tilespmem:s10+$0x2080];
	v0 =	vmax.f32 v0, v1  }
0x28: {  	v7 =	vld [tilespmem:s10+$0x21C0];
	v0 =	vmax.f32 v0, v2  }
0x29: {  	v1 =	vld [tilespmem:s10+$0x2300];
	v0 =	vmax.f32 v0, v3  }
0x2a: {  	v2 =	vld [tilespmem:s10+$0x2440];
	v0 =	vmax.f32 v0, v4  }
0x2b: {  	v3 =	vld [tilespmem:s10+$0x2580];
	v0 =	vmax.f32 v0, v5  }
0x2c: {  	s12 =	simm.s32 $0x10;
	v4 =	vld [tilespmem:s10+$0x26C0];
	v5 =	vmax.f32 v0, v6  }
0x2d: {  	s11 =	simm.s32 $0x80;
	v0 =	vld [tilespmem:s12+$0x0];
	v5 =	vmax.f32 v5, v7  }
.LBB2_2:
0x2e: {  	p0 =	sne.s32 s11, $0x4C0;
	v6 =	vld [tilespmem:s12+$0x140];
	v1 =	vmax.f32 v5, v1  }
0x2f: {  	v5 =	vld [tilespmem:s12+$0x280];
	v1 =	vmax.f32 v1, v2  }
0x30: {  	v2 =	vld [tilespmem:s12+$0x3C0];
	v1 =	vmax.f32 v1, v3  }
0x31: {  	v3 =	vld [tilespmem:s12+$0x500];
	v1 =	vmax.f32 v1, v4  }
0x32: {  	v4 =	vld [tilespmem:s12+$0x640];
	[tilespmem:s10+$0x2800] =	vst v1;
	s10 =	smov.u32 s12  }
0x33: {  	v0 =	vmax.f32 v0, v6;
	v1 =	vld [tilespmem:s10+$0x780]  }
0x34: {  	v0 =	vmax.f32 v0, v5;
	v5 =	vld [tilespmem:s10+$0x8C0]  }
0x35: {  	v0 =	vmax.f32 v0, v2;
	v2 =	vld [tilespmem:s10+$0xA00]  }
0x36: {  	v0 =	vmax.f32 v0, v3;
	v3 =	vld [tilespmem:s10+$0xB40]  }
0x37: {  	v0 =	vmax.f32 v0, v4;
	v4 =	vld [tilespmem:s10+$0xC80]  }
0x38: {  	v0 =	vmax.f32 v0, v1;
	v1 =	vld [tilespmem:s10+$0xDC0]  }
0x39: {  	v0 =	vmax.f32 v0, v5;
	v5 =	vld [tilespmem:s10+$0xF00]  }
0x3a: {  	v0 =	vmax.f32 v0, v2;
	v2 =	vld [tilespmem:s10+$0x1040]  }
0x3b: {  	v0 =	vmax.f32 v0, v3;
	v3 =	vld [tilespmem:s10+$0x1180]  }
0x3c: {  	v0 =	vmax.f32 v0, v4;
	v4 =	vld [tilespmem:s10+$0x12C0]  }
0x3d: {  	v0 =	vmax.f32 v0, v1;
	v1 =	vld [tilespmem:s10+$0x1400]  }
0x3e: {  	v0 =	vmax.f32 v0, v5;
	v5 =	vld [tilespmem:s10+$0x1540]  }
0x3f: {  	v0 =	vmax.f32 v0, v2;
	v2 =	vld [tilespmem:s10+$0x1680]  }
0x40: {  	v0 =	vmax.f32 v0, v3;
	v3 =	vld [tilespmem:s10+$0x17C0]  }
0x41: {  	v0 =	vmax.f32 v0, v4;
	v4 =	vld [tilespmem:s10+$0x1900]  }
0x42: {  	v0 =	vmax.f32 v0, v1;
	v1 =	vld [tilespmem:s10+$0x1A40]  }
0x43: {  	v0 =	vmax.f32 v0, v5;
	v5 =	vld [tilespmem:s10+$0x1B80]  }
0x44: {  	v0 =	vmax.f32 v0, v2;
	v2 =	vld [tilespmem:s10+$0x1CC0]  }
0x45: {  	v0 =	vmax.f32 v0, v3;
	v3 =	vld [tilespmem:s10+$0x1E00]  }
0x46: {  	v0 =	vmax.f32 v0, v4;
	v4 =	vld [tilespmem:s10+$0x1F40]  }
0x47: {  	v0 =	vmax.f32 v0, v1;
	v6 =	vld [tilespmem:s10+$0x2080]  }
0x48: {  	v0 =	vmax.f32 v0, v5;
	v5 =	vld [tilespmem:s10+$0x21C0]  }
.Ltmp0:
0x49: {  	v0 =	vmax.f32 v0, v2;
	v1 =	vld [tilespmem:s10+$0x2300];
	(pc) =	sbr.rel @p0 .LBB2_2-.Ltmp0, $4  }
0x4a: {  	v0 =	vmax.f32 v0, v3;
	v2 =	vld [tilespmem:s10+$0x2440]  }
0x4b: {  	v0 =	vmax.f32 v0, v4;
	v3 =	vld [tilespmem:s10+$0x2580]  }
0x4c: {  	s12 =	sshra.s32 s11, $0x2;
	v6 =	vmax.f32 v0, v6;
	v4 =	vld [tilespmem:s10+$0x26C0]  }
0x4d: {  	s11 =	sadd.s32 $0x40, s11;
	v0 =	vld [tilespmem:s12+$0x0];
	v5 =	vmax.f32 v6, v5  }
0x4e: {  	v6 =	vld [tilespmem:s12+$0x140];
	v1 =	vmax.f32 v5, v1  }
0x4f: {  	v35 =	vld [tilespmem:s12+$0x280];
	v1 =	vmax.f32 v1, v2  }
0x50: {  	v36 =	vld [tilespmem:s12+$0x3C0];
	v1 =	vmax.f32 v1, v3  }
0x51: {  	v37 =	vld [tilespmem:s12+$0x500];
	v1 =	vmax.f32 v1, v4  }
0x52: {  	v38 =	vld [tilespmem:s12+$0x640];
	[tilespmem:s10+$0x2800] =	vst v1  }
0x53: {  	v0 =	vmax.f32 v0, v6;
	v1 =	vld [tilespmem:s12+$0x780]  }
0x54: {  	v39 =	vld [tilespmem:s12+$0x8C0];
	v0 =	vmax.f32 v0, v35  }
0x55: {  	v40 =	vld [tilespmem:s12+$0xA00];
	v0 =	vmax.f32 v0, v36  }
0x56: {  	v41 =	vld [tilespmem:s12+$0xB40];
	v0 =	vmax.f32 v0, v37  }
0x57: {  	v42 =	vld [tilespmem:s12+$0xC80];
	v0 =	vmax.f32 v0, v38  }
0x58: {  	v43 =	vld [tilespmem:s12+$0xDC0];
	v0 =	vmax.f32 v0, v1  }
0x59: {  	v44 =	vld [tilespmem:s12+$0xF00];
	v0 =	vmax.f32 v0, v39  }
0x5a: {  	v45 =	vld [tilespmem:s12+$0x1040];
	v0 =	vmax.f32 v0, v40  }
0x5b: {  	v46 =	vld [tilespmem:s12+$0x1180];
	v0 =	vmax.f32 v0, v41  }
0x5c: {  	v47 =	vld [tilespmem:s12+$0x12C0];
	v0 =	vmax.f32 v0, v42  }
0x5d: {  	v48 =	vld [tilespmem:s12+$0x1400];
	v0 =	vmax.f32 v0, v43  }
0x5e: {  	v49 =	vld [tilespmem:s12+$0x1540];
	v0 =	vmax.f32 v0, v44  }
0x5f: {  	v50 =	vld [tilespmem:s12+$0x1680];
	v0 =	vmax.f32 v0, v45  }
0x60: {  	v51 =	vld [tilespmem:s12+$0x17C0];
	v0 =	vmax.f32 v0, v46  }
0x61: {  	v52 =	vld [tilespmem:s12+$0x1900];
	v0 =	vmax.f32 v0, v47  }
0x62: {  	v53 =	vld [tilespmem:s12+$0x1A40];
	v0 =	vmax.f32 v0, v48  }
0x63: {  	v54 =	vld [tilespmem:s12+$0x1B80];
	v0 =	vmax.f32 v0, v49  }
0x64: {  	v55 =	vld [tilespmem:s12+$0x1CC0];
	v0 =	vmax.f32 v0, v50  }
0x65: {  	v56 =	vld [tilespmem:s12+$0x1E00];
	v0 =	vmax.f32 v0, v51  }
0x66: {  	v57 =	vld [tilespmem:s12+$0x1F40];
	v0 =	vmax.f32 v0, v52  }
0x67: {  	v58 =	vld [tilespmem:s12+$0x2080];
	v0 =	vmax.f32 v0, v53  }
0x68: {  	v59 =	vld [tilespmem:s12+$0x21C0];
	v0 =	vmax.f32 v0, v54  }
0x69: {  	v60 =	vld [tilespmem:s12+$0x2300];
	v0 =	vmax.f32 v0, v55  }
0x6a: {  	v61 =	vld [tilespmem:s12+$0x2440];
	v0 =	vmax.f32 v0, v56  }
0x6b: {  	v62 =	vld [tilespmem:s12+$0x2580];
	v0 =	vmax.f32 v0, v57  }
0x6c: {  	v63 =	vld [tilespmem:s12+$0x26C0];
	v0 =	vmax.f32 v0, v58  }
0x6d: {  	v0 =	vmax.f32 v0, v59  }
0x6e: {  	v0 =	vmax.f32 v0, v60  }
0x6f: {  	v0 =	vmax.f32 v0, v61  }
0x70: {  	s9 =	sadd.s32 $0x1, s9;
	v0 =	vmax.f32 v0, v62  }
0x71: {  	p0 =	sne.s32 s9, s5;
	v0 =	vmax.f32 v0, v63  }
.Ltmp1:
0x72: {  	[tilespmem:s12+$0x2800] =	vst v0;
	(pc) =	sbr.rel @p0 .LBB2_1-.Ltmp1, $4  }
0x73: {  	[hbm4b:s4+s2] =	stream.linear.scatter [tilespmem:s7], [sflag:$0x1], $0x140, $0x38;
	[tilespmem:$0x2940] =	vst v63  }
0x74: {  	_ =	swait.ge [sflag:s8], $0x140  }
0x75: {  	[sflag:s8] =	ssyncset.done $0x0  }
0x76: {  	[sflag:s8] =	ssyncadd.s32 $0xFFFFFEC0  }
0x77: {  	_ =	sfence.sel $0x180000  }
0x78: {  	[bflag:$0x0] =	sbarrier.arrive $0xFFFF  }
0x79: {  	p0 =	sne.s32 s0, $0x0;
	_ =	strace $0x9000004A  }
0x7a: {  	s0 =	sadd.s32 @!p0 $0x100000, s1;
	[bflag:$0x2] =	sbarrier.arrive $0xFFFF  }
0x7b: {  	[sflag:s0] =	ssyncadd.tile.s32 @!p0 $0x1;
	_ =	shalt  }
.Lfunc_end2:
_tile_overlayer_lowered:
.L_overlay_start_2:
0x7c: {  	(tag) =	ssettag $0x2  }
0x7d: {  	s0 =	rddreg [dreg:$0x0];
	s2 =	stileid.u32  }
0x7e: {  	s1 =	rddreg [dreg:$0x1];
	p0 =	sne.s32 s2, $0x0  }
0x7f: {  	s3 =	rddreg [dreg:$0x2];
	[bflag:$0x3] =	sbarrier.arrive $0xFFFF;
	s2 =	simm.s32 @!p0 $0x1C01  }
0x80: {  	[timem:s3], [sflag:s2] =	dma.local @!p0 [hbm:s0], s1  }
0x81: {  	s0 =	simm.s32 @!p0 $0x1  }
0x82: {  	_ =	swait.ge @!p0 [sflag:s0], s1  }
0x83: {  	s1 =	ssub.s32 @!p0 $0x0, s1;
	[sflag:s0] =	ssyncset.done @!p0 $0x0  }
0x84: {  	[sflag:s0] =	ssyncadd.s32 @!p0 s1  }
0x85: {  	[bflag:$0x3] =	sbarrier.arrive $0xFFFF  }
0x86: {  	_ =	shalt  }

// kernel: kernel.13.cloned.1.call-start
scs
__scs_entry_jumppad:
0x0: {  	(pc) =	sbr.rel $0x88, $3  }
0x1: {  	(tag) =	ssettag $0x0;
	lr =	simm.s32 $0x1  }
0x2: {  	[smem:$0x3F96] =	sst lr;
	_ =	strace $0xD0000000  }
0x3: {  	_ = 	snop  }
0x4: {  	_ = 	snop  }
0x5: {  	_ = 	snop  }
0x6: {  	_ = 	snop  }
0x7: {  	_ = 	snop  }
__scs_overlays_trampoline_lowered:
0x8: {  	[smem:$0x3FA5] =	sst s0  }
0x9: {  	[smem:$0x3FA6] =	sst s1  }
0xa: {  	[smem:$0x3FA7] =	sst s2  }
0xb: {  	[smem:$0x3FA8] =	sst s3  }
0xc: {  	[smem:$0x3FA9] =	sst s4  }
0xd: {  	[smem:$0x3FAA] =	sst s5  }
0xe: {  	[smem:$0x3FAB] =	sst s6  }
0xf: {  	[smem:$0x3FAC] =	sst s7  }
0x10: {  	[smem:$0x3FAD] =	sst s8  }
0x11: {  	[smem:$0x3FAE] =	sst s9;
	s0 =	simm.s32 @!p0 $0x0  }
0x12: {  	s1 =	sld [smem:$0x3F94];
	s0 =	simm.s32 @p0 $0x1  }
0x13: {  	[smem:$0x3FAF] =	sst s0;
	s0 =	simm.s32 @!p1 $0x0  }
0x14: {  	s2 =	sld [smem:$0x3F93];
	s0 =	simm.s32 @p1 $0x1  }
0x15: {  	[smem:$0x3FB0] =	sst s0;
	s0 =	simm.s32 @!p2 $0x0  }
0x16: {  	s3 =	sld [smem:$0x3FDB];
	s0 =	simm.s32 @p2 $0x1  }
0x17: {  	s4 =	simm.s32 $0x1BF5;
	[smem:$0x3FB2] =	sst s0  }
0x18: {  	s0 =	sld [smem:$0x3F95];
	_ =	swait.ge [sflag:s4], $0x0  }
0x19: {  	s7 =	sld [smem:$0x3F96]  }
0x1a: {  	s8 =	sadd.s32 $0xFFFFE003, lr  }
0x1b: {  	s9 =	sadd.s32 $0xFFFFFEF7, lr;
	s5 =	simm.s32 $0xFFFFFFFF;
	p2 =	slt.u32 s8, $0xFFFFF086  }
0x1c: {  	p1 =	slt.u32 s9, $0xF7A;
	s5 =	simm.s32 @!p2 $0x0  }
0x1d: {  	s5 =	simm.s32 @p1 $0x1;
	p0 =	seq.s32 s7, s2  }
0x1e: {  	s7 =	smul.u32 @!p0 $0xF7A, s2;
	p2 =	seq.s32 @!p0 s5, $0x0  }
0x1f: {  	s9 =	smul.u32 $0xF7A, s1;
	s8 =	simm.s32 @!p0 $0x1BF5;
	p2 =	por !p2, p0  }
0x20: {  	[sflag:s8] =	ssyncset.s32 @!p0 $0xFFFFF086;
	s6 =	sadd.s32 @!p0 s3, s7;
	s7 =	simm.s32 @!p0 $0x108  }
0x21: {  	s3 =	sadd.s32 s3, s9;
	s6 =	sadd.s32 @!p0 $0x88, s6;
	s7 =	simm.s32 @p2 $0x1082  }
0x22: {  	[simem:s7], [sflag:s8] =	dma.local @!p0 [hbm:s6], $0xF7A  }
0x23: {  	s9 =	sor.u32 $0xD0000000, s2;
	s6 =	simm.s32 $0x108;
	_ =	swait.ge @!p0 [sflag:s8], $0x0  }
0x24: {  	s3 =	sadd.s32 $0x88, s3;
	s6 =	simm.s32 @!p1 $0x1082;
	[sflag:s4] =	ssyncset.s32 $0xFFFFF086  }
0x25: {  	[simem:s6], [sflag:s4] =	dma.local [hbm:s3], $0xF7A  }
0x26: {  	[smem:$0x3F96] =	sst s1;
	(tag) =	ssettag s2;
	_ =	strace s9  }
0x27: {  	s1 =	sld [smem:$0x3FA6]  }
0x28: {  	s2 =	sld [smem:$0x3FA7]  }
0x29: {  	s4 =	sld [smem:$0x3FA9]  }
0x2a: {  	p0 =	seq.s32 s5, $0x0;
	s5 =	sld [smem:$0x3FAA]  }
0x2b: {  	s6 =	sld [smem:$0x3FAB]  }
0x2c: {  	s7 =	sld [smem:$0x3FAC]  }
0x2d: {  	s3 =	simm.s32 $0x108;
	s8 =	sld [smem:$0x3FAD]  }
0x2e: {  	s3 =	simm.s32 @!p0 $0x1082;
	s9 =	sld [smem:$0x3FAE]  }
0x2f: {  	lr =	sadd.s32 s0, s3;
	s0 =	sld [smem:$0x3FA5]  }
0x30: {  	s3 =	sld [smem:$0x3FA8]  }
0x31: {  	[smem:$0x3FB1] =	sst s10  }
0x32: {  	s10 =	sld [smem:$0x3FAF];
	_ =	sdelay $0x3  }
0x33: {  	p0 =	seq.s32 s10, $0x1;
	s10 =	sld [smem:$0x3FB1];
	_ =	sdelay $0x3  }
0x34: {  	[smem:$0x3FB1] =	sst s10  }
0x35: {  	s10 =	sld [smem:$0x3FB0];
	_ =	sdelay $0x3  }
0x36: {  	p1 =	seq.s32 s10, $0x1;
	s10 =	sld [smem:$0x3FB1];
	_ =	sdelay $0x3  }
0x37: {  	[smem:$0x3FB1] =	sst s10  }
0x38: {  	s10 =	sld [smem:$0x3FB2]  }
0x39: {  	_ = 	snop;
	(pc) =	sbr.ind lr, $3  }
0x3a: {  	_ = 	snop  }
0x3b: {  	_ = 	snop  }
0x3c: {  	p2 =	seq.s32 s10, $0x1;
	s10 =	sld [smem:$0x3FB1]  }
0x3d: {  	_ =	shalt  }
0x3e: {  	_ =	shalt  }
0x3f: {  	_ =	shalt  }
0x40: {  	_ =	shalt  }
0x41: {  	_ =	shalt  }
0x42: {  	_ =	shalt  }
0x43: {  	_ =	shalt  }
0x44: {  	_ =	shalt  }
0x45: {  	_ =	shalt  }
0x46: {  	_ =	shalt  }
0x47: {  	_ =	shalt  }
0x48: {  	_ =	shalt  }
0x49: {  	_ =	shalt  }
0x4a: {  	_ =	shalt  }
0x4b: {  	_ =	shalt  }
0x4c: {  	_ =	shalt  }
0x4d: {  	_ =	shalt  }
0x4e: {  	_ =	shalt  }
0x4f: {  	_ =	shalt  }
0x50: {  	_ =	shalt  }
0x51: {  	_ =	shalt  }
0x52: {  	_ =	shalt  }
0x53: {  	_ =	shalt  }
0x54: {  	_ =	shalt  }
0x55: {  	_ =	shalt  }
0x56: {  	_ =	shalt  }
0x57: {  	_ =	shalt  }
0x58: {  	_ =	shalt  }
0x59: {  	_ =	shalt  }
0x5a: {  	_ =	shalt  }
0x5b: {  	_ =	shalt  }
0x5c: {  	_ =	shalt  }
0x5d: {  	_ =	shalt  }
0x5e: {  	_ =	shalt  }
0x5f: {  	_ =	shalt  }
0x60: {  	_ =	shalt  }
0x61: {  	_ =	shalt  }
0x62: {  	_ =	shalt  }
0x63: {  	_ =	shalt  }
0x64: {  	_ =	shalt  }
0x65: {  	_ =	shalt  }
0x66: {  	_ =	shalt  }
0x67: {  	_ =	shalt  }
0x68: {  	_ =	shalt  }
0x69: {  	_ =	shalt  }
0x6a: {  	_ =	shalt  }
0x6b: {  	_ =	shalt  }
0x6c: {  	_ =	shalt  }
0x6d: {  	_ =	shalt  }
0x6e: {  	_ =	shalt  }
0x6f: {  	_ =	shalt  }
0x70: {  	_ =	shalt  }
0x71: {  	_ =	shalt  }
0x72: {  	_ =	shalt  }
0x73: {  	_ =	shalt  }
0x74: {  	_ =	shalt  }
0x75: {  	_ =	shalt  }
0x76: {  	_ =	shalt  }
0x77: {  	_ =	shalt  }
0x78: {  	_ =	shalt  }
0x79: {  	_ =	shalt  }
0x7a: {  	_ =	shalt  }
0x7b: {  	_ =	shalt  }
0x7c: {  	_ =	shalt  }
0x7d: {  	_ =	shalt  }
0x7e: {  	_ =	shalt  }
0x7f: {  	_ =	shalt  }
0x80: {  	_ =	shalt  }
0x81: {  	_ =	shalt  }
0x82: {  	_ =	shalt  }
0x83: {  	_ =	shalt  }
0x84: {  	_ =	shalt  }
0x85: {  	_ =	shalt  }
0x86: {  	_ =	shalt  }
0x87: {  	_ =	shalt  }
.Lfunc_end0:
.L_simem_size_0:
called_computation.2_lowered:
.L_overlay_start_0:
0x88: {  	s2 =	sld [smem:$0x3FD9]  }
0x89: {  	s3 =	sld [smem:$0x3FFE];
	_ =	sdelay $0x1  }
0x8a: {  	s1 =	srdreg.scid  }
0x8b: {  	s0 =	sand.u32 $0x1, s1  }
0x8c: {  	s14 =	sshll.u32 s0, $0xA;
	s2 =	sadd.s32 s3, s2  }
0x8d: {  	s2 =	sadd.s32 s2, s14  }
0x8e: {  	[smem:$0x3FBD] =	sst s2  }
0x8f: {  	_ = 	snop  }
0x90: {  	s2 =	sld [smem:$0x3FD0];
	_ =	sdelay $0x2  }
0x91: {  	s4 =	simm.s32 $0xA;
	s5 =	simm.s32 $0x10;
	s15 =	sld [smem:$0x3FC6]  }
0x92: {  	[smem:s5], [sflag:s4] =	dma.local [hbm:s2], $0x1  }
0x93: {  	_ =	swait.eq [sflag:s4], $0x1  }
0x94: {  	[sflag:s4] =	ssyncset.done $0x0  }
0x95: {  	s16 =	sld [smem:$0x10];
	[sflag:s4] =	ssyncadd.s32 $0xFFFFFFFF  }
0x96: {  	s17 =	sld [smem:$0x11];
	(tm) =	ssettm $0x1  }
0x97: {  	s18 =	sld [smem:$0x3FFB];
	_ =	sdelay $0x3  }
0x98: {  	_ =	strace s18  }
0x99: {  	s5 =	sld [smem:$0x3FFC];
	_ =	sdelay $0x3  }
0x9a: {  	_ =	strace s5  }
0x9b: {  	s5 =	sld [smem:$0x3FFD];
	_ =	sdelay $0x3  }
0x9c: {  	_ =	strace s5  }
0x9d: {  	_ =	strace $0x8FFFFFFF  }
0x9e: {  	s19 =	sld [smem:$0x3FDB];
	_ =	sdelay $0x1  }
0x9f: {  	s6 =	simm.s32 $_scs_section_size  }
0xa0: {  	s7 =	simm.s32 $_size__tile_overlayer_lowered;
	s8 =	simm.s32 $_tile_overlayer_lowered  }
0xa1: {  	s22 =	simm.s32 $0x1BFF;
	s21 =	sshll.u32 s8, $0x1;
	s5 =	sadd.s32 s6, s19  }
0xa2: {  	s9 =	simm.s32 $0x0;
	s20 =	sshll.u32 s7, $0x1;
	s7 =	sadd.s32 s21, s5  }
0xa3: {  	[timem:s9], [sflag:s22] =	dma.local [hbm:s7], s20  }
0xa4: {  	_ =	swait.ge [sflag:s22], s20  }
0xa5: {  	s6 =	ssub.s32 $0x0, s20;
	[sflag:s22] =	ssyncset.done $0x0  }
0xa6: {  	[sflag:s22] =	ssyncadd.s32 s6;
	_ =	sdelay $0x1  }
0xa7: {  	s23 =	simm.s32 $0x1B8B  }
0xa8: {  	_ =	swait.ge [sflag:s23], $0x1  }
0xa9: {  	[sflag:s23] =	ssyncset.done $0x0  }
0xaa: {  	s25 =	simm.s32 $0x1B8E;
	s24 =	sld [smem:$0x3FFE];
	[sflag:s23] =	ssyncadd.s32 $0xFFFFFFFF  }
0xab: {  	s26 =	simm.s32 $execute0_lowered;
	[smem:$0x3FD2] =	sst s25  }
0xac: {  	s7 =	sshll.u32 s26, $0x1;
	_ =	strace $0x8000004C;
	[dreg:$0x1] =	wrdreg $0xFFFFFFFF  }
0xad: {  	s28 =	simm.s32 $_size_execute0_lowered;
	s5 =	sadd.s32 s5, s7;
	[dreg:$0x0] =	wrdreg $0x0  }
0xae: {  	s7 =	sshll.u32 s28, $0x1;
	[dreg:$0x2] =	wrdreg s5  }
0xaf: {  	[dreg:$0x3] =	wrdreg s7  }
0xb0: {  	[dreg:$0x4] =	wrdreg $0xC0  }
0xb1: {  	_ =	task [dreg:s9], $0x5FFFF  }
0xb2: {  	[dreg:$0x1] =	wrdreg $0xFFFFFFFF  }
0xb3: {  	[dreg:$0x0] =	wrdreg $0x60  }
0xb4: {  	[dreg:$0x2] =	wrdreg s24  }
0xb5: {  	[dreg:$0x3] =	wrdreg s15  }
0xb6: {  	[dreg:$0x4] =	wrdreg s17  }
0xb7: {  	[dreg:$0x5] =	wrdreg s16  }
0xb8: {  	[dreg:$0x6] =	wrdreg $0x9  }
0xb9: {  	_ =	task.clear_ibuf [dreg:s9], $0x7FFFF;
	_ =	strace $0x9000004C  }
0xba: {  	s29 =	simm.s32 $0x9;
	_ =	strace $0x8000004E  }
0xbb: {  	_ =	swait.ge [sflag:s29], $0x1  }
0xbc: {  	[sflag:s29] =	ssyncadd.s32 $0xFFFFFFFF  }
0xbd: {  	_ =	strace $0x9000004E  }
0xbe: {  	_ =	sfence  }
0xbf: {  	s30 =	sld [smem:$0x0];
	_ =	sdelay $0x2  }
0xc0: {  	s31 =	sshll.u32 s1, $0xD;
	s1 =	sshrl.u32 s1, $0x2  }
0xc1: {  	s3 =	sand.u32 $0x4000, s31;
	s1 =	sadd.s32 s1, s30  }
0xc2: {  	s0 =	sor.u32 s3, s0;
	s1 =	sshll.u32 s1, $0x11  }
0xc3: {  	s0 =	sor.u32 s1, s0  }
0xc4: {  	s0 =	sadd.s32 $0x8F2B, s0  }
0xc5: {  	[sflag:s0] =	ssyncadd.remote.s32 $0x1  }
0xc6: {  	_ =	sfence.sel $0xFFFF  }
0xc7: {  	[dreg:$0x0] =	wrdreg $0xFFFFFFFF;
	(pc) =	sbr.abs _section_cstart, $3  }
0xc8: {  	[dreg:$0x1] =	wrdreg $0xFFFFFFFF  }
0xc9: {  	_ =	task.clear_ibuf [dreg:s9], $0x2FFFF;
	_ =	strace $0x9FFFFFFF  }
0xca: {  	(tm) =	ssettm $0x7FFFFFFF  }
0xcb: {  	_ =	shalt  }
tec
execute0_lowered:
.L_overlay_start_1:
0x0: {  	(tag) =	ssettag $0x1  }
0x1: {  	v0 =	vimm.s32 $0xFEDCBA9;
	v1 =	vimm.s32 $0x87654321  }
0x2: {  	v0 =	vunpack.c.l.s4.s8 v0;
	v1 =	vunpack.c.l.s4.s8 v1  }
0x3: {  	v2 =	vimm.s32 $0x10FEDCBA  }
0x4: {  	s4 =	rddreg [dreg:$0x0];
	v3 =	vimm.s32 $0x98765432;
	v0 =	vunpack.c.0.s8.s32 v0;
	v1 =	vunpack.c.0.s8.s32 v1  }
0x5: {  	s5 =	rddreg [dreg:$0x1];
	v2 =	vunpack.c.l.s4.s8 v2;
	v3 =	vunpack.c.l.s4.s8 v3  }
0x6: {  	s1 =	rddreg [dreg:$0x2];
	v5 =	vimm.s32 $0xFEDCBA98;
	v4 =	vcombine.low v1, v0  }
0x7: {  	s2 =	srdreg.scid;
	s0 =	stileid.u32;
	v0 =	vunpack.c.0.s8.s32 v2;
	v1 =	vunpack.c.0.s8.s32 v3;
	v2 =	vimm.s32 $0x3210FEDC  }
0x8: {  	s6 =	rddreg [dreg:$0x3];
	s3 =	simm.s32 $0x0;
	v7 =	vimm.s32 $0x6543210F;
	s13 =	simm.s32 $0x0;
	v3 =	vimm.s32 $0xBA987654;
	v2 =	vunpack.c.l.s4.s8 v2  }
0x9: {  	s7 =	sand.u32 $0x1, s2;
	s8 =	sshll.u32 s0, $0x1;
	s12 =	smul.u32 $0x4E20, s0;
	v6 =	vcombine.low v1, v0;
	v0 =	vimm.s32 $0x76543210;
	v1 =	vunpack.c.l.s4.s8 v5  }
0xa: {  	s2 =	rddreg [dreg:$0x4];
	v7 =	vunpack.c.l.s4.s8 v7;
	s8 =	sor.u32 s7, s8;
	s31 =	smul.u32 $0x2710, s7;
	v3 =	vunpack.c.l.s4.s8 v3;
	v0 =	vunpack.c.l.s4.s8 v0  }
0xb: {  	[smem:$0x7FF] =	sst s3;
	s10 =	ssub.s32 $0x2, s7;
	s9 =	smul.u32 $0x2710, s8;
	v5 =	vimm.s32 $0xEDCBA987;
	v2 =	vunpack.c.0.s8.s32 v2;
	v1 =	vunpack.c.0.s8.s32 v1  }
0xc: {  	_ =	strace $0x8000004D;
	s8 =	smul.u32 $0x500, s8;
	s11 =	sshrl.u32 s10, $0x1;
	v3 =	vunpack.c.0.s8.s32 v3;
	v5 =	vunpack.c.l.s4.s8 v5;
	v8 =	vunpack.c.0.s8.s32 v0  }
0xd: {  	vm0 =	vmmov $0x1;
	v7 =	vunpack.c.0.s8.s32 v7;
	s10 =	ssub.s32 s10, s11;
	s11 =	simm.s32 $0x4E20;
	s9 =	sshrl.u32 s9, $0x3;
	v1 =	vand.u32 $0xF, v1  }
0xe: {  	s6 =	sadd.s32 s6, s8;
	s7 =	smax.u32 s10, $0x1;
	s8 =	sadd.s32 s31, s12;
	v9 =	vcombine.low v3, v2;
	v1 =	vcombine.low v1, v8;
	v8 =	vunpack.c.0.s8.s32 v5  }
0xf: {  	s10 =	simm.s32 $0x2710;
	s12 =	simm.s32 $0x7620;
	s4 =	sadd.s32 s9, s4;
	v0 =	vimm.s32 $0xFFFFFFFF;
	v2 =	vlaneseq.u32;
	v3 =	vand.u32 $0xF, v4  }
0x10: {  	s5 =	sadd.s32 s5, s9;
	s9 =	simm.s32 $0x1;
	s4 =	sadd.s32 $0x3400, s4;
	v4 =	vand.u32 $0xF, v6;
	v5 =	vand.u32 $0xF, v9;
	v6 =	vcombine.low v7, v8  }
.LBB2_1:
0x11: {  	[tilespmem:s3], [sflag:$0x1] =	stream.linear.gather [hbm4b:s4+s3], $0x2710, $0x38;
	[tilespmem:$0x9E20] =	vst v63  }
0x12: {  	_ =	swait.ge [sflag:s9], $0x2710  }
0x13: {  	[sflag:s9] =	ssyncset.done $0x0  }
0x14: {  	[sflag:s9] =	ssyncadd.s32 $0xFFFFD8F0  }
0x15: {  	[tilespmem:s10], [sflag:$0x1] =	stream.linear.gather [hbm4b:s5+s3], $0x2710, $0x38;
	[tilespmem:$0x9E20] =	vst v63  }
0x16: {  	_ =	swait.ge [sflag:s9], $0x2710  }
0x17: {  	[sflag:s9] =	ssyncset.done $0x0  }
0x18: {  	[sflag:s9] =	ssyncadd.s32 $0xFFFFD8F0  }
0x19: {  	[tilespmem:s11], [sflag:$0x1] =	stream.linear.gather [hbm4b:s1+s3], $0x2800, $0x38;
	[tilespmem:$0x9E20] =	vst v63  }
0x1a: {  	_ =	swait.ge [sflag:s9], $0x2800  }
0x1b: {  	[sflag:s9] =	ssyncset.done $0x0  }
0x1c: {  	s14 =	simm.s32 $0x0;
	[sflag:s9] =	ssyncadd.s32 $0xFFFFD800  }
.LBB2_2:
0x1d: {  	p0 =	sne.s32 s14, $0x9FC0  }
.Ltmp0:
0x1e: {  	_ = 	snop;
	(pc) =	sbr.rel @p0 .LBB2_2-.Ltmp0, $3  }
0x1f: {  	_ =	sdelay $0x1  }
0x20: {  	s15 =	sshra.s32 s14, $0x2  }
0x21: {  	s14 =	sadd.s32 $0x40, s14;
	[tilespmem:s15+$0x7620] =	vst v0  }
0x22: {  	s14 =	simm.s32 $0x0  }
0x23: {  	v7 =	vld [tilespmem:s14+$0x0];
	_ =	sdelay $0x6  }
0x24: {  	v9 =	vld [tilespmem:s14+$0x2710]  }
0x25: {  	v8 =	vld.idx.msk [tilespmem:v7+s11+$0x0], $0xffff;
	_ =	sdelay $0x4  }
0x26: {  	v10 =	vor.u32 s8, v2;
	vm1 =	vge.f32 v9, v8  }
0x27: {  	v7 =	vxor.u32 $0x80000000, v7;
	v8 =	vnsel vm1, $0xFFFFFFFF, v10  }
0x28: {  	(xrf1) =	vsort.ascd.msk.u32 $0xffff, v7, v8;
	_ =	sdelay $0xd  }
0x29: {  	v7, v8, _ =	vpop (xrf1)  }
0x2a: {  	v7 =	vxor.u32 $0x80000000, v7  }
0x2b: {  	v56 =	vperm.xlane v7, v3  }
0x2c: {  	v57 =	vperm.xlane v8, v3  }
0x2d: {  	vm1 =	veq.s32 v7, v56  }
0x2e: {  	v9 =	vnsel vm1, $0xFFFFFFFF, v57  }
0x2f: {  	vm1 =	vgt.s32 v8, v9  }
0x30: {  	v58 =	vperm.xlane v7, v4;
	v8 =	vsel vm1, v8, v9  }
0x31: {  	v59 =	vperm.xlane v8, v4  }
0x32: {  	vm1 =	veq.s32 v7, v58  }
0x33: {  	v9 =	vnsel vm1, $0xFFFFFFFF, v59  }
0x34: {  	vm1 =	vgt.s32 v8, v9  }
0x35: {  	v60 =	vperm.xlane v7, v5;
	v8 =	vsel vm1, v8, v9  }
0x36: {  	v61 =	vperm.xlane v8, v5  }
0x37: {  	vm1 =	veq.s32 v7, v60  }
0x38: {  	v9 =	vnsel vm1, $0xFFFFFFFF, v61  }
0x39: {  	v62 =	vperm.xlane v7, v6;
	vm1 =	vgt.s32 v8, v9  }
0x3a: {  	v63 =	vperm.xlane v7, v1;
	v8 =	vsel vm1, v8, v9  }
0x3b: {  	v11 =	vld.idx.msk [tilespmem:v7+s12+$0x0], $0xffff;
	vm1 =	vne.s32 v7, v62;
	v12 =	vperm.xlane v8, v1  }
0x3c: {  	vm2 =	veq.s32 v7, v63;
	vm1 =	vmor vm1, vm0  }
0x3d: {  	v9 =	vnsel vm2, $0xFFFFFFFF, v12  }
0x3e: {  	vm2 =	vgt.s32 v8, v9  }
0x3f: {  	v8 =	vsel vm2, v8, v9  }
0x40: {  	vm2 =	vgt.s32 v11, v8  }
0x41: {  	v8 =	vsel vm2, v11, v8  }
0x42: {  	s16 =	simm.s32 $0x10;
	s15 =	simm.s32 $0x80;
	s14 =	smov.u32 s8;
	[tilespmem:v7+s12+$0x0] =	vst.idx.msk vm1, v8  }
.LBB2_4:
0x43: {  	p0 =	sne.s32 s15, $0x9C00;
	v7 =	vld [tilespmem:s16+$0x0];
	_ =	sdelay $0x7  }
0x44: {  	v8 =	vld.idx.msk [tilespmem:v7+s11+$0x0], $0xffff  }
0x45: {  	v9 =	vld [tilespmem:s16+$0x2710];
	_ =	sdelay $0x3  }
0x46: {  	s14 =	sadd.s32 $0x10, s14  }
0x47: {  	v10 =	vor.u32 s14, v2;
	vm1 =	vge.f32 v9, v8  }
0x48: {  	v7 =	vxor.u32 $0x80000000, v7;
	v8 =	vnsel vm1, $0xFFFFFFFF, v10  }
0x49: {  	(xrf1) =	vsort.ascd.msk.u32 $0xffff, v7, v8;
	_ =	sdelay $0xd  }
0x4a: {  	v7, v8, _ =	vpop (xrf1)  }
0x4b: {  	v7 =	vxor.u32 $0x80000000, v7  }
0x4c: {  	v9 =	vperm.xlane v7, v3  }
0x4d: {  	v10 =	vperm.xlane v8, v3  }
0x4e: {  	vm1 =	veq.s32 v7, v9  }
0x4f: {  	v9 =	vnsel vm1, $0xFFFFFFFF, v10  }
0x50: {  	vm1 =	vgt.s32 v8, v9  }
0x51: {  	v8 =	vsel vm1, v8, v9;
	v9 =	vperm.xlane v7, v4  }
0x52: {  	v10 =	vperm.xlane v8, v4  }
0x53: {  	vm1 =	veq.s32 v7, v9  }
0x54: {  	v9 =	vnsel vm1, $0xFFFFFFFF, v10  }
0x55: {  	vm1 =	vgt.s32 v8, v9  }
0x56: {  	v8 =	vsel vm1, v8, v9;
	v9 =	vperm.xlane v7, v5  }
0x57: {  	v10 =	vperm.xlane v8, v5  }
0x58: {  	vm1 =	veq.s32 v7, v9  }
0x59: {  	v9 =	vnsel vm1, $0xFFFFFFFF, v10  }
0x5a: {  	v10 =	vperm.xlane v7, v6;
	vm1 =	vgt.s32 v8, v9  }
0x5b: {  	v8 =	vsel vm1, v8, v9;
	v9 =	vperm.xlane v7, v1;
	v11 =	vld.idx.msk [tilespmem:v7+s12+$0x0], $0xffff  }
0x5c: {  	vm1 =	vne.s32 v7, v10;
	v12 =	vperm.xlane v8, v1  }
0x5d: {  	vm1 =	vmor vm1, vm0;
	vm2 =	veq.s32 v7, v9  }
0x5e: {  	v9 =	vnsel vm2, $0xFFFFFFFF, v12  }
.Ltmp1:
0x5f: {  	vm2 =	vgt.s32 v8, v9;
	(pc) =	sbr.rel @p0 .LBB2_4-.Ltmp1, $4  }
0x60: {  	v8 =	vsel vm2, v8, v9  }
0x61: {  	vm2 =	vgt.s32 v11, v8  }
0x62: {  	v8 =	vsel vm2, v11, v8  }
0x63: {  	s16 =	sshra.s32 s15, $0x2;
	s15 =	sadd.s32 $0x40, s15;
	[tilespmem:v7+s12+$0x0] =	vst.idx.msk vm1, v8  }
0x64: {  	v7 =	vld [tilespmem:s16+$0x0];
	_ =	sdelay $0x6  }
0x65: {  	v9 =	vld [tilespmem:s16+$0x2710]  }
0x66: {  	v8 =	vld.idx.msk [tilespmem:v7+s11+$0x0], $0xffff;
	_ =	sdelay $0x3  }
0x67: {  	s14 =	sadd.s32 $0x10, s14  }
0x68: {  	v10 =	vor.u32 s14, v2;
	vm1 =	vge.f32 v9, v8  }
0x69: {  	v7 =	vxor.u32 $0x80000000, v7;
	v8 =	vnsel vm1, $0xFFFFFFFF, v10  }
0x6a: {  	(xrf1) =	vsort.ascd.msk.u32 $0xffff, v7, v8;
	_ =	sdelay $0xd  }
0x6b: {  	v7, v8, _ =	vpop (xrf1)  }
0x6c: {  	v7 =	vxor.u32 $0x80000000, v7  }
0x6d: {  	v56 =	vperm.xlane v7, v3  }
0x6e: {  	v57 =	vperm.xlane v8, v3  }
0x6f: {  	vm1 =	veq.s32 v7, v56  }
0x70: {  	v9 =	vnsel vm1, $0xFFFFFFFF, v57  }
0x71: {  	vm1 =	vgt.s32 v8, v9  }
0x72: {  	v58 =	vperm.xlane v7, v4;
	v8 =	vsel vm1, v8, v9  }
0x73: {  	v59 =	vperm.xlane v8, v4  }
0x74: {  	vm1 =	veq.s32 v7, v58  }
0x75: {  	v9 =	vnsel vm1, $0xFFFFFFFF, v59  }
0x76: {  	vm1 =	vgt.s32 v8, v9  }
0x77: {  	v60 =	vperm.xlane v7, v5;
	v8 =	vsel vm1, v8, v9  }
0x78: {  	v61 =	vperm.xlane v8, v5  }
0x79: {  	vm1 =	veq.s32 v7, v60  }
0x7a: {  	v9 =	vnsel vm1, $0xFFFFFFFF, v61  }
0x7b: {  	v62 =	vperm.xlane v7, v6;
	vm1 =	vgt.s32 v8, v9  }
0x7c: {  	v63 =	vperm.xlane v7, v1;
	v8 =	vsel vm1, v8, v9  }
0x7d: {  	v11 =	vld.idx.msk [tilespmem:v7+s12+$0x0], $0xffff;
	vm1 =	vne.s32 v7, v62;
	v12 =	vperm.xlane v8, v1  }
0x7e: {  	vm2 =	veq.s32 v7, v63;
	vm1 =	vmor vm1, vm0  }
0x7f: {  	v9 =	vnsel vm2, $0xFFFFFFFF, v12  }
0x80: {  	vm2 =	vgt.s32 v8, v9  }
0x81: {  	v8 =	vsel vm2, v8, v9  }
0x82: {  	s13 =	sadd.s32 $0x1, s13;
	vm2 =	vgt.s32 v11, v8  }
0x83: {  	p0 =	sne.s32 s13, s7;
	v8 =	vsel vm2, v11, v8  }
.Ltmp2:
0x84: {  	[tilespmem:v7+s12+$0x0] =	vst.idx.msk vm1, v8;
	(pc) =	sbr.rel @p0 .LBB2_1-.Ltmp2, $4  }
0x85: {  	[hbm4b:s6+s3] =	stream.linear.scatter [tilespmem:s12], [sflag:$0x1], $0x2800, $0x38;
	[tilespmem:$0x9E20] =	vst v63  }
0x86: {  	_ =	swait.ge [sflag:s9], $0x2800  }
0x87: {  	[sflag:s9] =	ssyncset.done $0x0  }
0x88: {  	[sflag:s9] =	ssyncadd.s32 $0xFFFFD800  }
0x89: {  	_ =	sfence.sel $0x180000  }
0x8a: {  	[bflag:$0x0] =	sbarrier.arrive $0xFFFF  }
0x8b: {  	p0 =	sne.s32 s0, $0x0;
	_ =	strace $0x9000004D  }
0x8c: {  	s0 =	sadd.s32 @!p0 $0x100000, s2;
	[bflag:$0x2] =	sbarrier.arrive $0xFFFF  }
0x8d: {  	[sflag:s0] =	ssyncadd.tile.s32 @!p0 $0x1;
	_ =	shalt  }
.Lfunc_end2:
_tile_overlayer_lowered:
.L_overlay_start_2:
0x8e: {  	(tag) =	ssettag $0x2  }
0x8f: {  	s0 =	rddreg [dreg:$0x0];
	s2 =	stileid.u32  }
0x90: {  	s1 =	rddreg [dreg:$0x1];
	p0 =	sne.s32 s2, $0x0  }
0x91: {  	s3 =	rddreg [dreg:$0x2];
	[bflag:$0x3] =	sbarrier.arrive $0xFFFF;
	s2 =	simm.s32 @!p0 $0x1C01  }
0x92: {  	[timem:s3], [sflag:s2] =	dma.local @!p0 [hbm:s0], s1  }
0x93: {  	s0 =	simm.s32 @!p0 $0x1  }
0x94: {  	_ =	swait.ge @!p0 [sflag:s0], s1  }
0x95: {  	s1 =	ssub.s32 @!p0 $0x0, s1;
	[sflag:s0] =	ssyncset.done @!p0 $0x0  }
0x96: {  	[sflag:s0] =	ssyncadd.s32 @!p0 s1  }
0x97: {  	[bflag:$0x3] =	sbarrier.arrive $0xFFFF  }
0x98: {  	_ =	shalt  }

// kernel: kernel.16.cloned.1.call-start
scs
__scs_entry_jumppad:
0x0: {  	(pc) =	sbr.rel $0x88, $3  }
0x1: {  	(tag) =	ssettag $0x0;
	lr =	simm.s32 $0x1  }
0x2: {  	[smem:$0x3F96] =	sst lr;
	_ =	strace $0xD0000000  }
0x3: {  	_ = 	snop  }
0x4: {  	_ = 	snop  }
0x5: {  	_ = 	snop  }
0x6: {  	_ = 	snop  }
0x7: {  	_ = 	snop  }
__scs_overlays_trampoline_lowered:
0x8: {  	[smem:$0x3FA5] =	sst s0  }
0x9: {  	[smem:$0x3FA6] =	sst s1  }
0xa: {  	[smem:$0x3FA7] =	sst s2  }
0xb: {  	[smem:$0x3FA8] =	sst s3  }
0xc: {  	[smem:$0x3FA9] =	sst s4  }
0xd: {  	[smem:$0x3FAA] =	sst s5  }
0xe: {  	[smem:$0x3FAB] =	sst s6  }
0xf: {  	[smem:$0x3FAC] =	sst s7  }
0x10: {  	[smem:$0x3FAD] =	sst s8  }
0x11: {  	[smem:$0x3FAE] =	sst s9;
	s0 =	simm.s32 @!p0 $0x0  }
0x12: {  	s1 =	sld [smem:$0x3F94];
	s0 =	simm.s32 @p0 $0x1  }
0x13: {  	[smem:$0x3FAF] =	sst s0;
	s0 =	simm.s32 @!p1 $0x0  }
0x14: {  	s2 =	sld [smem:$0x3F93];
	s0 =	simm.s32 @p1 $0x1  }
0x15: {  	[smem:$0x3FB0] =	sst s0;
	s0 =	simm.s32 @!p2 $0x0  }
0x16: {  	s3 =	sld [smem:$0x3FDB];
	s0 =	simm.s32 @p2 $0x1  }
0x17: {  	s4 =	simm.s32 $0x1BF5;
	[smem:$0x3FB2] =	sst s0  }
0x18: {  	s0 =	sld [smem:$0x3F95];
	_ =	swait.ge [sflag:s4], $0x0  }
0x19: {  	s7 =	sld [smem:$0x3F96]  }
0x1a: {  	s8 =	sadd.s32 $0xFFFFE003, lr  }
0x1b: {  	s9 =	sadd.s32 $0xFFFFFEF7, lr;
	s5 =	simm.s32 $0xFFFFFFFF;
	p2 =	slt.u32 s8, $0xFFFFF086  }
0x1c: {  	p1 =	slt.u32 s9, $0xF7A;
	s5 =	simm.s32 @!p2 $0x0  }
0x1d: {  	s5 =	simm.s32 @p1 $0x1;
	p0 =	seq.s32 s7, s2  }
0x1e: {  	s7 =	smul.u32 @!p0 $0xF7A, s2;
	p2 =	seq.s32 @!p0 s5, $0x0  }
0x1f: {  	s9 =	smul.u32 $0xF7A, s1;
	s8 =	simm.s32 @!p0 $0x1BF5;
	p2 =	por !p2, p0  }
0x20: {  	[sflag:s8] =	ssyncset.s32 @!p0 $0xFFFFF086;
	s6 =	sadd.s32 @!p0 s3, s7;
	s7 =	simm.s32 @!p0 $0x108  }
0x21: {  	s3 =	sadd.s32 s3, s9;
	s6 =	sadd.s32 @!p0 $0x88, s6;
	s7 =	simm.s32 @p2 $0x1082  }
0x22: {  	[simem:s7], [sflag:s8] =	dma.local @!p0 [hbm:s6], $0xF7A  }
0x23: {  	s9 =	sor.u32 $0xD0000000, s2;
	s6 =	simm.s32 $0x108;
	_ =	swait.ge @!p0 [sflag:s8], $0x0  }
0x24: {  	s3 =	sadd.s32 $0x88, s3;
	s6 =	simm.s32 @!p1 $0x1082;
	[sflag:s4] =	ssyncset.s32 $0xFFFFF086  }
0x25: {  	[simem:s6], [sflag:s4] =	dma.local [hbm:s3], $0xF7A  }
0x26: {  	[smem:$0x3F96] =	sst s1;
	(tag) =	ssettag s2;
	_ =	strace s9  }
0x27: {  	s1 =	sld [smem:$0x3FA6]  }
0x28: {  	s2 =	sld [smem:$0x3FA7]  }
0x29: {  	s4 =	sld [smem:$0x3FA9]  }
0x2a: {  	p0 =	seq.s32 s5, $0x0;
	s5 =	sld [smem:$0x3FAA]  }
0x2b: {  	s6 =	sld [smem:$0x3FAB]  }
0x2c: {  	s7 =	sld [smem:$0x3FAC]  }
0x2d: {  	s3 =	simm.s32 $0x108;
	s8 =	sld [smem:$0x3FAD]  }
0x2e: {  	s3 =	simm.s32 @!p0 $0x1082;
	s9 =	sld [smem:$0x3FAE]  }
0x2f: {  	lr =	sadd.s32 s0, s3;
	s0 =	sld [smem:$0x3FA5]  }
0x30: {  	s3 =	sld [smem:$0x3FA8]  }
0x31: {  	[smem:$0x3FB1] =	sst s10  }
0x32: {  	s10 =	sld [smem:$0x3FAF];
	_ =	sdelay $0x3  }
0x33: {  	p0 =	seq.s32 s10, $0x1;
	s10 =	sld [smem:$0x3FB1];
	_ =	sdelay $0x3  }
0x34: {  	[smem:$0x3FB1] =	sst s10  }
0x35: {  	s10 =	sld [smem:$0x3FB0];
	_ =	sdelay $0x3  }
0x36: {  	p1 =	seq.s32 s10, $0x1;
	s10 =	sld [smem:$0x3FB1];
	_ =	sdelay $0x3  }
0x37: {  	[smem:$0x3FB1] =	sst s10  }
0x38: {  	s10 =	sld [smem:$0x3FB2]  }
0x39: {  	_ = 	snop;
	(pc) =	sbr.ind lr, $3  }
0x3a: {  	_ = 	snop  }
0x3b: {  	_ = 	snop  }
0x3c: {  	p2 =	seq.s32 s10, $0x1;
	s10 =	sld [smem:$0x3FB1]  }
0x3d: {  	_ =	shalt  }
0x3e: {  	_ =	shalt  }
0x3f: {  	_ =	shalt  }
0x40: {  	_ =	shalt  }
0x41: {  	_ =	shalt  }
0x42: {  	_ =	shalt  }
0x43: {  	_ =	shalt  }
0x44: {  	_ =	shalt  }
0x45: {  	_ =	shalt  }
0x46: {  	_ =	shalt  }
0x47: {  	_ =	shalt  }
0x48: {  	_ =	shalt  }
0x49: {  	_ =	shalt  }
0x4a: {  	_ =	shalt  }
0x4b: {  	_ =	shalt  }
0x4c: {  	_ =	shalt  }
0x4d: {  	_ =	shalt  }
0x4e: {  	_ =	shalt  }
0x4f: {  	_ =	shalt  }
0x50: {  	_ =	shalt  }
0x51: {  	_ =	shalt  }
0x52: {  	_ =	shalt  }
0x53: {  	_ =	shalt  }
0x54: {  	_ =	shalt  }
0x55: {  	_ =	shalt  }
0x56: {  	_ =	shalt  }
0x57: {  	_ =	shalt  }
0x58: {  	_ =	shalt  }
0x59: {  	_ =	shalt  }
0x5a: {  	_ =	shalt  }
0x5b: {  	_ =	shalt  }
0x5c: {  	_ =	shalt  }
0x5d: {  	_ =	shalt  }
0x5e: {  	_ =	shalt  }
0x5f: {  	_ =	shalt  }
0x60: {  	_ =	shalt  }
0x61: {  	_ =	shalt  }
0x62: {  	_ =	shalt  }
0x63: {  	_ =	shalt  }
0x64: {  	_ =	shalt  }
0x65: {  	_ =	shalt  }
0x66: {  	_ =	shalt  }
0x67: {  	_ =	shalt  }
0x68: {  	_ =	shalt  }
0x69: {  	_ =	shalt  }
0x6a: {  	_ =	shalt  }
0x6b: {  	_ =	shalt  }
0x6c: {  	_ =	shalt  }
0x6d: {  	_ =	shalt  }
0x6e: {  	_ =	shalt  }
0x6f: {  	_ =	shalt  }
0x70: {  	_ =	shalt  }
0x71: {  	_ =	shalt  }
0x72: {  	_ =	shalt  }
0x73: {  	_ =	shalt  }
0x74: {  	_ =	shalt  }
0x75: {  	_ =	shalt  }
0x76: {  	_ =	shalt  }
0x77: {  	_ =	shalt  }
0x78: {  	_ =	shalt  }
0x79: {  	_ =	shalt  }
0x7a: {  	_ =	shalt  }
0x7b: {  	_ =	shalt  }
0x7c: {  	_ =	shalt  }
0x7d: {  	_ =	shalt  }
0x7e: {  	_ =	shalt  }
0x7f: {  	_ =	shalt  }
0x80: {  	_ =	shalt  }
0x81: {  	_ =	shalt  }
0x82: {  	_ =	shalt  }
0x83: {  	_ =	shalt  }
0x84: {  	_ =	shalt  }
0x85: {  	_ =	shalt  }
0x86: {  	_ =	shalt  }
0x87: {  	_ =	shalt  }
.Lfunc_end0:
.L_simem_size_0:
called_computation.3_lowered:
.L_overlay_start_0:
0x88: {  	s2 =	sld [smem:$0x3FD9]  }
0x89: {  	s3 =	sld [smem:$0x3FFE];
	_ =	sdelay $0x1  }
0x8a: {  	s1 =	srdreg.scid  }
0x8b: {  	s0 =	sand.u32 $0x1, s1  }
0x8c: {  	s14 =	sshll.u32 s0, $0xA;
	s2 =	sadd.s32 s3, s2  }
0x8d: {  	s2 =	sadd.s32 s2, s14  }
0x8e: {  	[smem:$0x3FBD] =	sst s2  }
0x8f: {  	_ = 	snop  }
0x90: {  	s2 =	sld [smem:$0x3FD0]  }
0x91: {  	s15 =	sld [smem:$0x3FC9]  }
0x92: {  	s4 =	sld [smem:$0x3FC8]  }
0x93: {  	s6 =	simm.s32 $0xA;
	s7 =	simm.s32 $0x10;
	s5 =	sld [smem:$0x3FC6]  }
0x94: {  	[smem:s7], [sflag:s6] =	dma.local [hbm:s2], $0x1  }
0x95: {  	_ =	swait.eq [sflag:s6], $0x1  }
0x96: {  	[sflag:s6] =	ssyncset.done $0x0  }
0x97: {  	s16 =	sld [smem:$0x10];
	[sflag:s6] =	ssyncadd.s32 $0xFFFFFFFF  }
0x98: {  	s17 =	sld [smem:$0x11];
	(tm) =	ssettm $0x1  }
0x99: {  	s18 =	sld [smem:$0x3FFB];
	_ =	sdelay $0x3  }
0x9a: {  	_ =	strace s18  }
0x9b: {  	s7 =	sld [smem:$0x3FFC];
	_ =	sdelay $0x3  }
0x9c: {  	_ =	strace s7  }
0x9d: {  	s7 =	sld [smem:$0x3FFD];
	_ =	sdelay $0x3  }
0x9e: {  	_ =	strace s7  }
0x9f: {  	_ =	strace $0x8FFFFFFF  }
0xa0: {  	s19 =	sld [smem:$0x3FDB];
	_ =	sdelay $0x1  }
0xa1: {  	s8 =	simm.s32 $_scs_section_size  }
0xa2: {  	s9 =	simm.s32 $_size__tile_overlayer_lowered;
	s10 =	simm.s32 $_tile_overlayer_lowered  }
0xa3: {  	s22 =	simm.s32 $0x1BFF;
	s21 =	sshll.u32 s10, $0x1;
	s7 =	sadd.s32 s8, s19  }
0xa4: {  	s11 =	simm.s32 $0x0;
	s20 =	sshll.u32 s9, $0x1;
	s9 =	sadd.s32 s21, s7  }
0xa5: {  	[timem:s11], [sflag:s22] =	dma.local [hbm:s9], s20  }
0xa6: {  	_ =	swait.ge [sflag:s22], s20  }
0xa7: {  	s8 =	ssub.s32 $0x0, s20;
	[sflag:s22] =	ssyncset.done $0x0  }
0xa8: {  	[sflag:s22] =	ssyncadd.s32 s8;
	_ =	sdelay $0x1  }
0xa9: {  	s23 =	simm.s32 $0x1B8B  }
0xaa: {  	_ =	swait.ge [sflag:s23], $0x1  }
0xab: {  	[sflag:s23] =	ssyncset.done $0x0  }
0xac: {  	s25 =	simm.s32 $0x1B8E;
	s24 =	sld [smem:$0x3FFE];
	[sflag:s23] =	ssyncadd.s32 $0xFFFFFFFF  }
0xad: {  	s26 =	simm.s32 $execute0_lowered;
	[smem:$0x3FD2] =	sst s25  }
0xae: {  	s9 =	sshll.u32 s26, $0x1;
	_ =	strace $0x8000004F;
	[dreg:$0x1] =	wrdreg $0xFFFFFFFF  }
0xaf: {  	s28 =	simm.s32 $_size_execute0_lowered;
	s7 =	sadd.s32 s7, s9;
	[dreg:$0x0] =	wrdreg $0x0  }
0xb0: {  	s9 =	sshll.u32 s28, $0x1;
	[dreg:$0x2] =	wrdreg s7  }
0xb1: {  	[dreg:$0x3] =	wrdreg s9  }
0xb2: {  	[dreg:$0x4] =	wrdreg $0xC0  }
0xb3: {  	_ =	task [dreg:s11], $0x5FFFF  }
0xb4: {  	[dreg:$0x1] =	wrdreg $0xFFFFFFFF  }
0xb5: {  	[dreg:$0x0] =	wrdreg $0x60  }
0xb6: {  	[dreg:$0x2] =	wrdreg s16  }
0xb7: {  	[dreg:$0x3] =	wrdreg s24  }
0xb8: {  	[dreg:$0x4] =	wrdreg s5  }
0xb9: {  	[dreg:$0x5] =	wrdreg s15  }
0xba: {  	[dreg:$0x6] =	wrdreg s4  }
0xbb: {  	[dreg:$0x7] =	wrdreg s17  }
0xbc: {  	[dreg:$0x8] =	wrdreg $0x9  }
0xbd: {  	_ =	task.clear_ibuf [dreg:s11], $0x9FFFF;
	_ =	strace $0x9000004F  }
0xbe: {  	s29 =	simm.s32 $0x9;
	_ =	strace $0x80000051  }
0xbf: {  	_ =	swait.ge [sflag:s29], $0x1  }
0xc0: {  	[sflag:s29] =	ssyncadd.s32 $0xFFFFFFFF  }
0xc1: {  	_ =	strace $0x90000051  }
0xc2: {  	_ =	sfence  }
0xc3: {  	s30 =	sld [smem:$0x0];
	_ =	sdelay $0x2  }
0xc4: {  	s31 =	sshll.u32 s1, $0xD;
	s1 =	sshrl.u32 s1, $0x2  }
0xc5: {  	s3 =	sand.u32 $0x4000, s31;
	s1 =	sadd.s32 s1, s30  }
0xc6: {  	s0 =	sor.u32 s3, s0;
	s1 =	sshll.u32 s1, $0x11  }
0xc7: {  	s0 =	sor.u32 s1, s0  }
0xc8: {  	s0 =	sadd.s32 $0x8F2B, s0  }
0xc9: {  	[sflag:s0] =	ssyncadd.remote.s32 $0x1  }
0xca: {  	_ =	sfence.sel $0xFFFF  }
0xcb: {  	[dreg:$0x0] =	wrdreg $0xFFFFFFFF;
	(pc) =	sbr.abs _section_cstart, $3  }
0xcc: {  	[dreg:$0x1] =	wrdreg $0xFFFFFFFF  }
0xcd: {  	_ =	task.clear_ibuf [dreg:s11], $0x2FFFF;
	_ =	strace $0x9FFFFFFF  }
0xce: {  	(tm) =	ssettm $0x7FFFFFFF  }
0xcf: {  	_ =	shalt  }
tec
execute0_lowered:
.L_overlay_start_1:
0x0: {  	(tag) =	ssettag $0x1  }
0x1: {  	s0 =	rddreg [dreg:$0x0]  }
0x2: {  	s3 =	rddreg [dreg:$0x1]  }
0x3: {  	s1 =	rddreg [dreg:$0x2]  }
0x4: {  	s2 =	rddreg [dreg:$0x3]  }
0x5: {  	s5 =	srdreg.scid;
	s4 =	rddreg [dreg:$0x4]  }
0x6: {  	s6 =	stileid.u32;
	s9 =	rddreg [dreg:$0x5];
	s16 =	simm.s32 $0x2800  }
0x7: {  	s17 =	simm.s32 $0x2;
	s19 =	simm.s32 $0x50;
	s20 =	simm.s32 $0x2A80  }
0x8: {  	s21 =	simm.s32 $0x1;
	s22 =	simm.s32 $0x2BC0;
	s23 =	simm.s32 $0xCF80  }
0x9: {  	s24 =	simm.s32 $0x2850;
	s29 =	simm.s32 $0x28A0;
	s31 =	simm.s32 $0x2C60  }
0xa: {  	s18 =	simm.s32 $0x2CB0;
	s8 =	sand.u32 $0x1, s5;
	s25 =	sshll.u32 s6, $0x1  }
0xb: {  	s28 =	simm.s32 $0x2F80;
	s30 =	simm.s32 $0x0;
	s7 =	sor.u32 s8, s25  }
0xc: {  	s5 =	simm.s32 $0x0;
	s6 =	sadd.s32 $0xD200, s3;
	s10 =	smul.u32 $0x28, s7  }
0xd: {  	[smem:$0x7FF] =	sst s5;
	s8 =	ssub.s32 $0x2, s8;
	s11 =	smul.u32 $0x1400, s7  }
0xe: {  	_ =	strace $0x80000050;
	s12 =	smul.u32 $0x280, s7;
	s26 =	sshrl.u32 s8, $0x1  }
0xf: {  	s7 =	sadd.s32 $0x4F9000, s3;
	s8 =	ssub.s32 s8, s26;
	s26 =	simm.s32 $0x2C10  }
0x10: {  	s13 =	sadd.s32 s10, s3;
	s14 =	sadd.s32 s11, s3;
	s0 =	sadd.s32 s0, s10  }
0x11: {  	s3 =	sadd.s32 s12, s3;
	s9 =	sadd.s32 s9, s10;
	[dreg:$0x7] =	wrdreg s0  }
0x12: {  	s10 =	sadd.s32 $0x3A00, s13;
	s11 =	sadd.s32 $0x3400, s13;
	s12 =	sadd.s32 $0x17000, s14  }
0x13: {  	s13 =	sadd.s32 $0x4000, s3;
	s14 =	smax.u32 s8, $0x1;
	s0 =	simm.s32 $0x28F0  }
.LBB2_1:
0x14: {  	s3 =	rddreg [dreg:$0x7];
	s8 =	simm.s32 $0x140  }
0x15: {  	[tilespmem:s5], [sflag:$0x2] =	stream.strided.gather [hbm4b:s3+s8], $0x2800, s16, s8, $0x38;
	[tilespmem:$0xE380] =	vst v63  }
0x16: {  	_ =	swait.ge [sflag:s17], $0x2800  }
0x17: {  	[sflag:s17] =	ssyncset.done $0x0  }
0x18: {  	s15 =	simm.s32 $0x0;
	[sflag:s17] =	ssyncadd.s32 $0xFFFFD800  }
0x19: {  	v0 =	vld [tilespmem:s15+$0x0]  }
0x1a: {  	v1 =	vld [tilespmem:s15+$0x140];
	_ =	sdelay $0x1  }
0x1b: {  	v2 =	vld [tilespmem:s15+$0x280];
	_ =	sdelay $0x1  }
0x1c: {  	v3 =	vld [tilespmem:s15+$0x3C0]  }
0x1d: {  	vm0 =	vgt.s32 v0, v1  }
0x1e: {  	v0 =	vsel vm0, v0, v1;
	v1 =	vld [tilespmem:s15+$0x500]  }
0x1f: {  	vm0 =	vgt.s32 v0, v2  }
0x20: {  	v0 =	vsel vm0, v0, v2;
	v2 =	vld [tilespmem:s15+$0x640]  }
0x21: {  	vm0 =	vgt.s32 v0, v3  }
0x22: {  	v0 =	vsel vm0, v0, v3;
	v3 =	vld [tilespmem:s15+$0x780]  }
0x23: {  	vm0 =	vgt.s32 v0, v1  }
0x24: {  	v0 =	vsel vm0, v0, v1;
	v1 =	vld [tilespmem:s15+$0x8C0]  }
0x25: {  	vm0 =	vgt.s32 v0, v2  }
0x26: {  	v0 =	vsel vm0, v0, v2;
	v2 =	vld [tilespmem:s15+$0xA00]  }
0x27: {  	vm0 =	vgt.s32 v0, v3  }
0x28: {  	v0 =	vsel vm0, v0, v3;
	v3 =	vld [tilespmem:s15+$0xB40]  }
0x29: {  	vm0 =	vgt.s32 v0, v1  }
0x2a: {  	v0 =	vsel vm0, v0, v1;
	v1 =	vld [tilespmem:s15+$0xC80]  }
0x2b: {  	vm0 =	vgt.s32 v0, v2  }
0x2c: {  	v0 =	vsel vm0, v0, v2;
	v2 =	vld [tilespmem:s15+$0xDC0]  }
0x2d: {  	vm0 =	vgt.s32 v0, v3  }
0x2e: {  	v0 =	vsel vm0, v0, v3;
	v3 =	vld [tilespmem:s15+$0xF00]  }
0x2f: {  	vm0 =	vgt.s32 v0, v1  }
0x30: {  	v0 =	vsel vm0, v0, v1;
	v1 =	vld [tilespmem:s15+$0x1040]  }
0x31: {  	vm0 =	vgt.s32 v0, v2  }
0x32: {  	v0 =	vsel vm0, v0, v2;
	v2 =	vld [tilespmem:s15+$0x1180]  }
0x33: {  	vm0 =	vgt.s32 v0, v3  }
0x34: {  	v0 =	vsel vm0, v0, v3;
	v3 =	vld [tilespmem:s15+$0x12C0]  }
0x35: {  	v4 =	vld [tilespmem:s15+$0x1540];
	vm0 =	vgt.s32 v0, v1  }
0x36: {  	s3 =	simm.s32 $0x10;
	v0 =	vsel vm0, v0, v1;
	v1 =	vld [tilespmem:s15+$0x1400]  }
0x37: {  	v5 =	vld [tilespmem:s3+$0x0];
	vm0 =	vgt.s32 v0, v2  }
0x38: {  	v6 =	vld [tilespmem:s3+$0x140];
	v0 =	vsel vm0, v0, v2  }
0x39: {  	v7 =	vld [tilespmem:s3+$0x280];
	vm0 =	vgt.s32 v0, v3  }
0x3a: {  	v2 =	vld [tilespmem:s15+$0x1680];
	v0 =	vsel vm0, v0, v3  }
0x3b: {  	v8 =	vld [tilespmem:s3+$0x3C0];
	vm0 =	vgt.s32 v0, v1  }
0x3c: {  	v3 =	vld [tilespmem:s15+$0x17C0];
	v0 =	vsel vm0, v0, v1  }
0x3d: {  	vm0 =	vgt.s32 v5, v6;
	v1 =	vld [tilespmem:s15+$0x1900];
	vm1 =	vgt.s32 v0, v4  }
0x3e: {  	v5 =	vsel vm0, v5, v6;
	v6 =	vld [tilespmem:s3+$0x500];
	v0 =	vsel vm1, v0, v4  }
0x3f: {  	vm0 =	vgt.s32 v5, v7;
	v4 =	vld [tilespmem:s15+$0x1A40];
	vm1 =	vgt.s32 v0, v2  }
0x40: {  	v5 =	vsel vm0, v5, v7;
	v7 =	vld [tilespmem:s3+$0x640];
	v0 =	vsel vm1, v0, v2  }
0x41: {  	vm0 =	vgt.s32 v5, v8;
	v2 =	vld [tilespmem:s15+$0x1B80];
	vm1 =	vgt.s32 v0, v3  }
0x42: {  	v5 =	vsel vm0, v5, v8;
	v8 =	vld [tilespmem:s3+$0x780];
	v0 =	vsel vm1, v0, v3  }
0x43: {  	vm0 =	vgt.s32 v5, v6;
	v3 =	vld [tilespmem:s15+$0x1CC0];
	vm1 =	vgt.s32 v0, v1  }
0x44: {  	v5 =	vsel vm0, v5, v6;
	v6 =	vld [tilespmem:s3+$0x8C0];
	v0 =	vsel vm1, v0, v1  }
0x45: {  	vm0 =	vgt.s32 v5, v7;
	v1 =	vld [tilespmem:s15+$0x1E00];
	vm1 =	vgt.s32 v0, v4  }
0x46: {  	v5 =	vsel vm0, v5, v7;
	v7 =	vld [tilespmem:s3+$0xA00];
	v0 =	vsel vm1, v0, v4  }
0x47: {  	vm0 =	vgt.s32 v5, v8;
	v4 =	vld [tilespmem:s15+$0x1F40];
	vm1 =	vgt.s32 v0, v2  }
0x48: {  	v5 =	vsel vm0, v5, v8;
	v8 =	vld [tilespmem:s3+$0xB40];
	v0 =	vsel vm1, v0, v2  }
0x49: {  	vm0 =	vgt.s32 v5, v6;
	v2 =	vld [tilespmem:s15+$0x2080];
	vm1 =	vgt.s32 v0, v3  }
0x4a: {  	v5 =	vsel vm0, v5, v6;
	v6 =	vld [tilespmem:s3+$0xC80];
	v0 =	vsel vm1, v0, v3  }
0x4b: {  	v9 =	vld [tilespmem:s15+$0x21C0];
	vm0 =	vgt.s32 v5, v7;
	vm1 =	vgt.s32 v0, v1  }
0x4c: {  	v3 =	vsel vm0, v5, v7;
	v5 =	vld [tilespmem:s3+$0xDC0];
	v0 =	vsel vm1, v0, v1  }
0x4d: {  	v7 =	vld [tilespmem:s3+$0xF00];
	vm0 =	vgt.s32 v3, v8;
	vm1 =	vgt.s32 v0, v4  }
0x4e: {  	v1 =	vld [tilespmem:s15+$0x2300];
	v3 =	vsel vm0, v3, v8;
	v0 =	vsel vm1, v0, v4  }
0x4f: {  	v8 =	vld [tilespmem:s15+$0x2440];
	vm0 =	vgt.s32 v3, v6;
	vm1 =	vgt.s32 v0, v2  }
0x50: {  	v4 =	vsel vm0, v3, v6;
	v6 =	vld [tilespmem:s3+$0x1040];
	v0 =	vsel vm1, v0, v2  }
0x51: {  	v3 =	vld [tilespmem:s15+$0x2580];
	vm0 =	vgt.s32 v4, v5;
	vm1 =	vgt.s32 v0, v9  }
0x52: {  	v2 =	vld [tilespmem:s3+$0x1180];
	v4 =	vsel vm0, v4, v5;
	v0 =	vsel vm1, v0, v9  }
0x53: {  	v5 =	vld [tilespmem:s15+$0x26C0];
	vm0 =	vgt.s32 v4, v7;
	vm1 =	vgt.s32 v0, v1  }
0x54: {  	v7 =	vsel vm0, v4, v7;
	v4 =	vld [tilespmem:s3+$0x12C0];
	v1 =	vsel vm1, v0, v1  }
0x55: {  	vm0 =	vgt.s32 v7, v6;
	v0 =	vld [tilespmem:s3+$0x1540];
	vm1 =	vgt.s32 v1, v8  }
0x56: {  	s25 =	simm.s32 $0x20;
	v7 =	vsel vm0, v7, v6;
	v6 =	vld [tilespmem:s3+$0x1400];
	v8 =	vsel vm1, v1, v8  }
0x57: {  	s8 =	simm.s32 $0xC0;
	v1 =	vld [tilespmem:s25+$0x0];
	vm0 =	vgt.s32 v7, v2;
	vm1 =	vgt.s32 v8, v3  }
.LBB2_2:
0x58: {  	p0 =	sne.s32 s8, $0x4C0;
	v9 =	vld [tilespmem:s25+$0x140];
	v2 =	vsel vm0, v7, v2;
	v3 =	vsel vm1, v8, v3  }
0x59: {  	vm0 =	vgt.s32 v2, v4;
	v7 =	vld [tilespmem:s3+$0x1680];
	vm1 =	vgt.s32 v3, v5  }
0x5a: {  	v8 =	vld [tilespmem:s25+$0x280];
	v2 =	vsel vm0, v2, v4;
	v3 =	vsel vm1, v3, v5  }
0x5b: {  	vm0 =	vgt.s32 v2, v6;
	v4 =	vld [tilespmem:s3+$0x17C0];
	[tilespmem:s15+$0x2940] =	vst v3;
	vm1 =	vgt.s32 v3, $0x0  }
0x5c: {  	v5 =	vld [tilespmem:s25+$0x3C0];
	v2 =	vsel vm0, v2, v6;
	v3 =	vnsel vm1, $0x0, v3  }
0x5d: {  	vm0 =	vgt.s32 v1, v9;
	vm1 =	vgt.s32 v2, v0;
	v6 =	vld [tilespmem:s3+$0x1900];
	[tilespmem:s15+$0x2800] =	vst v3;
	s15 =	smov.u32 s3;
	s3 =	smov.u32 s25  }
0x5e: {  	v1 =	vsel vm0, v1, v9;
	v3 =	vld [tilespmem:s3+$0x500];
	v0 =	vsel vm1, v2, v0  }
0x5f: {  	vm0 =	vgt.s32 v1, v8;
	vm1 =	vgt.s32 v0, v7;
	v2 =	vld [tilespmem:s15+$0x1A40]  }
0x60: {  	v1 =	vsel vm0, v1, v8;
	v8 =	vld [tilespmem:s3+$0x640];
	v0 =	vsel vm1, v0, v7  }
0x61: {  	vm0 =	vgt.s32 v1, v5;
	vm1 =	vgt.s32 v0, v4;
	v7 =	vld [tilespmem:s15+$0x1B80]  }
0x62: {  	v1 =	vsel vm0, v1, v5;
	v5 =	vld [tilespmem:s3+$0x780];
	v0 =	vsel vm1, v0, v4  }
0x63: {  	vm0 =	vgt.s32 v1, v3;
	vm1 =	vgt.s32 v0, v6;
	v4 =	vld [tilespmem:s15+$0x1CC0]  }
0x64: {  	v1 =	vsel vm0, v1, v3;
	v3 =	vld [tilespmem:s3+$0x8C0];
	v0 =	vsel vm1, v0, v6  }
0x65: {  	vm0 =	vgt.s32 v1, v8;
	vm1 =	vgt.s32 v0, v2;
	v6 =	vld [tilespmem:s15+$0x1E00]  }
0x66: {  	v1 =	vsel vm0, v1, v8;
	v8 =	vld [tilespmem:s3+$0xA00];
	v0 =	vsel vm1, v0, v2  }
0x67: {  	vm0 =	vgt.s32 v1, v5;
	vm1 =	vgt.s32 v0, v7;
	v2 =	vld [tilespmem:s15+$0x1F40]  }
0x68: {  	v1 =	vsel vm0, v1, v5;
	v5 =	vld [tilespmem:s3+$0xB40];
	v0 =	vsel vm1, v0, v7  }
0x69: {  	vm0 =	vgt.s32 v1, v3;
	vm1 =	vgt.s32 v0, v4;
	v7 =	vld [tilespmem:s15+$0x2080]  }
0x6a: {  	v1 =	vsel vm0, v1, v3;
	v3 =	vld [tilespmem:s3+$0xC80];
	v0 =	vsel vm1, v0, v4  }
0x6b: {  	vm0 =	vgt.s32 v1, v8;
	vm1 =	vgt.s32 v0, v6;
	v4 =	vld [tilespmem:s15+$0x21C0]  }
0x6c: {  	v1 =	vsel vm0, v1, v8;
	v8 =	vld [tilespmem:s3+$0xDC0];
	v0 =	vsel vm1, v0, v6  }
0x6d: {  	vm0 =	vgt.s32 v1, v5;
	vm1 =	vgt.s32 v0, v2;
	v6 =	vld [tilespmem:s15+$0x2300]  }
0x6e: {  	v1 =	vsel vm0, v1, v5;
	v9 =	vld [tilespmem:s3+$0xF00];
	v0 =	vsel vm1, v0, v2  }
0x6f: {  	vm0 =	vgt.s32 v1, v3;
	vm1 =	vgt.s32 v0, v7;
	v10 =	vld [tilespmem:s15+$0x2440]  }
0x70: {  	v1 =	vsel vm0, v1, v3;
	v11 =	vld [tilespmem:s3+$0x1040];
	v0 =	vsel vm1, v0, v7  }
0x71: {  	vm0 =	vgt.s32 v1, v8;
	vm1 =	vgt.s32 v0, v4;
	v3 =	vld [tilespmem:s15+$0x2580]  }
0x72: {  	v1 =	vsel vm0, v1, v8;
	v2 =	vld [tilespmem:s3+$0x1180];
	v0 =	vsel vm1, v0, v4  }
.Ltmp0:
0x73: {  	vm0 =	vgt.s32 v1, v9;
	vm1 =	vgt.s32 v0, v6;
	v5 =	vld [tilespmem:s15+$0x26C0];
	(pc) =	sbr.rel @p0 .LBB2_2-.Ltmp0, $4  }
0x74: {  	v1 =	vsel vm0, v1, v9;
	v4 =	vld [tilespmem:s3+$0x12C0];
	v8 =	vsel vm1, v0, v6  }
0x75: {  	vm0 =	vgt.s32 v1, v11;
	v0 =	vld [tilespmem:s3+$0x1540];
	vm1 =	vgt.s32 v8, v10  }
0x76: {  	s25 =	sshra.s32 s8, $0x2;
	v7 =	vsel vm0, v1, v11;
	v6 =	vld [tilespmem:s3+$0x1400];
	v8 =	vsel vm1, v8, v10  }
0x77: {  	s8 =	sadd.s32 $0x40, s8;
	v1 =	vld [tilespmem:s25+$0x0];
	vm0 =	vgt.s32 v7, v2;
	vm1 =	vgt.s32 v8, v3  }
0x78: {  	v9 =	vld [tilespmem:s25+$0x140];
	v3 =	vsel vm1, v8, v3  }
0x79: {  	v40 =	vld [tilespmem:s3+$0x1680];
	vm1 =	vgt.s32 v3, v5  }
0x7a: {  	v10 =	vld [tilespmem:s25+$0x280];
	v2 =	vsel vm0, v7, v2;
	v3 =	vsel vm1, v3, v5  }
0x7b: {  	v41 =	vld [tilespmem:s3+$0x17C0];
	vm0 =	vgt.s32 v2, v4;
	[tilespmem:s15+$0x2940] =	vst v3;
	vm1 =	vgt.s32 v3, $0x0  }
0x7c: {  	v2 =	vsel vm0, v2, v4;
	v42 =	vld [tilespmem:s25+$0x3C0];
	v3 =	vnsel vm1, $0x0, v3  }
0x7d: {  	vm0 =	vgt.s32 v2, v6;
	v43 =	vld [tilespmem:s3+$0x1900];
	[tilespmem:s15+$0x2800] =	vst v3;
	vm14 =	vgt.s32 v1, v9  }
0x7e: {  	v2 =	vsel vm0, v2, v6;
	v1 =	vsel vm14, v1, v9;
	v3 =	vld [tilespmem:s25+$0x500]  }
0x7f: {  	vm0 =	vgt.s32 v2, v0;
	vm1 =	vgt.s32 v1, v10  }
0x80: {  	v0 =	vsel vm0, v2, v0;
	v2 =	vld [tilespmem:s25+$0x640];
	v1 =	vsel vm1, v1, v10  }
0x81: {  	v44 =	vld [tilespmem:s3+$0x1A40];
	vm0 =	vgt.s32 v0, v40;
	vm1 =	vgt.s32 v1, v42  }
0x82: {  	v45 =	vld [tilespmem:s25+$0x780];
	v0 =	vsel vm0, v0, v40;
	v1 =	vsel vm1, v1, v42  }
0x83: {  	v46 =	vld [tilespmem:s3+$0x1B80];
	vm0 =	vgt.s32 v0, v41;
	vm1 =	vgt.s32 v1, v3  }
0x84: {  	v0 =	vsel vm0, v0, v41;
	v1 =	vsel vm1, v1, v3;
	v3 =	vld [tilespmem:s25+$0x8C0]  }
0x85: {  	v47 =	vld [tilespmem:s3+$0x1CC0];
	vm0 =	vgt.s32 v0, v43;
	vm1 =	vgt.s32 v1, v2  }
0x86: {  	v0 =	vsel vm0, v0, v43;
	v1 =	vsel vm1, v1, v2;
	v2 =	vld [tilespmem:s25+$0xA00]  }
0x87: {  	v48 =	vld [tilespmem:s3+$0x1E00];
	vm0 =	vgt.s32 v0, v44;
	vm1 =	vgt.s32 v1, v45  }
0x88: {  	v49 =	vld [tilespmem:s25+$0xB40];
	v0 =	vsel vm0, v0, v44;
	v1 =	vsel vm1, v1, v45  }
0x89: {  	v50 =	vld [tilespmem:s3+$0x1F40];
	vm0 =	vgt.s32 v0, v46;
	vm1 =	vgt.s32 v1, v3  }
0x8a: {  	v0 =	vsel vm0, v0, v46;
	v1 =	vsel vm1, v1, v3;
	v3 =	vld [tilespmem:s25+$0xC80]  }
0x8b: {  	v51 =	vld [tilespmem:s3+$0x2080];
	vm0 =	vgt.s32 v0, v47;
	vm1 =	vgt.s32 v1, v2  }
0x8c: {  	v0 =	vsel vm0, v0, v47;
	v1 =	vsel vm1, v1, v2;
	v2 =	vld [tilespmem:s25+$0xDC0]  }
0x8d: {  	v52 =	vld [tilespmem:s3+$0x21C0];
	vm0 =	vgt.s32 v0, v48;
	vm1 =	vgt.s32 v1, v49  }
0x8e: {  	v53 =	vld [tilespmem:s25+$0xF00];
	v0 =	vsel vm0, v0, v48;
	v1 =	vsel vm1, v1, v49  }
0x8f: {  	v54 =	vld [tilespmem:s3+$0x2300];
	vm0 =	vgt.s32 v0, v50;
	vm1 =	vgt.s32 v1, v3  }
0x90: {  	v0 =	vsel vm0, v0, v50;
	v1 =	vsel vm1, v1, v3;
	v3 =	vld [tilespmem:s25+$0x1040]  }
0x91: {  	v55 =	vld [tilespmem:s3+$0x2440];
	vm0 =	vgt.s32 v0, v51;
	vm1 =	vgt.s32 v1, v2  }
0x92: {  	v0 =	vsel vm0, v0, v51;
	v1 =	vsel vm1, v1, v2;
	v2 =	vld [tilespmem:s25+$0x1180]  }
0x93: {  	v56 =	vld [tilespmem:s3+$0x2580];
	vm0 =	vgt.s32 v0, v52;
	vm1 =	vgt.s32 v1, v53  }
0x94: {  	v57 =	vld [tilespmem:s25+$0x12C0];
	v0 =	vsel vm0, v0, v52;
	v1 =	vsel vm1, v1, v53  }
0x95: {  	v58 =	vld [tilespmem:s3+$0x26C0];
	vm0 =	vgt.s32 v0, v54;
	vm1 =	vgt.s32 v1, v3  }
0x96: {  	v0 =	vsel vm0, v0, v54;
	v1 =	vsel vm1, v1, v3;
	v3 =	vld [tilespmem:s25+$0x1400]  }
0x97: {  	vm0 =	vgt.s32 v0, v55;
	vm1 =	vgt.s32 v1, v2  }
0x98: {  	v59 =	vld [tilespmem:s25+$0x1540];
	v0 =	vsel vm0, v0, v55;
	v1 =	vsel vm1, v1, v2  }
0x99: {  	vm0 =	vgt.s32 v0, v56;
	vm1 =	vgt.s32 v1, v57  }
0x9a: {  	v0 =	vsel vm0, v0, v56;
	v2 =	vld [tilespmem:s25+$0x1680];
	v1 =	vsel vm1, v1, v57  }
0x9b: {  	vm0 =	vgt.s32 v0, v58;
	vm1 =	vgt.s32 v1, v3  }
0x9c: {  	v60 =	vld [tilespmem:s25+$0x17C0];
	v0 =	vsel vm0, v0, v58;
	v1 =	vsel vm1, v1, v3  }
0x9d: {  	[tilespmem:s3+$0x2940] =	vst v0;
	vm0 =	vgt.s32 v0, $0x0;
	vm1 =	vgt.s32 v1, v59  }
0x9e: {  	v0 =	vnsel vm0, $0x0, v0;
	v3 =	vld [tilespmem:s25+$0x1900];
	v1 =	vsel vm1, v1, v59  }
0x9f: {  	[tilespmem:s3+$0x2800] =	vst v0;
	vm15 =	vgt.s32 v1, v2  }
0xa0: {  	v0 =	vld [tilespmem:s25+$0x1A40];
	v1 =	vsel vm15, v1, v2  }
0xa1: {  	vm0 =	vgt.s32 v1, v60  }
0xa2: {  	v2 =	vld [tilespmem:s25+$0x1B80];
	v1 =	vsel vm0, v1, v60  }
0xa3: {  	vm0 =	vgt.s32 v1, v3  }
0xa4: {  	v61 =	vld [tilespmem:s25+$0x1CC0];
	v1 =	vsel vm0, v1, v3  }
0xa5: {  	vm0 =	vgt.s32 v1, v0  }
0xa6: {  	v3 =	vld [tilespmem:s25+$0x1E00];
	v0 =	vsel vm0, v1, v0  }
0xa7: {  	vm0 =	vgt.s32 v0, v2  }
0xa8: {  	v1 =	vld [tilespmem:s25+$0x1F40];
	v0 =	vsel vm0, v0, v2  }
0xa9: {  	vm0 =	vgt.s32 v0, v61  }
0xaa: {  	v2 =	vld [tilespmem:s25+$0x2080];
	v0 =	vsel vm0, v0, v61  }
0xab: {  	vm0 =	vgt.s32 v0, v3  }
0xac: {  	v62 =	vld [tilespmem:s25+$0x21C0];
	v0 =	vsel vm0, v0, v3  }
0xad: {  	vm0 =	vgt.s32 v0, v1  }
0xae: {  	v3 =	vld [tilespmem:s25+$0x2300];
	v0 =	vsel vm0, v0, v1  }
0xaf: {  	vm0 =	vgt.s32 v0, v2  }
0xb0: {  	v1 =	vld [tilespmem:s25+$0x2440];
	v0 =	vsel vm0, v0, v2  }
0xb1: {  	vm0 =	vgt.s32 v0, v62  }
0xb2: {  	v2 =	vld [tilespmem:s25+$0x2580];
	v0 =	vsel vm0, v0, v62  }
0xb3: {  	vm0 =	vgt.s32 v0, v3  }
0xb4: {  	v63 =	vld [tilespmem:s25+$0x26C0];
	v0 =	vsel vm0, v0, v3  }
0xb5: {  	vm0 =	vgt.s32 v0, v1  }
0xb6: {  	v0 =	vsel vm0, v0, v1  }
0xb7: {  	vm0 =	vgt.s32 v0, v2  }
0xb8: {  	v0 =	vsel vm0, v0, v2  }
0xb9: {  	vm0 =	vgt.s32 v0, v63  }
0xba: {  	v0 =	vsel vm0, v0, v63  }
0xbb: {  	vm0 =	vgt.s32 v0, $0x0  }
0xbc: {  	[tilespmem:s25+$0x2940] =	vst v0;
	v0 =	vnsel vm0, $0x0, v0  }
0xbd: {  	s8 =	simm.s32 $0x2940;
	s15 =	simm.s32 $0x0;
	[tilespmem:s25+$0x2800] =	vst v0  }
0xbe: {  	[hbm4b:s9+s15] =	stream.linear.scatter [tilespmem:s8], [sflag:$0x2], $0x140, $0x38;
	[tilespmem:$0xE380] =	vst v63  }
0xbf: {  	_ =	swait.ge [sflag:s17], $0x140  }
0xc0: {  	[sflag:s17] =	ssyncset.done $0x0  }
0xc1: {  	[sflag:s17] =	ssyncadd.s32 $0xFFFFFEC0  }
0xc2: {  	[tilespmem:s20], [sflag:$0x1] =	stream.indirect.gather [hbm4b:s1+s19], $0x1, s16, s19, $0xb8;
	[tilespmem:$0xE380] =	vst v63  }
0xc3: {  	_ =	swait.ge [sflag:s21], $0x50  }
0xc4: {  	[sflag:s21] =	ssyncset.done $0x0  }
0xc5: {  	[sflag:s21] =	ssyncadd.s32 $0xFFFFFFB0  }
0xc6: {  	[tilespmem:s22], [sflag:$0x1] =	stream.indirect.gather [hbm4b:s6+s19], $0x1, s16, s19, $0xb8;
	[tilespmem:$0xE380] =	vst v63  }
0xc7: {  	_ =	swait.ge [sflag:s21], $0x50  }
0xc8: {  	[sflag:s21] =	ssyncset.done $0x0  }
0xc9: {  	[sflag:s21] =	ssyncadd.s32 $0xFFFFFFB0  }
0xca: {  	[tilespmem:s23], [sflag:$0x1] =	stream.indirect.gather [hbm4b:s7+s19], $0x10, s16, s19, $0xb8;
	[tilespmem:$0xE380] =	vst v63  }
0xcb: {  	_ =	swait.ge [sflag:s21], $0x500  }
0xcc: {  	[sflag:s21] =	ssyncset.done $0x0  }
0xcd: {  	s25 =	simm.s32 $0x2AD0;
	[sflag:s21] =	ssyncadd.s32 $0xFFFFFB00  }
0xce: {  	[tilespmem:s25], [sflag:$0x1] =	stream.indirect.gather [hbm4b:s1+s19], $0x1, s24, s19, $0xb8;
	[tilespmem:$0xE380] =	vst v63  }
0xcf: {  	_ =	swait.ge [sflag:s21], $0x50  }
0xd0: {  	[sflag:s21] =	ssyncset.done $0x0  }
0xd1: {  	[sflag:s21] =	ssyncadd.s32 $0xFFFFFFB0  }
0xd2: {  	[tilespmem:s26], [sflag:$0x1] =	stream.indirect.gather [hbm4b:s6+s19], $0x1, s24, s19, $0xb8;
	[tilespmem:$0xE380] =	vst v63  }
0xd3: {  	_ =	swait.ge [sflag:s21], $0x50  }
0xd4: {  	[sflag:s21] =	ssyncset.done $0x0  }
0xd5: {  	s8 =	simm.s32 $0xD480;
	[sflag:s21] =	ssyncadd.s32 $0xFFFFFFB0  }
0xd6: {  	[tilespmem:s8], [sflag:$0x1] =	stream.indirect.gather [hbm4b:s7+s19], $0x10, s24, s19, $0xb8;
	[tilespmem:$0xE380] =	vst v63  }
0xd7: {  	_ =	swait.ge [sflag:s21], $0x500  }
0xd8: {  	[sflag:s21] =	ssyncset.done $0x0  }
0xd9: {  	s15 =	simm.s32 $0x2B20;
	[sflag:s21] =	ssyncadd.s32 $0xFFFFFB00  }
0xda: {  	[tilespmem:s15], [sflag:$0x1] =	stream.indirect.gather [hbm4b:s1+s19], $0x1, s29, s19, $0xb8;
	[tilespmem:$0xE380] =	vst v63  }
0xdb: {  	_ =	swait.ge [sflag:s21], $0x50  }
0xdc: {  	[sflag:s21] =	ssyncset.done $0x0  }
0xdd: {  	[sflag:s21] =	ssyncadd.s32 $0xFFFFFFB0  }
0xde: {  	[tilespmem:s31], [sflag:$0x1] =	stream.indirect.gather [hbm4b:s6+s19], $0x1, s29, s19, $0xb8;
	[tilespmem:$0xE380] =	vst v63  }
0xdf: {  	_ =	swait.ge [sflag:s21], $0x50  }
0xe0: {  	[sflag:s21] =	ssyncset.done $0x0  }
0xe1: {  	s25 =	simm.s32 $0xD980;
	[sflag:s21] =	ssyncadd.s32 $0xFFFFFFB0  }
0xe2: {  	[tilespmem:s25], [sflag:$0x1] =	stream.indirect.gather [hbm4b:s7+s19], $0x10, s29, s19, $0xb8;
	[tilespmem:$0xE380] =	vst v63  }
0xe3: {  	_ =	swait.ge [sflag:s21], $0x500  }
0xe4: {  	[sflag:s21] =	ssyncset.done $0x0  }
0xe5: {  	s8 =	simm.s32 $0x2B70;
	[sflag:s21] =	ssyncadd.s32 $0xFFFFFB00  }
0xe6: {  	[tilespmem:s8], [sflag:$0x1] =	stream.indirect.gather [hbm4b:s1+s19], $0x1, s0, s19, $0xb8;
	[tilespmem:$0xE380] =	vst v63  }
0xe7: {  	_ =	swait.ge [sflag:s21], $0x50  }
0xe8: {  	[sflag:s21] =	ssyncset.done $0x0  }
0xe9: {  	[sflag:s21] =	ssyncadd.s32 $0xFFFFFFB0  }
0xea: {  	[tilespmem:s18], [sflag:$0x1] =	stream.indirect.gather [hbm4b:s6+s19], $0x1, s0, s19, $0xb8;
	[tilespmem:$0xE380] =	vst v63  }
0xeb: {  	_ =	swait.ge [sflag:s21], $0x50  }
0xec: {  	[sflag:s21] =	ssyncset.done $0x0  }
0xed: {  	s15 =	simm.s32 $0xDE80;
	[sflag:s21] =	ssyncadd.s32 $0xFFFFFFB0  }
0xee: {  	[tilespmem:s15], [sflag:$0x1] =	stream.indirect.gather [hbm4b:s7+s19], $0x10, s0, s19, $0xb8;
	[tilespmem:$0xE380] =	vst v63  }
0xef: {  	_ =	swait.ge [sflag:s21], $0x500  }
0xf0: {  	[sflag:s21] =	ssyncset.done $0x0  }
0xf1: {  	[sflag:s21] =	ssyncadd.s32 $0xFFFFFB00  }
0xf2: {  	[tilespmem:s28], [sflag:$0x1] =	stream.indirect.gather [hbm4b:s2+s19], $0x80, s22, s19, $0xb8;
	[tilespmem:$0xE380] =	vst v63  }
0xf3: {  	_ =	swait.ge [sflag:s21], $0x2800  }
0xf4: {  	[sflag:s21] =	ssyncset.done $0x0  }
0xf5: {  	s25 =	simm.s32 $0x2D00;
	[sflag:s21] =	ssyncadd.s32 $0xFFFFD800  }
0xf6: {  	[tilespmem:s25], [sflag:$0x1] =	stream.indirect.gather [hbm4b:s4+s19], $0x1, s22, s19, $0xb8;
	[tilespmem:$0xE380] =	vst v63  }
0xf7: {  	_ =	swait.ge [sflag:s21], $0x50  }
0xf8: {  	[sflag:s21] =	ssyncset.done $0x0  }
0xf9: {  	s8 =	simm.s32 $0x5780;
	[sflag:s21] =	ssyncadd.s32 $0xFFFFFFB0  }
0xfa: {  	[tilespmem:s8], [sflag:$0x1] =	stream.indirect.gather [hbm4b:s2+s19], $0x80, s26, s19, $0xb8;
	[tilespmem:$0xE380] =	vst v63  }
0xfb: {  	_ =	swait.ge [sflag:s21], $0x2800  }
0xfc: {  	[sflag:s21] =	ssyncset.done $0x0  }
0xfd: {  	s15 =	simm.s32 $0x2D50;
	[sflag:s21] =	ssyncadd.s32 $0xFFFFD800  }
0xfe: {  	[tilespmem:s15], [sflag:$0x1] =	stream.indirect.gather [hbm4b:s4+s19], $0x1, s26, s19, $0xb8;
	[tilespmem:$0xE380] =	vst v63  }
0xff: {  	_ =	swait.ge [sflag:s21], $0x50  }
0x100: {  	[sflag:s21] =	ssyncset.done $0x0  }
0x101: {  	s25 =	simm.s32 $0x7F80;
	[sflag:s21] =	ssyncadd.s32 $0xFFFFFFB0  }
0x102: {  	[tilespmem:s25], [sflag:$0x1] =	stream.indirect.gather [hbm4b:s2+s19], $0x80, s31, s19, $0xb8;
	[tilespmem:$0xE380] =	vst v63  }
0x103: {  	_ =	swait.ge [sflag:s21], $0x2800  }
0x104: {  	[sflag:s21] =	ssyncset.done $0x0  }
0x105: {  	s8 =	simm.s32 $0x2DA0;
	[sflag:s21] =	ssyncadd.s32 $0xFFFFD800  }
0x106: {  	[tilespmem:s8], [sflag:$0x1] =	stream.indirect.gather [hbm4b:s4+s19], $0x1, s31, s19, $0xb8;
	[tilespmem:$0xE380] =	vst v63  }
0x107: {  	_ =	swait.ge [sflag:s21], $0x50  }
0x108: {  	[sflag:s21] =	ssyncset.done $0x0  }
0x109: {  	s15 =	simm.s32 $0xA780;
	[sflag:s21] =	ssyncadd.s32 $0xFFFFFFB0  }
0x10a: {  	[tilespmem:s15], [sflag:$0x1] =	stream.indirect.gather [hbm4b:s2+s19], $0x80, s18, s19, $0xb8;
	[tilespmem:$0xE380] =	vst v63  }
0x10b: {  	_ =	swait.ge [sflag:s21], $0x2800  }
0x10c: {  	[sflag:s21] =	ssyncset.done $0x0  }
0x10d: {  	s25 =	simm.s32 $0x2DF0;
	[sflag:s21] =	ssyncadd.s32 $0xFFFFD800  }
0x10e: {  	[tilespmem:s25], [sflag:$0x1] =	stream.indirect.gather [hbm4b:s4+s19], $0x1, s18, s19, $0xb8;
	[tilespmem:$0xE380] =	vst v63  }
0x10f: {  	_ =	swait.ge [sflag:s21], $0x50  }
0x110: {  	[sflag:s21] =	ssyncset.done $0x0  }
0x111: {  	s3 =	simm.s32 $0x0;
	[sflag:s21] =	ssyncadd.s32 $0xFFFFFFB0  }
0x112: {  	v0 =	vld [tilespmem:s3+$0x2A80]  }
0x113: {  	s8 =	simm.s32 $0x40;
	v1 =	vld [tilespmem:s3+$0x2D00]  }
.LBB2_4:
0x114: {  	_ = 	snop  }
0x115: {  	p0 =	sne.s32 s8, $0x4C0  }
.Ltmp1:
0x116: {  	_ = 	snop;
	(pc) =	sbr.rel @p0 .LBB2_4-.Ltmp1, $4  }
0x117: {  	_ = 	snop  }
0x118: {  	s15 =	sshra.s32 s8, $0x2;
	v2 =	vsub.f32 v0, v1  }
0x119: {  	v0 =	vld [tilespmem:s15+$0x2A80]  }
0x11a: {  	s8 =	sadd.s32 $0x40, s8;
	v1 =	vld [tilespmem:s15+$0x2D00];
	[tilespmem:s3+$0x2E40] =	vst v2;
	s3 =	smov.u32 s15  }
0x11b: {  	_ =	sdelay $0x3  }
0x11c: {  	v0 =	vsub.f32 v0, v1;
	_ =	sdelay $0x1  }
0x11d: {  	[tilespmem:s3+$0x2E40] =	vst v0  }
0x11e: {  	[hbm4b:s10+s5] =	stream.linear.scatter [tilespmem:s20], [sflag:$0x2], $0x140, $0x38;
	[tilespmem:$0xE380] =	vst v63  }
0x11f: {  	_ =	swait.ge [sflag:s17], $0x140  }
0x120: {  	[sflag:s17] =	ssyncset.done $0x0  }
0x121: {  	s25 =	simm.s32 $0x2E40;
	[sflag:s17] =	ssyncadd.s32 $0xFFFFFEC0  }
0x122: {  	[hbm4b:s11+s5] =	stream.linear.scatter [tilespmem:s25], [sflag:$0x2], $0x140, $0x38;
	[tilespmem:$0xE380] =	vst v63  }
0x123: {  	_ =	swait.ge [sflag:s17], $0x140  }
0x124: {  	[sflag:s17] =	ssyncset.done $0x0  }
0x125: {  	[sflag:s17] =	ssyncadd.s32 $0xFFFFFEC0  }
0x126: {  	[hbm4b:s12+s5] =	stream.linear.scatter [tilespmem:s28], [sflag:$0x2], $0xA000, $0x38;
	[tilespmem:$0xE380] =	vst v63  }
0x127: {  	s30 =	sadd.s32 $0x1, s30;
	_ =	swait.ge [sflag:s17], $0xA000  }
0x128: {  	p0 =	sne.s32 s30, s14;
	[sflag:s17] =	ssyncset.done $0x0  }
.Ltmp2:
0x129: {  	[sflag:s17] =	ssyncadd.s32 $0xFFFF6000;
	(pc) =	sbr.rel @p0 .LBB2_1-.Ltmp2, $4  }
0x12a: {  	[hbm4b:s13+s5] =	stream.linear.scatter [tilespmem:s23], [sflag:$0x2], $0x1400, $0x38;
	[tilespmem:$0xE380] =	vst v63  }
0x12b: {  	_ =	swait.ge [sflag:s17], $0x1400  }
0x12c: {  	[sflag:s17] =	ssyncset.done $0x0  }
0x12d: {  	[sflag:s17] =	ssyncadd.s32 $0xFFFFEC00  }
0x12e: {  	_ =	sfence.sel $0x180000  }
0x12f: {  	[bflag:$0x0] =	sbarrier.arrive $0xFFFF  }
0x130: {  	_ =	strace $0x90000050  }
0x131: {  	s0 =	stileid.u32;
	[bflag:$0x2] =	sbarrier.arrive $0xFFFF  }
0x132: {  	p0 =	sne.s32 s0, $0x0;
	s0 =	rddreg [dreg:$0x6]  }
0x133: {  	s0 =	sadd.s32 @!p0 $0x100000, s0  }
0x134: {  	[sflag:s0] =	ssyncadd.tile.s32 @!p0 $0x1;
	_ =	shalt  }
.Lfunc_end2:
_tile_overlayer_lowered:
.L_overlay_start_2:
0x135: {  	(tag) =	ssettag $0x2  }
0x136: {  	s0 =	rddreg [dreg:$0x0];
	s2 =	stileid.u32  }
0x137: {  	s1 =	rddreg [dreg:$0x1];
	p0 =	sne.s32 s2, $0x0  }
0x138: {  	s3 =	rddreg [dreg:$0x2];
	[bflag:$0x3] =	sbarrier.arrive $0xFFFF;
	s2 =	simm.s32 @!p0 $0x1C02  }
0x139: {  	[timem:s3], [sflag:s2] =	dma.local @!p0 [hbm:s0], s1  }
0x13a: {  	s0 =	simm.s32 @!p0 $0x2  }
0x13b: {  	_ =	swait.ge @!p0 [sflag:s0], s1  }
0x13c: {  	s1 =	ssub.s32 @!p0 $0x0, s1;
	[sflag:s0] =	ssyncset.done @!p0 $0x0  }
0x13d: {  	[sflag:s0] =	ssyncadd.s32 @!p0 s1  }
0x13e: {  	[bflag:$0x3] =	sbarrier.arrive $0xFFFF  }
0x13f: {  	_ =	shalt  }

// kernel: kernel.7.cloned.1.call-start
scs
__scs_entry_jumppad:
0x0: {  	(pc) =	sbr.rel $0x88, $3  }
0x1: {  	(tag) =	ssettag $0x0;
	lr =	simm.s32 $0x1  }
0x2: {  	[smem:$0x3F96] =	sst lr;
	_ =	strace $0xD0000000  }
0x3: {  	_ = 	snop  }
0x4: {  	_ = 	snop  }
0x5: {  	_ = 	snop  }
0x6: {  	_ = 	snop  }
0x7: {  	_ = 	snop  }
__scs_overlays_trampoline_lowered:
0x8: {  	[smem:$0x3FA5] =	sst s0  }
0x9: {  	[smem:$0x3FA6] =	sst s1  }
0xa: {  	[smem:$0x3FA7] =	sst s2  }
0xb: {  	[smem:$0x3FA8] =	sst s3  }
0xc: {  	[smem:$0x3FA9] =	sst s4  }
0xd: {  	[smem:$0x3FAA] =	sst s5  }
0xe: {  	[smem:$0x3FAB] =	sst s6  }
0xf: {  	[smem:$0x3FAC] =	sst s7  }
0x10: {  	[smem:$0x3FAD] =	sst s8  }
0x11: {  	[smem:$0x3FAE] =	sst s9;
	s0 =	simm.s32 @!p0 $0x0  }
0x12: {  	s1 =	sld [smem:$0x3F94];
	s0 =	simm.s32 @p0 $0x1  }
0x13: {  	[smem:$0x3FAF] =	sst s0;
	s0 =	simm.s32 @!p1 $0x0  }
0x14: {  	s2 =	sld [smem:$0x3F93];
	s0 =	simm.s32 @p1 $0x1  }
0x15: {  	[smem:$0x3FB0] =	sst s0;
	s0 =	simm.s32 @!p2 $0x0  }
0x16: {  	s3 =	sld [smem:$0x3FDB];
	s0 =	simm.s32 @p2 $0x1  }
0x17: {  	s4 =	simm.s32 $0x1BF5;
	[smem:$0x3FB2] =	sst s0  }
0x18: {  	s0 =	sld [smem:$0x3F95];
	_ =	swait.ge [sflag:s4], $0x0  }
0x19: {  	s7 =	sld [smem:$0x3F96]  }
0x1a: {  	s8 =	sadd.s32 $0xFFFFE003, lr  }
0x1b: {  	s9 =	sadd.s32 $0xFFFFFEF7, lr;
	s5 =	simm.s32 $0xFFFFFFFF;
	p2 =	slt.u32 s8, $0xFFFFF086  }
0x1c: {  	p1 =	slt.u32 s9, $0xF7A;
	s5 =	simm.s32 @!p2 $0x0  }
0x1d: {  	s5 =	simm.s32 @p1 $0x1;
	p0 =	seq.s32 s7, s2  }
0x1e: {  	s7 =	smul.u32 @!p0 $0xF7A, s2;
	p2 =	seq.s32 @!p0 s5, $0x0  }
0x1f: {  	s9 =	smul.u32 $0xF7A, s1;
	s8 =	simm.s32 @!p0 $0x1BF5;
	p2 =	por !p2, p0  }
0x20: {  	[sflag:s8] =	ssyncset.s32 @!p0 $0xFFFFF086;
	s6 =	sadd.s32 @!p0 s3, s7;
	s7 =	simm.s32 @!p0 $0x108  }
0x21: {  	s3 =	sadd.s32 s3, s9;
	s6 =	sadd.s32 @!p0 $0x88, s6;
	s7 =	simm.s32 @p2 $0x1082  }
0x22: {  	[simem:s7], [sflag:s8] =	dma.local @!p0 [hbm:s6], $0xF7A  }
0x23: {  	s9 =	sor.u32 $0xD0000000, s2;
	s6 =	simm.s32 $0x108;
	_ =	swait.ge @!p0 [sflag:s8], $0x0  }
0x24: {  	s3 =	sadd.s32 $0x88, s3;
	s6 =	simm.s32 @!p1 $0x1082;
	[sflag:s4] =	ssyncset.s32 $0xFFFFF086  }
0x25: {  	[simem:s6], [sflag:s4] =	dma.local [hbm:s3], $0xF7A  }
0x26: {  	[smem:$0x3F96] =	sst s1;
	(tag) =	ssettag s2;
	_ =	strace s9  }
0x27: {  	s1 =	sld [smem:$0x3FA6]  }
0x28: {  	s2 =	sld [smem:$0x3FA7]  }
0x29: {  	s4 =	sld [smem:$0x3FA9]  }
0x2a: {  	p0 =	seq.s32 s5, $0x0;
	s5 =	sld [smem:$0x3FAA]  }
0x2b: {  	s6 =	sld [smem:$0x3FAB]  }
0x2c: {  	s7 =	sld [smem:$0x3FAC]  }
0x2d: {  	s3 =	simm.s32 $0x108;
	s8 =	sld [smem:$0x3FAD]  }
0x2e: {  	s3 =	simm.s32 @!p0 $0x1082;
	s9 =	sld [smem:$0x3FAE]  }
0x2f: {  	lr =	sadd.s32 s0, s3;
	s0 =	sld [smem:$0x3FA5]  }
0x30: {  	s3 =	sld [smem:$0x3FA8]  }
0x31: {  	[smem:$0x3FB1] =	sst s10  }
0x32: {  	s10 =	sld [smem:$0x3FAF];
	_ =	sdelay $0x3  }
0x33: {  	p0 =	seq.s32 s10, $0x1;
	s10 =	sld [smem:$0x3FB1];
	_ =	sdelay $0x3  }
0x34: {  	[smem:$0x3FB1] =	sst s10  }
0x35: {  	s10 =	sld [smem:$0x3FB0];
	_ =	sdelay $0x3  }
0x36: {  	p1 =	seq.s32 s10, $0x1;
	s10 =	sld [smem:$0x3FB1];
	_ =	sdelay $0x3  }
0x37: {  	[smem:$0x3FB1] =	sst s10  }
0x38: {  	s10 =	sld [smem:$0x3FB2]  }
0x39: {  	_ = 	snop;
	(pc) =	sbr.ind lr, $3  }
0x3a: {  	_ = 	snop  }
0x3b: {  	_ = 	snop  }
0x3c: {  	p2 =	seq.s32 s10, $0x1;
	s10 =	sld [smem:$0x3FB1]  }
0x3d: {  	_ =	shalt  }
0x3e: {  	_ =	shalt  }
0x3f: {  	_ =	shalt  }
0x40: {  	_ =	shalt  }
0x41: {  	_ =	shalt  }
0x42: {  	_ =	shalt  }
0x43: {  	_ =	shalt  }
0x44: {  	_ =	shalt  }
0x45: {  	_ =	shalt  }
0x46: {  	_ =	shalt  }
0x47: {  	_ =	shalt  }
0x48: {  	_ =	shalt  }
0x49: {  	_ =	shalt  }
0x4a: {  	_ =	shalt  }
0x4b: {  	_ =	shalt  }
0x4c: {  	_ =	shalt  }
0x4d: {  	_ =	shalt  }
0x4e: {  	_ =	shalt  }
0x4f: {  	_ =	shalt  }
0x50: {  	_ =	shalt  }
0x51: {  	_ =	shalt  }
0x52: {  	_ =	shalt  }
0x53: {  	_ =	shalt  }
0x54: {  	_ =	shalt  }
0x55: {  	_ =	shalt  }
0x56: {  	_ =	shalt  }
0x57: {  	_ =	shalt  }
0x58: {  	_ =	shalt  }
0x59: {  	_ =	shalt  }
0x5a: {  	_ =	shalt  }
0x5b: {  	_ =	shalt  }
0x5c: {  	_ =	shalt  }
0x5d: {  	_ =	shalt  }
0x5e: {  	_ =	shalt  }
0x5f: {  	_ =	shalt  }
0x60: {  	_ =	shalt  }
0x61: {  	_ =	shalt  }
0x62: {  	_ =	shalt  }
0x63: {  	_ =	shalt  }
0x64: {  	_ =	shalt  }
0x65: {  	_ =	shalt  }
0x66: {  	_ =	shalt  }
0x67: {  	_ =	shalt  }
0x68: {  	_ =	shalt  }
0x69: {  	_ =	shalt  }
0x6a: {  	_ =	shalt  }
0x6b: {  	_ =	shalt  }
0x6c: {  	_ =	shalt  }
0x6d: {  	_ =	shalt  }
0x6e: {  	_ =	shalt  }
0x6f: {  	_ =	shalt  }
0x70: {  	_ =	shalt  }
0x71: {  	_ =	shalt  }
0x72: {  	_ =	shalt  }
0x73: {  	_ =	shalt  }
0x74: {  	_ =	shalt  }
0x75: {  	_ =	shalt  }
0x76: {  	_ =	shalt  }
0x77: {  	_ =	shalt  }
0x78: {  	_ =	shalt  }
0x79: {  	_ =	shalt  }
0x7a: {  	_ =	shalt  }
0x7b: {  	_ =	shalt  }
0x7c: {  	_ =	shalt  }
0x7d: {  	_ =	shalt  }
0x7e: {  	_ =	shalt  }
0x7f: {  	_ =	shalt  }
0x80: {  	_ =	shalt  }
0x81: {  	_ =	shalt  }
0x82: {  	_ =	shalt  }
0x83: {  	_ =	shalt  }
0x84: {  	_ =	shalt  }
0x85: {  	_ =	shalt  }
0x86: {  	_ =	shalt  }
0x87: {  	_ =	shalt  }
.Lfunc_end0:
.L_simem_size_0:
called_computation_lowered:
.L_overlay_start_0:
0x88: {  	s2 =	sld [smem:$0x3FD9]  }
0x89: {  	s3 =	sld [smem:$0x3FFE];
	_ =	sdelay $0x1  }
0x8a: {  	s1 =	srdreg.scid  }
0x8b: {  	s0 =	sand.u32 $0x1, s1  }
0x8c: {  	s14 =	sshll.u32 s0, $0xA;
	s2 =	sadd.s32 s3, s2  }
0x8d: {  	s2 =	sadd.s32 s2, s14  }
0x8e: {  	[smem:$0x3FBD] =	sst s2  }
0x8f: {  	_ = 	snop  }
0x90: {  	s2 =	sld [smem:$0x3FD0];
	_ =	sdelay $0x2  }
0x91: {  	s4 =	simm.s32 $0xA;
	s5 =	simm.s32 $0x10;
	s15 =	sld [smem:$0x3FC6]  }
0x92: {  	[smem:s5], [sflag:s4] =	dma.local [hbm:s2], $0x1  }
0x93: {  	_ =	swait.eq [sflag:s4], $0x1  }
0x94: {  	[sflag:s4] =	ssyncset.done $0x0  }
0x95: {  	[sflag:s4] =	ssyncadd.s32 $0xFFFFFFFF  }
0x96: {  	s16 =	sld [smem:$0x10];
	(tm) =	ssettm $0x1  }
0x97: {  	s17 =	sld [smem:$0x3FFB];
	_ =	sdelay $0x3  }
0x98: {  	_ =	strace s17  }
0x99: {  	s4 =	sld [smem:$0x3FFC];
	_ =	sdelay $0x3  }
0x9a: {  	_ =	strace s4  }
0x9b: {  	s4 =	sld [smem:$0x3FFD];
	_ =	sdelay $0x3  }
0x9c: {  	_ =	strace s4  }
0x9d: {  	_ =	strace $0x8FFFFFFF  }
0x9e: {  	s18 =	sld [smem:$0x3FDB];
	_ =	sdelay $0x1  }
0x9f: {  	s19 =	simm.s32 $_scs_section_size  }
0xa0: {  	s6 =	simm.s32 $_size__tile_overlayer_lowered;
	s7 =	simm.s32 $_tile_overlayer_lowered  }
0xa1: {  	s22 =	simm.s32 $0x1BFF;
	s21 =	sshll.u32 s7, $0x1;
	s4 =	sadd.s32 s19, s18  }
0xa2: {  	s8 =	simm.s32 $0x0;
	s20 =	sshll.u32 s6, $0x1;
	s6 =	sadd.s32 s21, s4  }
0xa3: {  	[timem:s8], [sflag:s22] =	dma.local [hbm:s6], s20  }
0xa4: {  	_ =	swait.ge [sflag:s22], s20  }
0xa5: {  	s5 =	ssub.s32 $0x0, s20;
	[sflag:s22] =	ssyncset.done $0x0  }
0xa6: {  	[sflag:s22] =	ssyncadd.s32 s5;
	_ =	sdelay $0x1  }
0xa7: {  	s23 =	simm.s32 $0x1B8B  }
0xa8: {  	_ =	swait.ge [sflag:s23], $0x1  }
0xa9: {  	[sflag:s23] =	ssyncset.done $0x0  }
0xaa: {  	s25 =	simm.s32 $0x1B8E;
	s24 =	sld [smem:$0x3FFE];
	[sflag:s23] =	ssyncadd.s32 $0xFFFFFFFF  }
0xab: {  	s26 =	simm.s32 $execute0_lowered;
	[smem:$0x3FD2] =	sst s25  }
0xac: {  	s6 =	sshll.u32 s26, $0x1;
	_ =	strace $0x80000046;
	[dreg:$0x1] =	wrdreg $0xFFFFFFFF  }
0xad: {  	s28 =	simm.s32 $_size_execute0_lowered;
	s4 =	sadd.s32 s4, s6;
	[dreg:$0x0] =	wrdreg $0x0  }
0xae: {  	s6 =	sshll.u32 s28, $0x1;
	[dreg:$0x2] =	wrdreg s4  }
0xaf: {  	[dreg:$0x3] =	wrdreg s6  }
0xb0: {  	[dreg:$0x4] =	wrdreg $0xC0  }
0xb1: {  	_ =	task [dreg:s8], $0x5FFFF  }
0xb2: {  	[dreg:$0x1] =	wrdreg $0xFFFFFFFF  }
0xb3: {  	[dreg:$0x0] =	wrdreg $0x60  }
0xb4: {  	[dreg:$0x2] =	wrdreg s24  }
0xb5: {  	[dreg:$0x3] =	wrdreg s15  }
0xb6: {  	[dreg:$0x4] =	wrdreg s16  }
0xb7: {  	[dreg:$0x5] =	wrdreg $0x9  }
0xb8: {  	_ =	task.clear_ibuf [dreg:s8], $0x6FFFF;
	_ =	strace $0x90000046  }
0xb9: {  	s29 =	simm.s32 $0x9;
	_ =	strace $0x80000048  }
0xba: {  	_ =	swait.ge [sflag:s29], $0x1  }
0xbb: {  	[sflag:s29] =	ssyncadd.s32 $0xFFFFFFFF  }
0xbc: {  	_ =	strace $0x90000048  }
0xbd: {  	_ =	sfence  }
0xbe: {  	s30 =	sld [smem:$0x0];
	_ =	sdelay $0x2  }
0xbf: {  	s31 =	sshll.u32 s1, $0xD;
	s1 =	sshrl.u32 s1, $0x2  }
0xc0: {  	s3 =	sand.u32 $0x4000, s31;
	s1 =	sadd.s32 s1, s30  }
0xc1: {  	s0 =	sor.u32 s3, s0;
	s1 =	sshll.u32 s1, $0x11  }
0xc2: {  	s0 =	sor.u32 s1, s0  }
0xc3: {  	s0 =	sadd.s32 $0x8F2B, s0  }
0xc4: {  	[sflag:s0] =	ssyncadd.remote.s32 $0x1  }
0xc5: {  	_ =	sfence.sel $0xFFFF  }
0xc6: {  	[dreg:$0x0] =	wrdreg $0xFFFFFFFF;
	(pc) =	sbr.abs _section_cstart, $3  }
0xc7: {  	[dreg:$0x1] =	wrdreg $0xFFFFFFFF  }
0xc8: {  	_ =	task.clear_ibuf [dreg:s8], $0x2FFFF;
	_ =	strace $0x9FFFFFFF  }
0xc9: {  	(tm) =	ssettm $0x7FFFFFFF  }
tec
execute0_lowered:
.L_overlay_start_1:
0x0: {  	(tag) =	ssettag $0x1  }
0x1: {  	v0 =	vimm.s32 $0xFEDCBA9;
	v1 =	vimm.s32 $0x87654321  }
0x2: {  	v0 =	vunpack.c.l.s4.s8 v0;
	v1 =	vunpack.c.l.s4.s8 v1  }
0x3: {  	v2 =	vimm.s32 $0x10FEDCBA  }
0x4: {  	v4 =	vimm.s32 $0xBA987654;
	v0 =	vunpack.c.0.s8.s32 v0;
	v1 =	vunpack.c.0.s8.s32 v1  }
0x5: {  	v5 =	vimm.s32 $0xFEDCBA98;
	v6 =	vimm.s32 $0x76543210;
	v2 =	vunpack.c.l.s4.s8 v2  }
0x6: {  	s3 =	rddreg [dreg:$0x0];
	v7 =	vimm.s32 $0xEDCBA987;
	v4 =	vunpack.c.l.s4.s8 v4;
	v3 =	vcombine.low v1, v0  }
0x7: {  	s4 =	rddreg [dreg:$0x1];
	s1 =	srdreg.scid;
	v0 =	vunpack.c.0.s8.s32 v2;
	v1 =	vimm.s32 $0x98765432;
	v2 =	vimm.s32 $0x3210FEDC  }
0x8: {  	s0 =	stileid.u32;
	s5 =	rddreg [dreg:$0x2];
	v5 =	vunpack.c.l.s4.s8 v5;
	v1 =	vunpack.c.l.s4.s8 v1;
	v2 =	vunpack.c.l.s4.s8 v2  }
0x9: {  	s2 =	simm.s32 $0x0;
	v8 =	vimm.s32 $0x6543210F;
	s6 =	sand.u32 $0x1, s1;
	s7 =	sshll.u32 s0, $0x1;
	v6 =	vunpack.c.l.s4.s8 v6;
	v4 =	vunpack.c.0.s8.s32 v4  }
0xa: {  	s10 =	simm.s32 $0x0;
	s1 =	rddreg [dreg:$0x3];
	s7 =	sor.u32 s6, s7;
	v5 =	vunpack.c.0.s8.s32 v5;
	v1 =	vunpack.c.0.s8.s32 v1;
	v2 =	vunpack.c.0.s8.s32 v2  }
0xb: {  	[smem:$0x7FF] =	sst s2;
	v7 =	vunpack.c.l.s4.s8 v7;
	v8 =	vunpack.c.l.s4.s8 v8;
	s6 =	ssub.s32 $0x2, s6;
	s8 =	smul.u32 $0x4E2, s7;
	v6 =	vunpack.c.0.s8.s32 v6  }
0xc: {  	_ =	strace $0x80000047;
	s9 =	sshrl.u32 s6, $0x1;
	s7 =	smul.u32 $0x500, s7;
	v9 =	vcombine.low v1, v0;
	v4 =	vcombine.low v4, v2;
	v0 =	vand.u32 $0xF, v5  }
0xd: {  	s6 =	ssub.s32 s6, s9;
	s9 =	simm.s32 $0x4E20;
	s3 =	sadd.s32 s8, s3;
	v5 =	vunpack.c.0.s8.s32 v7;
	v0 =	vcombine.low v0, v6;
	v6 =	vunpack.c.0.s8.s32 v8  }
0xe: {  	vm0 =	vmmov $0x1;
	s4 =	sadd.s32 s4, s8;
	s5 =	sadd.s32 s5, s7;
	s6 =	smax.u32 s6, $0x1;
	v1 =	vimm.f32 $-Inf;
	v2 =	vand.u32 $0xF, v3  }
0xf: {  	s7 =	simm.s32 $0x1;
	s8 =	simm.s32 $0x2710;
	s3 =	sadd.s32 $0x3400, s3;
	v3 =	vand.u32 $0xF, v9;
	v4 =	vand.u32 $0xF, v4;
	v5 =	vcombine.low v6, v5  }
.LBB2_1:
0x10: {  	[tilespmem:s2], [sflag:$0x1] =	stream.linear.gather [hbm4b:s3+s2], $0x2710, $0x38;
	[tilespmem:$0x7620] =	vst v63  }
0x11: {  	_ =	swait.ge [sflag:s7], $0x2710  }
0x12: {  	[sflag:s7] =	ssyncset.done $0x0  }
0x13: {  	[sflag:s7] =	ssyncadd.s32 $0xFFFFD8F0  }
0x14: {  	[tilespmem:s8], [sflag:$0x1] =	stream.linear.gather [hbm4b:s4+s2], $0x2710, $0x38;
	[tilespmem:$0x7620] =	vst v63  }
0x15: {  	_ =	swait.ge [sflag:s7], $0x2710  }
0x16: {  	[sflag:s7] =	ssyncset.done $0x0  }
0x17: {  	s11 =	simm.s32 $0x0;
	[sflag:s7] =	ssyncadd.s32 $0xFFFFD8F0  }
.LBB2_2:
0x18: {  	p0 =	sne.s32 s11, $0x9FC0  }
.Ltmp0:
0x19: {  	_ = 	snop;
	(pc) =	sbr.rel @p0 .LBB2_2-.Ltmp0, $3  }
0x1a: {  	_ =	sdelay $0x1  }
0x1b: {  	s12 =	sshra.s32 s11, $0x2  }
0x1c: {  	s11 =	sadd.s32 $0x40, s11;
	[tilespmem:s12+$0x4E20] =	vst v1  }
0x1d: {  	s12 =	simm.s32 $0x0;
	s11 =	simm.s32 $0x40  }
.LBB2_4:
0x1e: {  	p0 =	sne.s32 s11, $0x9C00;
	v6 =	vld [tilespmem:s12+$0x0]  }
0x1f: {  	v7 =	vld [tilespmem:s12+$0x2710];
	_ =	sdelay $0x3  }
0x20: {  	v6 =	vxor.u32 $0x80000000, v6  }
0x21: {  	(xrf1) =	vsort.ascd.msk.u32 $0xffff, v6, v7;
	_ =	sdelay $0xd  }
0x22: {  	v6, v7, _ =	vpop (xrf1)  }
0x23: {  	v6 =	vxor.u32 $0x80000000, v6  }
0x24: {  	v9 =	vperm.xlane v7, v2;
	v8 =	vperm.xlane v6, v2;
	_ =	sdelay $0x1  }
0x25: {  	vm1 =	veq.s32 v6, v8;
	v8 =	vmax.f32 v7, v9  }
0x26: {  	v7 =	vsel vm1, v8, v7  }
0x27: {  	v8 =	vperm.xlane v6, v3;
	v9 =	vperm.xlane v7, v3;
	_ =	sdelay $0x1  }
0x28: {  	vm1 =	veq.s32 v6, v8;
	v8 =	vmax.f32 v7, v9  }
0x29: {  	v7 =	vsel vm1, v8, v7;
	v8 =	vperm.xlane v6, v4  }
0x2a: {  	v10 =	vperm.xlane v6, v5;
	v9 =	vperm.xlane v7, v4;
	_ =	sdelay $0x1  }
0x2b: {  	vm2 =	vne.s32 v6, v10;
	vm1 =	veq.s32 v6, v8;
	v8 =	vmax.f32 v7, v9;
	v9 =	vld.idx.msk [tilespmem:v6+s9+$0x0], $0xffff  }
0x2c: {  	v7 =	vsel vm1, v8, v7;
	vm1 =	vmor vm2, vm0  }
0x2d: {  	v8 =	vperm.xlane v6, v0;
	v10 =	vperm.xlane v7, v0  }
.Ltmp1:
0x2e: {  	(pc) =	sbr.rel @p0 .LBB2_4-.Ltmp1, $4  }
0x2f: {  	vm2 =	veq.s32 v6, v8;
	v8 =	vmax.f32 v7, v10  }
0x30: {  	v7 =	vsel vm2, v8, v7  }
0x31: {  	v7 =	vmax.f32 v9, v7  }
0x32: {  	s12 =	sshra.s32 s11, $0x2;
	s11 =	sadd.s32 $0x40, s11;
	[tilespmem:v6+s9+$0x0] =	vst.idx.msk vm1, v7  }
0x33: {  	v6 =	vld [tilespmem:s12+$0x0]  }
0x34: {  	v7 =	vld [tilespmem:s12+$0x2710];
	_ =	sdelay $0x3  }
0x35: {  	v6 =	vxor.u32 $0x80000000, v6  }
0x36: {  	(xrf1) =	vsort.ascd.msk.u32 $0xffff, v6, v7;
	_ =	sdelay $0xd  }
0x37: {  	v6, v7, _ =	vpop (xrf1)  }
0x38: {  	v6 =	vxor.u32 $0x80000000, v6  }
0x39: {  	v9 =	vperm.xlane v7, v2;
	v8 =	vperm.xlane v6, v2;
	_ =	sdelay $0x1  }
0x3a: {  	v53 =	vmax.f32 v7, v9;
	vm1 =	veq.s32 v6, v8  }
0x3b: {  	v7 =	vsel vm1, v53, v7  }
0x3c: {  	v54 =	vperm.xlane v6, v3;
	v55 =	vperm.xlane v7, v3;
	_ =	sdelay $0x1  }
0x3d: {  	vm1 =	veq.s32 v6, v54;
	v56 =	vmax.f32 v7, v55  }
0x3e: {  	v57 =	vperm.xlane v6, v4;
	v7 =	vsel vm1, v56, v7  }
0x3f: {  	v10 =	vperm.xlane v6, v5;
	v58 =	vperm.xlane v7, v4;
	_ =	sdelay $0x1  }
0x40: {  	vm2 =	vne.s32 v6, v10;
	vm1 =	veq.s32 v6, v57;
	v59 =	vmax.f32 v7, v58  }
0x41: {  	v60 =	vld.idx.msk [tilespmem:v6+s9+$0x0], $0xffff;
	v7 =	vsel vm1, v59, v7;
	vm1 =	vmor vm2, vm0  }
0x42: {  	v61 =	vperm.xlane v6, v0;
	v62 =	vperm.xlane v7, v0;
	_ =	sdelay $0x1  }
0x43: {  	vm2 =	veq.s32 v6, v61;
	v63 =	vmax.f32 v7, v62  }
0x44: {  	s10 =	sadd.s32 $0x1, s10;
	v7 =	vsel vm2, v63, v7  }
0x45: {  	p0 =	sne.s32 s10, s6;
	v7 =	vmax.f32 v60, v7  }
.Ltmp2:
0x46: {  	[tilespmem:v6+s9+$0x0] =	vst.idx.msk vm1, v7;
	(pc) =	sbr.rel @p0 .LBB2_1-.Ltmp2, $4  }
0x47: {  	[hbm4b:s5+s2] =	stream.linear.scatter [tilespmem:s9], [sflag:$0x1], $0x2800, $0x38;
	[tilespmem:$0x7620] =	vst v63  }
0x48: {  	_ =	swait.ge [sflag:s7], $0x2800  }
0x49: {  	[sflag:s7] =	ssyncset.done $0x0  }
0x4a: {  	[sflag:s7] =	ssyncadd.s32 $0xFFFFD800  }
0x4b: {  	_ =	sfence.sel $0x180000  }
0x4c: {  	[bflag:$0x0] =	sbarrier.arrive $0xFFFF  }
0x4d: {  	p0 =	sne.s32 s0, $0x0;
	_ =	strace $0x90000047  }
0x4e: {  	s0 =	sadd.s32 @!p0 $0x100000, s1;
	[bflag:$0x2] =	sbarrier.arrive $0xFFFF  }
0x4f: {  	[sflag:s0] =	ssyncadd.tile.s32 @!p0 $0x1;
	_ =	shalt  }
.Lfunc_end2:
_tile_overlayer_lowered:
.L_overlay_start_2:
0x50: {  	(tag) =	ssettag $0x2  }
0x51: {  	s0 =	rddreg [dreg:$0x0];
	s2 =	stileid.u32  }
0x52: {  	s1 =	rddreg [dreg:$0x1];
	p0 =	sne.s32 s2, $0x0  }
0x53: {  	s3 =	rddreg [dreg:$0x2];
	[bflag:$0x3] =	sbarrier.arrive $0xFFFF;
	s2 =	simm.s32 @!p0 $0x1C01  }
0x54: {  	[timem:s3], [sflag:s2] =	dma.local @!p0 [hbm:s0], s1  }
0x55: {  	s0 =	simm.s32 @!p0 $0x1  }
0x56: {  	_ =	swait.ge @!p0 [sflag:s0], s1  }
0x57: {  	s1 =	ssub.s32 @!p0 $0x0, s1;
	[sflag:s0] =	ssyncset.done @!p0 $0x0  }
0x58: {  	[sflag:s0] =	ssyncadd.s32 @!p0 s1  }
0x59: {  	[bflag:$0x3] =	sbarrier.arrive $0xFFFF  }
0x5a: {  	_ =	shalt  }

</sc_bundles>
